<compile_context>
chip_gen: v7x
topology: tpu7x:2x2x1
jax: 0.10.2.dev20260603
libtpu: 0.0.44.dev20260713+nightly
codegen_flags: <defaults>
</compile_context>

<pallas_src>
import functools

import jax
import jax.numpy as jnp
from jax import lax
from jax.experimental import pallas as pl
from jax.experimental.pallas import tpu as pltpu
from jax.experimental.pallas import tpu_sc as plsc

ND = 10000
ED = 160000
DM = 128
NC = 2
NS = 16
NW = NC * NS
CH = 128
NCH = ED // CH
MAXCH_W = (NCH + NW - 1) // NW
NDP = 10240
RPT = NDP // NS

DMW = DM // 2

NBLK = 1000
EBLK = 1600


def _silu(x):
    return x * (1.0 / (1.0 + jnp.exp(-x)))


def _ln(h, g, b):
    m = jnp.mean(h, axis=-1, keepdims=True)
    v = jnp.mean((h - m) ** 2, axis=-1, keepdims=True)
    return (h - m) * lax.rsqrt(v + 1e-5) * g + b



def _prep_body(xs_ref, xd_ref, wi_ref, wj_ref, nw1s_ref, nb1_ref, nw2_ref,
               nb2_ref, g_ref, b_ref, pd_ref, ps_ref, ns_ref):
    xs = xs_ref[...]
    xd = xd_ref[...]
    pd_ref[...] = jnp.dot(xd, wi_ref[...], preferred_element_type=jnp.float32)
    ps_ref[...] = jnp.dot(xs, wj_ref[...], preferred_element_type=jnp.float32)
    z = jnp.dot(xs, nw1s_ref[...], preferred_element_type=jnp.float32) + nb1_ref[...]
    h = jnp.dot(_silu(z), nw2_ref[...], preferred_element_type=jnp.float32) + nb2_ref[...]
    ns_ref[...] = _ln(h, g_ref[...], b_ref[...]) + xs


def _edge_body(z_ref, ea_ref, we_ref, b1_ref, w2_ref, b2_ref, g_ref,
               b_ref, out_ref):
    ea = ea_ref[...]
    z = (z_ref[...]
         + jnp.dot(ea.astype(jnp.bfloat16), we_ref[...],
                   preferred_element_type=jnp.float32) + b1_ref[...])
    h = jnp.dot(_silu(z).astype(jnp.bfloat16), w2_ref[...],
                preferred_element_type=jnp.float32) + b2_ref[...]
    out_ref[...] = _ln(h, g_ref[...], b_ref[...]) + ea


def _ndst_body(xd_ref, p0_ref, p1_ref, w1a_ref, w1b_ref, nb1_ref, nw2_ref,
               nb2_ref, g_ref, b_ref, out_ref):
    xd = xd_ref[...]
    agg = p0_ref[...] + p1_ref[...]
    z = (jnp.dot(xd, w1a_ref[...], preferred_element_type=jnp.float32)
         + jnp.dot(agg, w1b_ref[...], preferred_element_type=jnp.float32)
         + nb1_ref[...])
    h = jnp.dot(_silu(z), nw2_ref[...], preferred_element_type=jnp.float32) + nb2_ref[...]
    out_ref[...] = _ln(h, g_ref[...], b_ref[...]) + xd


def _row_spec(blk):
    return pl.BlockSpec((blk, DM), lambda i: (i, 0))


def _w_spec():
    return pl.BlockSpec((DM, DM), lambda i: (0, 0))


def _b_spec():
    return pl.BlockSpec((1, DM), lambda i: (0, 0))


_prep_call = pl.pallas_call(
    _prep_body,
    grid=(ND // NBLK,),
    in_specs=[_row_spec(NBLK), _row_spec(NBLK),
              _w_spec(), _w_spec(), _w_spec(), _b_spec(), _w_spec(),
              _b_spec(), _b_spec(), _b_spec()],
    out_specs=[_row_spec(NBLK), _row_spec(NBLK), _row_spec(NBLK)],
    out_shape=[jax.ShapeDtypeStruct((ND, DM), jnp.float32)] * 3,
)

@functools.cache
def _edge_call(ne, blk_off):
    ea_spec = pl.BlockSpec((EBLK, DM), lambda i: (i + blk_off, 0))
    return pl.pallas_call(
        _edge_body,
        grid=(ne // EBLK,),
        in_specs=[_row_spec(EBLK), ea_spec,
                  _w_spec(), _b_spec(), _w_spec(), _b_spec(), _b_spec(),
                  _b_spec()],
        out_specs=_row_spec(EBLK),
        out_shape=jax.ShapeDtypeStruct((ne, DM), jnp.float32),
    )

_ndst_call = pl.pallas_call(
    _ndst_body,
    grid=(ND // NBLK,),
    in_specs=[_row_spec(NBLK), _row_spec(NBLK), _row_spec(NBLK),
              _w_spec(), _w_spec(), _b_spec(), _w_spec(), _b_spec(),
              _b_spec(), _b_spec()],
    out_specs=_row_spec(NBLK),
    out_shape=jax.ShapeDtypeStruct((ND, DM), jnp.float32),
)



def _make_gather_body(nch, ebase):
    def gather_body(pd_hbm, ps_hbm, src_hbm, dst_hbm, z_hbm,
                    sidx0, sidx1, didx0, didx1, ra0, ra1, rb0, rb1,
                    si0, si1, sga0, sga1, sgb0, sgb1):
        cid = lax.axis_index("c")
        sid = lax.axis_index("s")
        wid = sid * NC + cid
        sidx = (sidx0, sidx1)
        didx = (didx0, didx1)
        ra = (ra0, ra1)
        rb = (rb0, rb1)
        si = (si0, si1)
        sga = (sga0, sga1)
        sgb = (sgb0, sgb1)

        def chunk_of(g):
            return g * NW + wid

        def idx_start(g, p):
            base = ebase + chunk_of(g) * CH
            pltpu.async_copy(src_hbm.at[pl.ds(base, CH)], sidx[p], si[p])
            pltpu.async_copy(dst_hbm.at[pl.ds(base, CH)], didx[p], si[p])

        def idx_wait(g, p):
            base = ebase + chunk_of(g) * CH
            pltpu.make_async_copy(src_hbm.at[pl.ds(base, CH)], sidx[p], si[p]).wait()
            pltpu.make_async_copy(dst_hbm.at[pl.ds(base, CH)], didx[p], si[p]).wait()

        def gather_start(p):
            pltpu.async_copy(ps_hbm.at[sidx[p]], ra[p], sga[p])
            pltpu.async_copy(pd_hbm.at[didx[p]], rb[p], sgb[p])

        def gather_wait(p):
            pltpu.make_async_copy(ps_hbm.at[sidx[p]], ra[p], sga[p]).wait()
            pltpu.make_async_copy(pd_hbm.at[didx[p]], rb[p], sgb[p]).wait()

        idx_start(0, 0)
        idx_wait(0, 0)
        gather_start(0)
        idx_start(1, 1)

        def iter_body(i, carry):
            for k in (0, 1):
                g = 2 * i + k
                p = k
                q = 1 - k
                gv = chunk_of(g) < nch

                @pl.when(gv)
                def _():
                    gather_wait(p)

                @pl.when(chunk_of(g + 1) < nch)
                def _():
                    idx_wait(g + 1, q)
                    gather_start(q)

                @pl.when(chunk_of(g + 2) < nch)
                def _():
                    idx_start(g + 2, p)

                @pl.when(gv)
                def _():
                    def add_row(r, c2):
                        for j in range(DM // 16):
                            sl = pl.ds(j * 16, 16)
                            ra[p][r, sl] = ra[p][r, sl] + rb[p][r, sl]
                        return c2

                    lax.fori_loop(0, CH, add_row, 0)
                    pltpu.sync_copy(ra[p], z_hbm.at[pl.ds(chunk_of(g) * CH, CH)])

            return carry

        maxch = (nch + NW - 1) // NW
        lax.fori_loop(0, (maxch + 1) // 2, iter_body, 0)

    return gather_body


@functools.cache
def _sc_mesh():
    return plsc.VectorSubcoreMesh(core_axis_name="c", subcore_axis_name="s",
                                  num_cores=NC, num_subcores=NS)


@functools.cache
def _gather_call(ne, ebase):
    return functools.partial(
        pl.kernel,
        out_type=jax.ShapeDtypeStruct((ne, DM), jnp.float32),
        mesh=_sc_mesh(),
        scratch_types=[
            pltpu.VMEM((CH,), jnp.int32),
            pltpu.VMEM((CH,), jnp.int32),
            pltpu.VMEM((CH,), jnp.int32),
            pltpu.VMEM((CH,), jnp.int32),
            pltpu.VMEM((CH, DM), jnp.float32),
            pltpu.VMEM((CH, DM), jnp.float32),
            pltpu.VMEM((CH, DM), jnp.float32),
            pltpu.VMEM((CH, DM), jnp.float32),
            pltpu.SemaphoreType.DMA,
            pltpu.SemaphoreType.DMA,
            pltpu.SemaphoreType.DMA,
            pltpu.SemaphoreType.DMA,
            pltpu.SemaphoreType.DMA,
            pltpu.SemaphoreType.DMA,
        ],
    )(_make_gather_body(ne // CH, ebase))


NW_SC = NS


def _make_scatter_body(nch, ebase):
    def scatter_body(en_hbm, dst_hbm, out_hbm, idx0, idx1, rows0, rows1,
                     si0, si1, sr0, sr1, sc0, sc1, acc):
        sid = lax.axis_index("s")
        wid = sid
        idx = (idx0, idx1)
        rows = (rows0, rows1)
        si = (si0, si1)
        sr = (sr0, sr1)
        sc = (sc0, sc1)

        def zrow(r, c):
            for j in range(DM // 16):
                rows0[r, pl.ds(j * 16, 16)] = jnp.zeros((16,), jnp.float32)
            return c

        lax.fori_loop(0, CH, zrow, 0)
        for k in range(RPT // CH):
            pltpu.sync_copy(rows0, acc.at[pl.ds(sid * RPT + k * CH, CH)])
        plsc.subcore_barrier()

        def chunk_of(g):
            return g * NW_SC + wid

        def read_start(g, p):
            base = chunk_of(g) * CH
            pltpu.async_copy(dst_hbm.at[pl.ds(ebase + base, CH)], idx[p], si[p])
            pltpu.async_copy(en_hbm.at[pl.ds(base, CH)], rows[p], sr[p])

        def read_wait(g, p):
            base = chunk_of(g) * CH
            pltpu.make_async_copy(dst_hbm.at[pl.ds(ebase + base, CH)],
                                  idx[p], si[p]).wait()
            pltpu.make_async_copy(en_hbm.at[pl.ds(base, CH)],
                                  rows[p], sr[p]).wait()

        read_start(0, 0)

        def body(i, c):
            for k in (0, 1):
                g = 2 * i + k
                p = k
                q = 1 - k

                prev_ok = chunk_of(g - 1) < nch
                if k == 0:
                    prev_ok = (i > 0) & prev_ok

                @pl.when(prev_ok)
                def _():
                    pltpu.make_async_copy(rows[q], acc.at[idx[q]], sc[q]).wait()

                gv = chunk_of(g) < nch

                @pl.when(gv & (chunk_of(g + 1) < nch))
                def _():
                    read_start(g + 1, q)

                @pl.when(gv)
                def _():
                    read_wait(g, p)
                    pltpu.async_copy(rows[p], acc.at[idx[p]], sc[p], add=True)

            return c

        maxch = (nch + NW_SC - 1) // NW_SC
        lax.fori_loop(0, (maxch + 1) // 2 + 1, body, 0)
        plsc.subcore_barrier()
        pltpu.sync_copy(acc.at[pl.ds(sid * RPT, RPT)],
                        out_hbm.at[pl.ds(sid * RPT, RPT)])

    return scatter_body


@functools.cache
def _scatter_mesh():
    return plsc.VectorSubcoreMesh(core_axis_name="c", subcore_axis_name="s",
                                  num_cores=1, num_subcores=NS)


@functools.cache
def _scatter_call(ne, ebase):
    return functools.partial(
        pl.kernel,
        out_type=jax.ShapeDtypeStruct((NDP, DM), jnp.float32),
        mesh=_scatter_mesh(),
        scratch_types=[
            pltpu.VMEM((CH,), jnp.int32),
            pltpu.VMEM((CH,), jnp.int32),
            pltpu.VMEM((CH, DM), jnp.float32),
            pltpu.VMEM((CH, DM), jnp.float32),
            pltpu.SemaphoreType.DMA,
            pltpu.SemaphoreType.DMA,
            pltpu.SemaphoreType.DMA,
            pltpu.SemaphoreType.DMA,
            pltpu.SemaphoreType.DMA,
            pltpu.SemaphoreType.DMA,
            pltpu.VMEM_SHARED((NDP, DM), jnp.float32),
        ],
    )(_make_scatter_body(ne // CH, ebase))


def kernel(x_src, x_dst, edge_attr, edge_index,
           conv_w1, conv_b1, conv_w2, conv_b2, conv_ln_g, conv_ln_b,
           node_w1, node_b1, node_w2, node_b2, node_ln_g, node_ln_b):
    src = edge_index[0]
    dst = edge_index[1]
    wi = conv_w1[:DM]
    wj = conv_w1[DM:2 * DM]
    we = conv_w1[2 * DM:]
    nw1a = node_w1[:DM]
    nw1b = node_w1[DM:]
    nw1s = nw1a + nw1b
    cb1 = conv_b1.reshape(1, DM)
    cb2 = conv_b2.reshape(1, DM)
    cg = conv_ln_g.reshape(1, DM)
    cb = conv_ln_b.reshape(1, DM)
    nb1 = node_b1.reshape(1, DM)
    nb2 = node_b2.reshape(1, DM)
    ng = node_ln_g.reshape(1, DM)
    nb = node_ln_b.reshape(1, DM)

    pd, ps, nodes_new_src = _prep_call(
        x_src, x_dst, wi, wj, nw1s, nb1, node_w2, nb2, ng, nb)

    e2 = ED // 2
    web = we.astype(jnp.bfloat16)
    w2b = conv_w2.astype(jnp.bfloat16)
    z0 = _gather_call(e2, 0)(pd, ps, src, dst)
    z1 = _gather_call(e2, e2)(pd, ps, src, dst)
    en0 = _edge_call(e2, 0)(z0, edge_attr, web, cb1, w2b, cb2, cg, cb)
    en1 = _edge_call(e2, e2 // EBLK)(z1, edge_attr, web, cb1, w2b, cb2, cg, cb)
    agg0 = _scatter_call(e2, 0)(en0, dst)
    agg1 = _scatter_call(e2, e2)(en1, dst)
    edges_new = jnp.concatenate([en0, en1], axis=0)
    nodes_new_dst = _ndst_call(
        x_dst, agg0, agg1, nw1a, nw1b, nb1, node_w2, nb2, ng, nb)
    return nodes_new_src, nodes_new_dst, edges_new

# --- scband reference (transcript-rebuilt; emitter-appended) ---
"""Pipeline reference for scband-graph-conv-mapper-block-34084860461562 (READ-ONLY COPY).

The authoritative reference and input builder live on the scoring server;
editing this copy changes nothing except your own understanding.
"""

import jax, jax.numpy as jnp
import numpy as np


def _layernorm(h, g, b):
    m = jnp.mean(h, axis=-1, keepdims=True)
    v = jnp.var(h, axis=-1, keepdims=True)
    return (h - m) / jnp.sqrt(v + 1e-5) * g + b


def _mlp(z, w1, b1, w2, b2, g, bln):
    h = jax.nn.silu(z @ w1 + b1)
    h = h @ w2 + b2
    return _layernorm(h, g, bln)


def setup_inputs(seed: int = 0):
    key = jax.random.key(seed)
    ks = jax.random.split(key, 16)
    N_src, N_dst, E, d = 10000, 10000, 160000, 128

    def lin_w(k, fi, fo):
        lim = 1.0 / np.sqrt(fi)
        return jax.random.uniform(k, (fi, fo), jnp.float32, -lim, lim)

    def lin_b(k, fi, fo):
        lim = 1.0 / np.sqrt(fi)
        return jax.random.uniform(k, (fo,), jnp.float32, -lim, lim)

    return {
        "x_src": jax.random.normal(ks[0], (N_src, d), jnp.float32),
        "x_dst": jax.random.normal(ks[1], (N_dst, d), jnp.float32),
        "edge_attr": jax.random.normal(ks[2], (E, d), jnp.float32),
        "edge_index": jnp.stack([
            jax.random.randint(ks[3], (E,), 0, N_src, jnp.int32),
            jax.random.randint(ks[4], (E,), 0, N_dst, jnp.int32)], axis=0),
        "conv_w1": lin_w(ks[5], 3 * d, d), "conv_b1": lin_b(ks[6], 3 * d, d),
        "conv_w2": lin_w(ks[7], d, d), "conv_b2": lin_b(ks[8], d, d),
        "conv_ln_g": jnp.ones((d,), jnp.float32), "conv_ln_b": jnp.zeros((d,), jnp.float32),
        "node_w1": lin_w(ks[9], 2 * d, d), "node_b1": lin_b(ks[10], 2 * d, d),
        "node_w2": lin_w(ks[11], d, d), "node_b2": lin_b(ks[12], d, d),
        "node_ln_g": jnp.ones((d,), jnp.float32), "node_ln_b": jnp.zeros((d,), jnp.float32),
    }


def reference(x_src, x_dst, edge_attr, edge_index,
              conv_w1, conv_b1, conv_w2, conv_b2, conv_ln_g, conv_ln_b,
              node_w1, node_b1, node_w2, node_b2, node_ln_g, node_ln_b):
    # GraphConvMapperBlock.forward with model_comm_group=None, num_chunks=1
    # sync_tensor is identity without a comm group.
    src = edge_index[0]
    dst = edge_index[1]
    # GraphConv message: x_i = dst-gathered, x_j = src-gathered (PyG source_to_target)
    x_j = jnp.take(x_src, src, axis=0)
    x_i = jnp.take(x_dst, dst, axis=0)
    m = jnp.concatenate([x_i, x_j, edge_attr], axis=1)
    edges_new = _mlp(m, conv_w1, conv_b1, conv_w2, conv_b2, conv_ln_g, conv_ln_b) + edge_attr
    # GraphConv aggregate: scatter-add over destination nodes
    out = jax.ops.segment_sum(edges_new, dst, num_segments=x_dst.shape[0])
    # shard_tensor is identity without a comm group.
    nodes_new_dst = _mlp(jnp.concatenate([x_dst, out], axis=1),
                         node_w1, node_b1, node_w2, node_b2, node_ln_g, node_ln_b) + x_dst
    # update_src_nodes=True
    nodes_new_src = _mlp(jnp.concatenate([x_src, x_src], axis=1),
                         node_w1, node_b1, node_w2, node_b2, node_ln_g, node_ln_b) + x_src
    return (nodes_new_src, nodes_new_dst, edges_new)

if __name__ == "__main__":
    import jax
    _d = setup_inputs()
    print(jax.jit(kernel)(*tuple(_d.values())))

</pallas_src>

<mosaic_0001>
#map = affine_map<(d0, d1) -> (0, 0)>
#map1 = affine_map<(d0, d1) -> (0)>
module attributes {stable_mosaic.version = 14 : i64} {
  func.func @scatter_body(%arg0: i32, %arg1: i32, %arg2: memref<80000x128xf32, #tpu.memory_space<hbm>>, %arg3: memref<160000xi32, #tpu.memory_space<hbm>>, %arg4: memref<10240x128xf32, #tpu.memory_space<hbm>>, %arg5: memref<128xi32, #tpu.memory_space<vmem>>, %arg6: memref<128xi32, #tpu.memory_space<vmem>>, %arg7: memref<128x128xf32, #tpu.memory_space<vmem>>, %arg8: memref<128x128xf32, #tpu.memory_space<vmem>>, %arg9: memref<!tpu.dma_semaphore, #tpu.memory_space<semaphore_mem>>, %arg10: memref<!tpu.dma_semaphore, #tpu.memory_space<semaphore_mem>>, %arg11: memref<!tpu.dma_semaphore, #tpu.memory_space<semaphore_mem>>, %arg12: memref<!tpu.dma_semaphore, #tpu.memory_space<semaphore_mem>>, %arg13: memref<!tpu.dma_semaphore, #tpu.memory_space<semaphore_mem>>, %arg14: memref<!tpu.dma_semaphore, #tpu.memory_space<semaphore_mem>>, %arg15: memref<10240x128xf32, #tpu.memory_space<vmem_shared>>) attributes {dimension_semantics = [#tpu.dimension_semantics<core_parallel>, #tpu.dimension_semantics<subcore_parallel>], iteration_bounds = array<i64: 1, 16>, scalar_prefetch = 0 : i64, scratch_operands = 11 : i64, tpu.core_type = #tpu.core_type<sc_vector_subcore>, window_params = [{transform_indices = #map}, {transform_indices = #map1}, {transform_indices = #map}]} {
    %scan3A = arith.constant 0 : i32
    %scan3A_0 = arith.constant 0 : i32
    %scan3A_1 = arith.constant 128 : i32
    %scan3A_2 = arith.addi %scan3A_0, %scan3A_1 : i32
    %scan3A_3 = arith.constant 1 : i32
    scf.for %scan3A_45 = %scan3A_0 to %scan3A_2 step %scan3A_3  : i32 {
      %broadcast_in_dim3A = arith.constant 0.000000e+00 : f32
      %broadcast_in_dim3A_46 = vector.broadcast %broadcast_in_dim3A : f32 to vector<16xf32>
      %swap3A = arith.index_cast %scan3A_45 : i32 to index
      %swap3A_47 = arith.constant 0 : index
      %swap3A_48 = tpu.vector_load %arg7[%swap3A, %swap3A_47] {strides = array<i32>} : memref<128x128xf32, #tpu.memory_space<vmem>>, vector<1x16xf32>,
      %swap3A_49 = vector.shape_cast %swap3A_48 : vector<1x16xf32> to vector<16xf32>
      %swap3A_50 = vector.shape_cast %broadcast_in_dim3A_46 : vector<16xf32> to vector<1x16xf32>
      tpu.vector_store %arg7[%swap3A, %swap3A_47], %swap3A_50 {strides = array<i32>} : memref<128x128xf32, #tpu.memory_space<vmem>>, vector<1x16xf32>,
      %broadcast_in_dim3A_51 = arith.constant 0.000000e+00 : f32
      %broadcast_in_dim3A_52 = vector.broadcast %broadcast_in_dim3A_51 : f32 to vector<16xf32>
      %swap3A_53 = arith.index_cast %scan3A_45 : i32 to index
      %swap3A_54 = arith.constant 16 : index
      %swap3A_55 = tpu.vector_load %arg7[%swap3A_53, %swap3A_54] {strides = array<i32>} : memref<128x128xf32, #tpu.memory_space<vmem>>, vector<1x16xf32>,
      %swap3A_56 = vector.shape_cast %swap3A_55 : vector<1x16xf32> to vector<16xf32>
      %swap3A_57 = vector.shape_cast %broadcast_in_dim3A_52 : vector<16xf32> to vector<1x16xf32>
      tpu.vector_store %arg7[%swap3A_53, %swap3A_54], %swap3A_57 {strides = array<i32>} : memref<128x128xf32, #tpu.memory_space<vmem>>, vector<1x16xf32>,
      %broadcast_in_dim3A_58 = arith.constant 0.000000e+00 : f32
      %broadcast_in_dim3A_59 = vector.broadcast %broadcast_in_dim3A_58 : f32 to vector<16xf32>
      %swap3A_60 = arith.index_cast %scan3A_45 : i32 to index
      %swap3A_61 = arith.constant 32 : index
      %swap3A_62 = tpu.vector_load %arg7[%swap3A_60, %swap3A_61] {strides = array<i32>} : memref<128x128xf32, #tpu.memory_space<vmem>>, vector<1x16xf32>,
      %swap3A_63 = vector.shape_cast %swap3A_62 : vector<1x16xf32> to vector<16xf32>
      %swap3A_64 = vector.shape_cast %broadcast_in_dim3A_59 : vector<16xf32> to vector<1x16xf32>
      tpu.vector_store %arg7[%swap3A_60, %swap3A_61], %swap3A_64 {strides = array<i32>} : memref<128x128xf32, #tpu.memory_space<vmem>>, vector<1x16xf32>,
      %broadcast_in_dim3A_65 = arith.constant 0.000000e+00 : f32
      %broadcast_in_dim3A_66 = vector.broadcast %broadcast_in_dim3A_65 : f32 to vector<16xf32>
      %swap3A_67 = arith.index_cast %scan3A_45 : i32 to index
      %swap3A_68 = arith.constant 48 : index
      %swap3A_69 = tpu.vector_load %arg7[%swap3A_67, %swap3A_68] {strides = array<i32>} : memref<128x128xf32, #tpu.memory_space<vmem>>, vector<1x16xf32>,
      %swap3A_70 = vector.shape_cast %swap3A_69 : vector<1x16xf32> to vector<16xf32>
      %swap3A_71 = vector.shape_cast %broadcast_in_dim3A_66 : vector<16xf32> to vector<1x16xf32>
      tpu.vector_store %arg7[%swap3A_67, %swap3A_68], %swap3A_71 {strides = array<i32>} : memref<128x128xf32, #tpu.memory_space<vmem>>, vector<1x16xf32>,
      %broadcast_in_dim3A_72 = arith.constant 0.000000e+00 : f32
      %broadcast_in_dim3A_73 = vector.broadcast %broadcast_in_dim3A_72 : f32 to vector<16xf32>
      %swap3A_74 = arith.index_cast %scan3A_45 : i32 to index
      %swap3A_75 = arith.constant 64 : index
      %swap3A_76 = tpu.vector_load %arg7[%swap3A_74, %swap3A_75] {strides = array<i32>} : memref<128x128xf32, #tpu.memory_space<vmem>>, vector<1x16xf32>,
      %swap3A_77 = vector.shape_cast %swap3A_76 : vector<1x16xf32> to vector<16xf32>
      %swap3A_78 = vector.shape_cast %broadcast_in_dim3A_73 : vector<16xf32> to vector<1x16xf32>
      tpu.vector_store %arg7[%swap3A_74, %swap3A_75], %swap3A_78 {strides = array<i32>} : memref<128x128xf32, #tpu.memory_space<vmem>>, vector<1x16xf32>,
      %broadcast_in_dim3A_79 = arith.constant 0.000000e+00 : f32
      %broadcast_in_dim3A_80 = vector.broadcast %broadcast_in_dim3A_79 : f32 to vector<16xf32>
      %swap3A_81 = arith.index_cast %scan3A_45 : i32 to index
      %swap3A_82 = arith.constant 80 : index
      %swap3A_83 = tpu.vector_load %arg7[%swap3A_81, %swap3A_82] {strides = array<i32>} : memref<128x128xf32, #tpu.memory_space<vmem>>, vector<1x16xf32>,
      %swap3A_84 = vector.shape_cast %swap3A_83 : vector<1x16xf32> to vector<16xf32>
      %swap3A_85 = vector.shape_cast %broadcast_in_dim3A_80 : vector<16xf32> to vector<1x16xf32>
      tpu.vector_store %arg7[%swap3A_81, %swap3A_82], %swap3A_85 {strides = array<i32>} : memref<128x128xf32, #tpu.memory_space<vmem>>, vector<1x16xf32>,
      %broadcast_in_dim3A_86 = arith.constant 0.000000e+00 : f32
      %broadcast_in_dim3A_87 = vector.broadcast %broadcast_in_dim3A_86 : f32 to vector<16xf32>
      %swap3A_88 = arith.index_cast %scan3A_45 : i32 to index
      %swap3A_89 = arith.constant 96 : index
      %swap3A_90 = tpu.vector_load %arg7[%swap3A_88, %swap3A_89] {strides = array<i32>} : memref<128x128xf32, #tpu.memory_space<vmem>>, vector<1x16xf32>,
      %swap3A_91 = vector.shape_cast %swap3A_90 : vector<1x16xf32> to vector<16xf32>
      %swap3A_92 = vector.shape_cast %broadcast_in_dim3A_87 : vector<16xf32> to vector<1x16xf32>
      tpu.vector_store %arg7[%swap3A_88, %swap3A_89], %swap3A_92 {strides = array<i32>} : memref<128x128xf32, #tpu.memory_space<vmem>>, vector<1x16xf32>,
      %broadcast_in_dim3A_93 = arith.constant 0.000000e+00 : f32
      %broadcast_in_dim3A_94 = vector.broadcast %broadcast_in_dim3A_93 : f32 to vector<16xf32>
      %swap3A_95 = arith.index_cast %scan3A_45 : i32 to index
      %swap3A_96 = arith.constant 112 : index
      %swap3A_97 = tpu.vector_load %arg7[%swap3A_95, %swap3A_96] {strides = array<i32>} : memref<128x128xf32, #tpu.memory_space<vmem>>, vector<1x16xf32>,
      %swap3A_98 = vector.shape_cast %swap3A_97 : vector<1x16xf32> to vector<16xf32>
      %swap3A_99 = vector.shape_cast %broadcast_in_dim3A_94 : vector<16xf32> to vector<1x16xf32>
      tpu.vector_store %arg7[%swap3A_95, %swap3A_96], %swap3A_99 {strides = array<i32>} : memref<128x128xf32, #tpu.memory_space<vmem>>, vector<1x16xf32>,
    }
    %scan3A_4 = arith.constant 128 : i32
    %mul3A = arith.constant 640 : i32
    %mul3A_5 = arith.muli %arg1, %mul3A : i32
    %add3A = arith.constant 0 : i32
    %add3A_6 = arith.addi %mul3A_5, %add3A : i32
    "tpu.region"() ({
      %run_scoped3A = tpu.sem_alloc : memref<!tpu.dma_semaphore, #tpu.memory_space<semaphore_mem>>
      %dma_start3A_45 = arith.constant 0 : i32
      %dma_start3A_46 = tpu.memref_slice %arg15[%add3A_6, %dma_start3A_45] : memref<10240x128xf32, #tpu.memory_space<vmem_shared>> -> memref<128x128xf32, #tpu.memory_space<vmem_shared>>
      %dma_start3A_47 = arith.constant 0 : i32
      %dma_start3A_48 = tpu.memref_slice %arg15[%add3A_6, %dma_start3A_47] : memref<10240x128xf32, #tpu.memory_space<vmem_shared>> -> memref<128x128xf32, #tpu.memory_space<vmem_shared>>
      tpu.enqueue_dma source(%arg7 : memref<128x128xf32, #tpu.memory_space<vmem>>) target(%dma_start3A_48 : memref<128x128xf32, #tpu.memory_space<vmem_shared>>) target_semaphore(%run_scoped3A : memref<!tpu.dma_semaphore, #tpu.memory_space<semaphore_mem>>)
      %dma_wait3A = arith.constant 0 : i32
      %dma_wait3A_49 = tpu.memref_slice %arg15[%add3A_6, %dma_wait3A] : memref<10240x128xf32, #tpu.memory_space<vmem_shared>> -> memref<128x128xf32, #tpu.memory_space<vmem_shared>>
      %dma_wait3A_50 = arith.constant 0 : i32
      %dma_wait3A_51 = tpu.memref_slice %arg15[%add3A_6, %dma_wait3A_50] : memref<10240x128xf32, #tpu.memory_space<vmem_shared>> -> memref<128x128xf32, #tpu.memory_space<vmem_shared>>
      tpu.wait_dma2 semaphore(%run_scoped3A : memref<!tpu.dma_semaphore, #tpu.memory_space<semaphore_mem>>) src(%arg7 : memref<128x128xf32, #tpu.memory_space<vmem>>) dst(%dma_wait3A_51 : memref<128x128xf32, #tpu.memory_space<vmem_shared>>)
      tpu.yield
    }) : () -> ()
    %mul3A_7 = arith.constant 640 : i32
    %mul3A_8 = arith.muli %arg1, %mul3A_7 : i32
    %add3A_9 = arith.constant 128 : i32
    %add3A_10 = arith.addi %mul3A_8, %add3A_9 : i32
    "tpu.region"() ({
      %run_scoped3A = tpu.sem_alloc : memref<!tpu.dma_semaphore, #tpu.memory_space<semaphore_mem>>
      %dma_start3A_45 = arith.constant 0 : i32
      %dma_start3A_46 = tpu.memref_slice %arg15[%add3A_10, %dma_start3A_45] : memref<10240x128xf32, #tpu.memory_space<vmem_shared>> -> memref<128x128xf32, #tpu.memory_space<vmem_shared>>
      %dma_start3A_47 = arith.constant 0 : i32
      %dma_start3A_48 = tpu.memref_slice %arg15[%add3A_10, %dma_start3A_47] : memref<10240x128xf32, #tpu.memory_space<vmem_shared>> -> memref<128x128xf32, #tpu.memory_space<vmem_shared>>
      tpu.enqueue_dma source(%arg7 : memref<128x128xf32, #tpu.memory_space<vmem>>) target(%dma_start3A_48 : memref<128x128xf32, #tpu.memory_space<vmem_shared>>) target_semaphore(%run_scoped3A : memref<!tpu.dma_semaphore, #tpu.memory_space<semaphore_mem>>)
      %dma_wait3A = arith.constant 0 : i32
      %dma_wait3A_49 = tpu.memref_slice %arg15[%add3A_10, %dma_wait3A] : memref<10240x128xf32, #tpu.memory_space<vmem_shared>> -> memref<128x128xf32, #tpu.memory_space<vmem_shared>>
      %dma_wait3A_50 = arith.constant 0 : i32
      %dma_wait3A_51 = tpu.memref_slice %arg15[%add3A_10, %dma_wait3A_50] : memref<10240x128xf32, #tpu.memory_space<vmem_shared>> -> memref<128x128xf32, #tpu.memory_space<vmem_shared>>
      tpu.wait_dma2 semaphore(%run_scoped3A : memref<!tpu.dma_semaphore, #tpu.memory_space<semaphore_mem>>) src(%arg7 : memref<128x128xf32, #tpu.memory_space<vmem>>) dst(%dma_wait3A_51 : memref<128x128xf32, #tpu.memory_space<vmem_shared>>)
      tpu.yield
    }) : () -> ()
    %mul3A_11 = arith.constant 640 : i32
    %mul3A_12 = arith.muli %arg1, %mul3A_11 : i32
    %add3A_13 = arith.constant 256 : i32
    %add3A_14 = arith.addi %mul3A_12, %add3A_13 : i32
    "tpu.region"() ({
      %run_scoped3A = tpu.sem_alloc : memref<!tpu.dma_semaphore, #tpu.memory_space<semaphore_mem>>
      %dma_start3A_45 = arith.constant 0 : i32
      %dma_start3A_46 = tpu.memref_slice %arg15[%add3A_14, %dma_start3A_45] : memref<10240x128xf32, #tpu.memory_space<vmem_shared>> -> memref<128x128xf32, #tpu.memory_space<vmem_shared>>
      %dma_start3A_47 = arith.constant 0 : i32
      %dma_start3A_48 = tpu.memref_slice %arg15[%add3A_14, %dma_start3A_47] : memref<10240x128xf32, #tpu.memory_space<vmem_shared>> -> memref<128x128xf32, #tpu.memory_space<vmem_shared>>
      tpu.enqueue_dma source(%arg7 : memref<128x128xf32, #tpu.memory_space<vmem>>) target(%dma_start3A_48 : memref<128x128xf32, #tpu.memory_space<vmem_shared>>) target_semaphore(%run_scoped3A : memref<!tpu.dma_semaphore, #tpu.memory_space<semaphore_mem>>)
      %dma_wait3A = arith.constant 0 : i32
      %dma_wait3A_49 = tpu.memref_slice %arg15[%add3A_14, %dma_wait3A] : memref<10240x128xf32, #tpu.memory_space<vmem_shared>> -> memref<128x128xf32, #tpu.memory_space<vmem_shared>>
      %dma_wait3A_50 = arith.constant 0 : i32
      %dma_wait3A_51 = tpu.memref_slice %arg15[%add3A_14, %dma_wait3A_50] : memref<10240x128xf32, #tpu.memory_space<vmem_shared>> -> memref<128x128xf32, #tpu.memory_space<vmem_shared>>
      tpu.wait_dma2 semaphore(%run_scoped3A : memref<!tpu.dma_semaphore, #tpu.memory_space<semaphore_mem>>) src(%arg7 : memref<128x128xf32, #tpu.memory_space<vmem>>) dst(%dma_wait3A_51 : memref<128x128xf32, #tpu.memory_space<vmem_shared>>)
      tpu.yield
    }) : () -> ()
    %mul3A_15 = arith.constant 640 : i32
    %mul3A_16 = arith.muli %arg1, %mul3A_15 : i32
    %add3A_17 = arith.constant 384 : i32
    %add3A_18 = arith.addi %mul3A_16, %add3A_17 : i32
    "tpu.region"() ({
      %run_scoped3A = tpu.sem_alloc : memref<!tpu.dma_semaphore, #tpu.memory_space<semaphore_mem>>
      %dma_start3A_45 = arith.constant 0 : i32
      %dma_start3A_46 = tpu.memref_slice %arg15[%add3A_18, %dma_start3A_45] : memref<10240x128xf32, #tpu.memory_space<vmem_shared>> -> memref<128x128xf32, #tpu.memory_space<vmem_shared>>
      %dma_start3A_47 = arith.constant 0 : i32
      %dma_start3A_48 = tpu.memref_slice %arg15[%add3A_18, %dma_start3A_47] : memref<10240x128xf32, #tpu.memory_space<vmem_shared>> -> memref<128x128xf32, #tpu.memory_space<vmem_shared>>
      tpu.enqueue_dma source(%arg7 : memref<128x128xf32, #tpu.memory_space<vmem>>) target(%dma_start3A_48 : memref<128x128xf32, #tpu.memory_space<vmem_shared>>) target_semaphore(%run_scoped3A : memref<!tpu.dma_semaphore, #tpu.memory_space<semaphore_mem>>)
      %dma_wait3A = arith.constant 0 : i32
      %dma_wait3A_49 = tpu.memref_slice %arg15[%add3A_18, %dma_wait3A] : memref<10240x128xf32, #tpu.memory_space<vmem_shared>> -> memref<128x128xf32, #tpu.memory_space<vmem_shared>>
      %dma_wait3A_50 = arith.constant 0 : i32
      %dma_wait3A_51 = tpu.memref_slice %arg15[%add3A_18, %dma_wait3A_50] : memref<10240x128xf32, #tpu.memory_space<vmem_shared>> -> memref<128x128xf32, #tpu.memory_space<vmem_shared>>
      tpu.wait_dma2 semaphore(%run_scoped3A : memref<!tpu.dma_semaphore, #tpu.memory_space<semaphore_mem>>) src(%arg7 : memref<128x128xf32, #tpu.memory_space<vmem>>) dst(%dma_wait3A_51 : memref<128x128xf32, #tpu.memory_space<vmem_shared>>)
      tpu.yield
    }) : () -> ()
    %mul3A_19 = arith.constant 640 : i32
    %mul3A_20 = arith.muli %arg1, %mul3A_19 : i32
    %add3A_21 = arith.constant 512 : i32
    %add3A_22 = arith.addi %mul3A_20, %add3A_21 : i32
    "tpu.region"() ({
      %run_scoped3A = tpu.sem_alloc : memref<!tpu.dma_semaphore, #tpu.memory_space<semaphore_mem>>
      %dma_start3A_45 = arith.constant 0 : i32
      %dma_start3A_46 = tpu.memref_slice %arg15[%add3A_22, %dma_start3A_45] : memref<10240x128xf32, #tpu.memory_space<vmem_shared>> -> memref<128x128xf32, #tpu.memory_space<vmem_shared>>
      %dma_start3A_47 = arith.constant 0 : i32
      %dma_start3A_48 = tpu.memref_slice %arg15[%add3A_22, %dma_start3A_47] : memref<10240x128xf32, #tpu.memory_space<vmem_shared>> -> memref<128x128xf32, #tpu.memory_space<vmem_shared>>
      tpu.enqueue_dma source(%arg7 : memref<128x128xf32, #tpu.memory_space<vmem>>) target(%dma_start3A_48 : memref<128x128xf32, #tpu.memory_space<vmem_shared>>) target_semaphore(%run_scoped3A : memref<!tpu.dma_semaphore, #tpu.memory_space<semaphore_mem>>)
      %dma_wait3A = arith.constant 0 : i32
      %dma_wait3A_49 = tpu.memref_slice %arg15[%add3A_22, %dma_wait3A] : memref<10240x128xf32, #tpu.memory_space<vmem_shared>> -> memref<128x128xf32, #tpu.memory_space<vmem_shared>>
      %dma_wait3A_50 = arith.constant 0 : i32
      %dma_wait3A_51 = tpu.memref_slice %arg15[%add3A_22, %dma_wait3A_50] : memref<10240x128xf32, #tpu.memory_space<vmem_shared>> -> memref<128x128xf32, #tpu.memory_space<vmem_shared>>
      tpu.wait_dma2 semaphore(%run_scoped3A : memref<!tpu.dma_semaphore, #tpu.memory_space<semaphore_mem>>) src(%arg7 : memref<128x128xf32, #tpu.memory_space<vmem>>) dst(%dma_wait3A_51 : memref<128x128xf32, #tpu.memory_space<vmem_shared>>)
      tpu.yield
    }) : () -> ()
    %barrier3A = arith.constant 0 : index
    tpu.barrier barrier_id(%barrier3A)
    %add3A_23 = arith.constant 0 : i32
    %add3A_24 = arith.addi %add3A_23, %arg1 : i32
    %mul3A_25 = arith.constant 128 : i32
    %mul3A_26 = arith.muli %add3A_24, %mul3A_25 : i32
    %add3A_27 = arith.constant 80000 : i32
    %add3A_28 = arith.addi %add3A_27, %mul3A_26 : i32
    %dma_start3A = tpu.memref_slice %arg3[%add3A_28] : memref<160000xi32, #tpu.memory_space<hbm>> -> memref<128xi32, #tpu.memory_space<hbm>>
    %dma_start3A_29 = tpu.memref_slice %arg3[%add3A_28] : memref<160000xi32, #tpu.memory_space<hbm>> -> memref<128xi32, #tpu.memory_space<hbm>>
    tpu.enqueue_dma source(%dma_start3A_29 : memref<128xi32, #tpu.memory_space<hbm>>) target(%arg5 : memref<128xi32, #tpu.memory_space<vmem>>) target_semaphore(%arg9 : memref<!tpu.dma_semaphore, #tpu.memory_space<semaphore_mem>>)
    %dma_start3A_30 = arith.constant 0 : i32
    %dma_start3A_31 = tpu.memref_slice %arg2[%mul3A_26, %dma_start3A_30] : memref<80000x128xf32, #tpu.memory_space<hbm>> -> memref<128x128xf32, #tpu.memory_space<hbm>>
    %dma_start3A_32 = arith.constant 0 : i32
    %dma_start3A_33 = tpu.memref_slice %arg2[%mul3A_26, %dma_start3A_32] : memref<80000x128xf32, #tpu.memory_space<hbm>> -> memref<128x128xf32, #tpu.memory_space<hbm>>
    tpu.enqueue_dma source(%dma_start3A_33 : memref<128x128xf32, #tpu.memory_space<hbm>>) target(%arg7 : memref<128x128xf32, #tpu.memory_space<vmem>>) target_semaphore(%arg11 : memref<!tpu.dma_semaphore, #tpu.memory_space<semaphore_mem>>)
    %scan3A_34 = arith.constant 0 : i32
    %scan3A_35 = arith.constant 0 : i32
    %scan3A_36 = arith.constant 21 : i32
    %scan3A_37 = arith.addi %scan3A_35, %scan3A_36 : i32
    %scan3A_38 = arith.constant 1 : i32
    scf.for %scan3A_45 = %scan3A_35 to %scan3A_37 step %scan3A_38  : i32 {
      %mul3A_46 = arith.constant 2 : i32
      %mul3A_47 = arith.muli %mul3A_46, %scan3A_45 : i32
      %add3A_48 = arith.constant 0 : i32
      %add3A_49 = arith.addi %mul3A_47, %add3A_48 : i32
      %sub3A = arith.constant 1 : i32
      %sub3A_50 = arith.subi %add3A_49, %sub3A : i32
      %mul3A_51 = arith.constant 16 : i32
      %mul3A_52 = arith.muli %sub3A_50, %mul3A_51 : i32
      %add3A_53 = arith.addi %mul3A_52, %arg1 : i32
      %lt3A = arith.constant 625 : i32
      %lt3A_54 = arith.cmpi slt, %add3A_53, %lt3A : i32
      %gt3A = arith.constant 0 : i32
      %gt3A_55 = arith.cmpi sgt, %scan3A_45, %gt3A : i32
      %and3A = arith.andi %gt3A_55, %lt3A_54 : i1
      %convert_element_type3A = arith.extui %and3A : i1 to i32
      %cond3A = arith.constant 0 : i32
      %cond3A_56 = arith.cmpi ne, %convert_element_type3A, %cond3A : i32
      scf.if %cond3A_56 {
        %dma_wait3A = arith.constant 0 : i32
        %dma_wait3A_109 = arith.constant 0 : i32
        %dma_wait3A_110 = tpu.memref_slice %arg15[%dma_wait3A, %dma_wait3A_109] : memref<10240x128xf32, #tpu.memory_space<vmem_shared>> -> memref<10240x128xf32, #tpu.memory_space<vmem_shared>>
        tpu.wait_indirect_dma semaphore(%arg14 : memref<!tpu.dma_semaphore, #tpu.memory_space<semaphore_mem>>) src(%arg8 : memref<128x128xf32, #tpu.memory_space<vmem>>) dst(%dma_wait3A_110 : memref<10240x128xf32, #tpu.memory_space<vmem_shared>>)
      } else {
      }
      %mul3A_57 = arith.constant 16 : i32
      %mul3A_58 = arith.muli %add3A_49, %mul3A_57 : i32
      %add3A_59 = arith.addi %mul3A_58, %arg1 : i32
      %lt3A_60 = arith.constant 625 : i32
      %lt3A_61 = arith.cmpi slt, %add3A_59, %lt3A_60 : i32
      %add3A_62 = arith.constant 1 : i32
      %add3A_63 = arith.addi %add3A_49, %add3A_62 : i32
      %mul3A_64 = arith.constant 16 : i32
      %mul3A_65 = arith.muli %add3A_63, %mul3A_64 : i32
      %add3A_66 = arith.addi %mul3A_65, %arg1 : i32
      %lt3A_67 = arith.constant 625 : i32
      %lt3A_68 = arith.cmpi slt, %add3A_66, %lt3A_67 : i32
      %and3A_69 = arith.andi %lt3A_61, %lt3A_68 : i1
      %convert_element_type3A_70 = arith.extui %and3A_69 : i1 to i32
      %cond3A_71 = arith.constant 0 : i32
      %cond3A_72 = arith.cmpi ne, %convert_element_type3A_70, %cond3A_71 : i32
      scf.if %cond3A_72 {
        %add3A_109 = arith.constant 1 : i32
        %add3A_110 = arith.addi %add3A_49, %add3A_109 : i32
        %mul3A_111 = arith.constant 16 : i32
        %mul3A_112 = arith.muli %add3A_110, %mul3A_111 : i32
        %add3A_113 = arith.addi %mul3A_112, %arg1 : i32
        %mul3A_114 = arith.constant 128 : i32
        %mul3A_115 = arith.muli %add3A_113, %mul3A_114 : i32
        %add3A_116 = arith.constant 80000 : i32
        %add3A_117 = arith.addi %add3A_116, %mul3A_115 : i32
        %dma_start3A_118 = tpu.memref_slice %arg3[%add3A_117] : memref<160000xi32, #tpu.memory_space<hbm>> -> memref<128xi32, #tpu.memory_space<hbm>>
        %dma_start3A_119 = tpu.memref_slice %arg3[%add3A_117] : memref<160000xi32, #tpu.memory_space<hbm>> -> memref<128xi32, #tpu.memory_space<hbm>>
        tpu.enqueue_dma source(%dma_start3A_119 : memref<128xi32, #tpu.memory_space<hbm>>) target(%arg6 : memref<128xi32, #tpu.memory_space<vmem>>) target_semaphore(%arg10 : memref<!tpu.dma_semaphore, #tpu.memory_space<semaphore_mem>>)
        %dma_start3A_120 = arith.constant 0 : i32
        %dma_start3A_121 = tpu.memref_slice %arg2[%mul3A_115, %dma_start3A_120] : memref<80000x128xf32, #tpu.memory_space<hbm>> -> memref<128x128xf32, #tpu.memory_space<hbm>>
        %dma_start3A_122 = arith.constant 0 : i32
        %dma_start3A_123 = tpu.memref_slice %arg2[%mul3A_115, %dma_start3A_122] : memref<80000x128xf32, #tpu.memory_space<hbm>> -> memref<128x128xf32, #tpu.memory_space<hbm>>
        tpu.enqueue_dma source(%dma_start3A_123 : memref<128x128xf32, #tpu.memory_space<hbm>>) target(%arg8 : memref<128x128xf32, #tpu.memory_space<vmem>>) target_semaphore(%arg12 : memref<!tpu.dma_semaphore, #tpu.memory_space<semaphore_mem>>)
      } else {
      }
      %convert_element_type3A_73 = arith.extui %lt3A_61 : i1 to i32
      %cond3A_74 = arith.constant 0 : i32
      %cond3A_75 = arith.cmpi ne, %convert_element_type3A_73, %cond3A_74 : i32
      scf.if %cond3A_75 {
        %mul3A_109 = arith.constant 16 : i32
        %mul3A_110 = arith.muli %add3A_49, %mul3A_109 : i32
        %add3A_111 = arith.addi %mul3A_110, %arg1 : i32
        %mul3A_112 = arith.constant 128 : i32
        %mul3A_113 = arith.muli %add3A_111, %mul3A_112 : i32
        %add3A_114 = arith.constant 80000 : i32
        %add3A_115 = arith.addi %add3A_114, %mul3A_113 : i32
        %dma_wait3A = tpu.memref_slice %arg3[%add3A_115] : memref<160000xi32, #tpu.memory_space<hbm>> -> memref<128xi32, #tpu.memory_space<hbm>>
        %dma_wait3A_116 = tpu.memref_slice %arg3[%add3A_115] : memref<160000xi32, #tpu.memory_space<hbm>> -> memref<128xi32, #tpu.memory_space<hbm>>
        tpu.wait_dma2 semaphore(%arg9 : memref<!tpu.dma_semaphore, #tpu.memory_space<semaphore_mem>>) src(%dma_wait3A_116 : memref<128xi32, #tpu.memory_space<hbm>>) dst(%arg5 : memref<128xi32, #tpu.memory_space<vmem>>)
        %dma_wait3A_117 = arith.constant 0 : i32
        %dma_wait3A_118 = tpu.memref_slice %arg2[%mul3A_113, %dma_wait3A_117] : memref<80000x128xf32, #tpu.memory_space<hbm>> -> memref<128x128xf32, #tpu.memory_space<hbm>>
        %dma_wait3A_119 = arith.constant 0 : i32
        %dma_wait3A_120 = tpu.memref_slice %arg2[%mul3A_113, %dma_wait3A_119] : memref<80000x128xf32, #tpu.memory_space<hbm>> -> memref<128x128xf32, #tpu.memory_space<hbm>>
        tpu.wait_dma2 semaphore(%arg11 : memref<!tpu.dma_semaphore, #tpu.memory_space<semaphore_mem>>) src(%dma_wait3A_120 : memref<128x128xf32, #tpu.memory_space<hbm>>) dst(%arg7 : memref<128x128xf32, #tpu.memory_space<vmem>>)
        %dma_start3A_121 = arith.constant 0 : i32
        %dma_start3A_122 = arith.constant 0 : i32
        %dma_start3A_123 = tpu.memref_slice %arg15[%dma_start3A_121, %dma_start3A_122] : memref<10240x128xf32, #tpu.memory_space<vmem_shared>> -> memref<10240x128xf32, #tpu.memory_space<vmem_shared>>
        tpu.enqueue_indirect_dma source(%arg7 : memref<128x128xf32, #tpu.memory_space<vmem>>) target(%dma_start3A_123 : memref<10240x128xf32, #tpu.memory_space<vmem_shared>>) offsets(%arg5 : memref<128xi32, #tpu.memory_space<vmem>>) semaphore(%arg13 : memref<!tpu.dma_semaphore, #tpu.memory_space<semaphore_mem>>) {add = true}
      } else {
      }
      %mul3A_76 = arith.constant 2 : i32
      %mul3A_77 = arith.muli %mul3A_76, %scan3A_45 : i32
      %add3A_78 = arith.constant 1 : i32
      %add3A_79 = arith.addi %mul3A_77, %add3A_78 : i32
      %sub3A_80 = arith.constant 1 : i32
      %sub3A_81 = arith.subi %add3A_79, %sub3A_80 : i32
      %mul3A_82 = arith.constant 16 : i32
      %mul3A_83 = arith.muli %sub3A_81, %mul3A_82 : i32
      %add3A_84 = arith.addi %mul3A_83, %arg1 : i32
      %lt3A_85 = arith.constant 625 : i32
      %lt3A_86 = arith.cmpi slt, %add3A_84, %lt3A_85 : i32
      %convert_element_type3A_87 = arith.extui %lt3A_86 : i1 to i32
      %cond3A_88 = arith.constant 0 : i32
      %cond3A_89 = arith.cmpi ne, %convert_element_type3A_87, %cond3A_88 : i32
      scf.if %cond3A_89 {
        %dma_wait3A = arith.constant 0 : i32
        %dma_wait3A_109 = arith.constant 0 : i32
        %dma_wait3A_110 = tpu.memref_slice %arg15[%dma_wait3A, %dma_wait3A_109] : memref<10240x128xf32, #tpu.memory_space<vmem_shared>> -> memref<10240x128xf32, #tpu.memory_space<vmem_shared>>
        tpu.wait_indirect_dma semaphore(%arg13 : memref<!tpu.dma_semaphore, #tpu.memory_space<semaphore_mem>>) src(%arg7 : memref<128x128xf32, #tpu.memory_space<vmem>>) dst(%dma_wait3A_110 : memref<10240x128xf32, #tpu.memory_space<vmem_shared>>)
      } else {
      }
      %mul3A_90 = arith.constant 16 : i32
      %mul3A_91 = arith.muli %add3A_79, %mul3A_90 : i32
      %add3A_92 = arith.addi %mul3A_91, %arg1 : i32
      %lt3A_93 = arith.constant 625 : i32
      %lt3A_94 = arith.cmpi slt, %add3A_92, %lt3A_93 : i32
      %add3A_95 = arith.constant 1 : i32
      %add3A_96 = arith.addi %add3A_79, %add3A_95 : i32
      %mul3A_97 = arith.constant 16 : i32
      %mul3A_98 = arith.muli %add3A_96, %mul3A_97 : i32
      %add3A_99 = arith.addi %mul3A_98, %arg1 : i32
      %lt3A_100 = arith.constant 625 : i32
      %lt3A_101 = arith.cmpi slt, %add3A_99, %lt3A_100 : i32
      %and3A_102 = arith.andi %lt3A_94, %lt3A_101 : i1
      %convert_element_type3A_103 = arith.extui %and3A_102 : i1 to i32
      %cond3A_104 = arith.constant 0 : i32
      %cond3A_105 = arith.cmpi ne, %convert_element_type3A_103, %cond3A_104 : i32
      scf.if %cond3A_105 {
        %add3A_109 = arith.constant 1 : i32
        %add3A_110 = arith.addi %add3A_79, %add3A_109 : i32
        %mul3A_111 = arith.constant 16 : i32
        %mul3A_112 = arith.muli %add3A_110, %mul3A_111 : i32
        %add3A_113 = arith.addi %mul3A_112, %arg1 : i32
        %mul3A_114 = arith.constant 128 : i32
        %mul3A_115 = arith.muli %add3A_113, %mul3A_114 : i32
        %add3A_116 = arith.constant 80000 : i32
        %add3A_117 = arith.addi %add3A_116, %mul3A_115 : i32
        %dma_start3A_118 = tpu.memref_slice %arg3[%add3A_117] : memref<160000xi32, #tpu.memory_space<hbm>> -> memref<128xi32, #tpu.memory_space<hbm>>
        %dma_start3A_119 = tpu.memref_slice %arg3[%add3A_117] : memref<160000xi32, #tpu.memory_space<hbm>> -> memref<128xi32, #tpu.memory_space<hbm>>
        tpu.enqueue_dma source(%dma_start3A_119 : memref<128xi32, #tpu.memory_space<hbm>>) target(%arg5 : memref<128xi32, #tpu.memory_space<vmem>>) target_semaphore(%arg9 : memref<!tpu.dma_semaphore, #tpu.memory_space<semaphore_mem>>)
        %dma_start3A_120 = arith.constant 0 : i32
        %dma_start3A_121 = tpu.memref_slice %arg2[%mul3A_115, %dma_start3A_120] : memref<80000x128xf32, #tpu.memory_space<hbm>> -> memref<128x128xf32, #tpu.memory_space<hbm>>
        %dma_start3A_122 = arith.constant 0 : i32
        %dma_start3A_123 = tpu.memref_slice %arg2[%mul3A_115, %dma_start3A_122] : memref<80000x128xf32, #tpu.memory_space<hbm>> -> memref<128x128xf32, #tpu.memory_space<hbm>>
        tpu.enqueue_dma source(%dma_start3A_123 : memref<128x128xf32, #tpu.memory_space<hbm>>) target(%arg7 : memref<128x128xf32, #tpu.memory_space<vmem>>) target_semaphore(%arg11 : memref<!tpu.dma_semaphore, #tpu.memory_space<semaphore_mem>>)
      } else {
      }
      %convert_element_type3A_106 = arith.extui %lt3A_94 : i1 to i32
      %cond3A_107 = arith.constant 0 : i32
      %cond3A_108 = arith.cmpi ne, %convert_element_type3A_106, %cond3A_107 : i32
      scf.if %cond3A_108 {
        %mul3A_109 = arith.constant 16 : i32
        %mul3A_110 = arith.muli %add3A_79, %mul3A_109 : i32
        %add3A_111 = arith.addi %mul3A_110, %arg1 : i32
        %mul3A_112 = arith.constant 128 : i32
        %mul3A_113 = arith.muli %add3A_111, %mul3A_112 : i32
        %add3A_114 = arith.constant 80000 : i32
        %add3A_115 = arith.addi %add3A_114, %mul3A_113 : i32
        %dma_wait3A = tpu.memref_slice %arg3[%add3A_115] : memref<160000xi32, #tpu.memory_space<hbm>> -> memref<128xi32, #tpu.memory_space<hbm>>
        %dma_wait3A_116 = tpu.memref_slice %arg3[%add3A_115] : memref<160000xi32, #tpu.memory_space<hbm>> -> memref<128xi32, #tpu.memory_space<hbm>>
        tpu.wait_dma2 semaphore(%arg10 : memref<!tpu.dma_semaphore, #tpu.memory_space<semaphore_mem>>) src(%dma_wait3A_116 : memref<128xi32, #tpu.memory_space<hbm>>) dst(%arg6 : memref<128xi32, #tpu.memory_space<vmem>>)
        %dma_wait3A_117 = arith.constant 0 : i32
        %dma_wait3A_118 = tpu.memref_slice %arg2[%mul3A_113, %dma_wait3A_117] : memref<80000x128xf32, #tpu.memory_space<hbm>> -> memref<128x128xf32, #tpu.memory_space<hbm>>
        %dma_wait3A_119 = arith.constant 0 : i32
        %dma_wait3A_120 = tpu.memref_slice %arg2[%mul3A_113, %dma_wait3A_119] : memref<80000x128xf32, #tpu.memory_space<hbm>> -> memref<128x128xf32, #tpu.memory_space<hbm>>
        tpu.wait_dma2 semaphore(%arg12 : memref<!tpu.dma_semaphore, #tpu.memory_space<semaphore_mem>>) src(%dma_wait3A_120 : memref<128x128xf32, #tpu.memory_space<hbm>>) dst(%arg8 : memref<128x128xf32, #tpu.memory_space<vmem>>)
        %dma_start3A_121 = arith.constant 0 : i32
        %dma_start3A_122 = arith.constant 0 : i32
        %dma_start3A_123 = tpu.memref_slice %arg15[%dma_start3A_121, %dma_start3A_122] : memref<10240x128xf32, #tpu.memory_space<vmem_shared>> -> memref<10240x128xf32, #tpu.memory_space<vmem_shared>>
        tpu.enqueue_indirect_dma source(%arg8 : memref<128x128xf32, #tpu.memory_space<vmem>>) target(%dma_start3A_123 : memref<10240x128xf32, #tpu.memory_space<vmem_shared>>) offsets(%arg6 : memref<128xi32, #tpu.memory_space<vmem>>) semaphore(%arg14 : memref<!tpu.dma_semaphore, #tpu.memory_space<semaphore_mem>>) {add = true}
      } else {
      }
    }
    %scan3A_39 = arith.constant 21 : i32
    %barrier3A_40 = arith.constant 0 : index
    tpu.barrier barrier_id(%barrier3A_40)
    %mul3A_41 = arith.constant 640 : i32
    %mul3A_42 = arith.muli %arg1, %mul3A_41 : i32
    %mul3A_43 = arith.constant 640 : i32
    %mul3A_44 = arith.muli %arg1, %mul3A_43 : i32
    "tpu.region"() ({
      %run_scoped3A = tpu.sem_alloc : memref<!tpu.dma_semaphore, #tpu.memory_space<semaphore_mem>>
      %dma_start3A_45 = arith.constant 0 : i32
      %dma_start3A_46 = tpu.memref_slice %arg4[%mul3A_44, %dma_start3A_45] : memref<10240x128xf32, #tpu.memory_space<hbm>> -> memref<640x128xf32, #tpu.memory_space<hbm>>
      %dma_start3A_47 = arith.constant 0 : i32
      %dma_start3A_48 = tpu.memref_slice %arg15[%mul3A_42, %dma_start3A_47] : memref<10240x128xf32, #tpu.memory_space<vmem_shared>> -> memref<640x128xf32, #tpu.memory_space<vmem_shared>>
      tpu.enqueue_dma source(%dma_start3A_48 : memref<640x128xf32, #tpu.memory_space<vmem_shared>>) target(%dma_start3A_46 : memref<640x128xf32, #tpu.memory_space<hbm>>) target_semaphore(%run_scoped3A : memref<!tpu.dma_semaphore, #tpu.memory_space<semaphore_mem>>)
      %dma_wait3A = arith.constant 0 : i32
      %dma_wait3A_49 = tpu.memref_slice %arg4[%mul3A_44, %dma_wait3A] : memref<10240x128xf32, #tpu.memory_space<hbm>> -> memref<640x128xf32, #tpu.memory_space<hbm>>
      %dma_wait3A_50 = arith.constant 0 : i32
      %dma_wait3A_51 = tpu.memref_slice %arg15[%mul3A_42, %dma_wait3A_50] : memref<10240x128xf32, #tpu.memory_space<vmem_shared>> -> memref<640x128xf32, #tpu.memory_space<vmem_shared>>
      tpu.wait_dma2 semaphore(%run_scoped3A : memref<!tpu.dma_semaphore, #tpu.memory_space<semaphore_mem>>) src(%dma_wait3A_51 : memref<640x128xf32, #tpu.memory_space<vmem_shared>>) dst(%dma_wait3A_49 : memref<640x128xf32, #tpu.memory_space<hbm>>)
      tpu.yield
    }) : () -> ()
    return
  }
}

#map = affine_map<(d0, d1) -> (0, 0)>
#map1 = affine_map<(d0, d1) -> (0)>
module attributes {stable_mosaic.version = 14 : i64} {
  func.func @gather_body(%arg0: i32, %arg1: i32, %arg2: memref<10000x128xf32, #tpu.memory_space<hbm>>, %arg3: memref<10000x128xf32, #tpu.memory_space<hbm>>, %arg4: memref<160000xi32, #tpu.memory_space<hbm>>, %arg5: memref<160000xi32, #tpu.memory_space<hbm>>, %arg6: memref<80000x128xf32, #tpu.memory_space<hbm>>, %arg7: memref<128xi32, #tpu.memory_space<vmem>>, %arg8: memref<128xi32, #tpu.memory_space<vmem>>, %arg9: memref<128xi32, #tpu.memory_space<vmem>>, %arg10: memref<128xi32, #tpu.memory_space<vmem>>, %arg11: memref<128x128xf32, #tpu.memory_space<vmem>>, %arg12: memref<128x128xf32, #tpu.memory_space<vmem>>, %arg13: memref<128x128xf32, #tpu.memory_space<vmem>>, %arg14: memref<128x128xf32, #tpu.memory_space<vmem>>, %arg15: memref<!tpu.dma_semaphore, #tpu.memory_space<semaphore_mem>>, %arg16: memref<!tpu.dma_semaphore, #tpu.memory_space<semaphore_mem>>, %arg17: memref<!tpu.dma_semaphore, #tpu.memory_space<semaphore_mem>>, %arg18: memref<!tpu.dma_semaphore, #tpu.memory_space<semaphore_mem>>, %arg19: memref<!tpu.dma_semaphore, #tpu.memory_space<semaphore_mem>>, %arg20: memref<!tpu.dma_semaphore, #tpu.memory_space<semaphore_mem>>) attributes {dimension_semantics = [#tpu.dimension_semantics<core_parallel>, #tpu.dimension_semantics<subcore_parallel>], iteration_bounds = array<i64: 2, 16>, scalar_prefetch = 0 : i64, scratch_operands = 14 : i64, tpu.core_type = #tpu.core_type<sc_vector_subcore>, window_params = [{transform_indices = #map}, {transform_indices = #map}, {transform_indices = #map1}, {transform_indices = #map1}, {transform_indices = #map}]} {
    %mul3A = arith.constant 2 : i32
    %mul3A_0 = arith.muli %arg1, %mul3A : i32
    %add3A = arith.addi %mul3A_0, %arg0 : i32
    %add3A_1 = arith.constant 0 : i32
    %add3A_2 = arith.addi %add3A_1, %add3A : i32
    %mul3A_3 = arith.constant 128 : i32
    %mul3A_4 = arith.muli %add3A_2, %mul3A_3 : i32
    %add3A_5 = arith.constant 80000 : i32
    %add3A_6 = arith.addi %add3A_5, %mul3A_4 : i32
    %dma_start3A = tpu.memref_slice %arg4[%add3A_6] : memref<160000xi32, #tpu.memory_space<hbm>> -> memref<128xi32, #tpu.memory_space<hbm>>
    %dma_start3A_7 = tpu.memref_slice %arg4[%add3A_6] : memref<160000xi32, #tpu.memory_space<hbm>> -> memref<128xi32, #tpu.memory_space<hbm>>
    tpu.enqueue_dma source(%dma_start3A_7 : memref<128xi32, #tpu.memory_space<hbm>>) target(%arg7 : memref<128xi32, #tpu.memory_space<vmem>>) target_semaphore(%arg15 : memref<!tpu.dma_semaphore, #tpu.memory_space<semaphore_mem>>)
    %dma_start3A_8 = tpu.memref_slice %arg5[%add3A_6] : memref<160000xi32, #tpu.memory_space<hbm>> -> memref<128xi32, #tpu.memory_space<hbm>>
    %dma_start3A_9 = tpu.memref_slice %arg5[%add3A_6] : memref<160000xi32, #tpu.memory_space<hbm>> -> memref<128xi32, #tpu.memory_space<hbm>>
    tpu.enqueue_dma source(%dma_start3A_9 : memref<128xi32, #tpu.memory_space<hbm>>) target(%arg9 : memref<128xi32, #tpu.memory_space<vmem>>) target_semaphore(%arg15 : memref<!tpu.dma_semaphore, #tpu.memory_space<semaphore_mem>>)
    %add3A_10 = arith.constant 0 : i32
    %add3A_11 = arith.addi %add3A_10, %add3A : i32
    %mul3A_12 = arith.constant 128 : i32
    %mul3A_13 = arith.muli %add3A_11, %mul3A_12 : i32
    %add3A_14 = arith.constant 80000 : i32
    %add3A_15 = arith.addi %add3A_14, %mul3A_13 : i32
    %dma_wait3A = tpu.memref_slice %arg4[%add3A_15] : memref<160000xi32, #tpu.memory_space<hbm>> -> memref<128xi32, #tpu.memory_space<hbm>>
    %dma_wait3A_16 = tpu.memref_slice %arg4[%add3A_15] : memref<160000xi32, #tpu.memory_space<hbm>> -> memref<128xi32, #tpu.memory_space<hbm>>
    tpu.wait_dma2 semaphore(%arg15 : memref<!tpu.dma_semaphore, #tpu.memory_space<semaphore_mem>>) src(%dma_wait3A_16 : memref<128xi32, #tpu.memory_space<hbm>>) dst(%arg7 : memref<128xi32, #tpu.memory_space<vmem>>)
    %dma_wait3A_17 = tpu.memref_slice %arg5[%add3A_15] : memref<160000xi32, #tpu.memory_space<hbm>> -> memref<128xi32, #tpu.memory_space<hbm>>
    %dma_wait3A_18 = tpu.memref_slice %arg5[%add3A_15] : memref<160000xi32, #tpu.memory_space<hbm>> -> memref<128xi32, #tpu.memory_space<hbm>>
    tpu.wait_dma2 semaphore(%arg15 : memref<!tpu.dma_semaphore, #tpu.memory_space<semaphore_mem>>) src(%dma_wait3A_18 : memref<128xi32, #tpu.memory_space<hbm>>) dst(%arg9 : memref<128xi32, #tpu.memory_space<vmem>>)
    %dma_start3A_19 = arith.constant 0 : i32
    %dma_start3A_20 = arith.constant 0 : i32
    %dma_start3A_21 = tpu.memref_slice %arg3[%dma_start3A_19, %dma_start3A_20] : memref<10000x128xf32, #tpu.memory_space<hbm>> -> memref<10000x128xf32, #tpu.memory_space<hbm>>
    tpu.enqueue_indirect_dma source(%dma_start3A_21 : memref<10000x128xf32, #tpu.memory_space<hbm>>) target(%arg11 : memref<128x128xf32, #tpu.memory_space<vmem>>) offsets(%arg7 : memref<128xi32, #tpu.memory_space<vmem>>) semaphore(%arg17 : memref<!tpu.dma_semaphore, #tpu.memory_space<semaphore_mem>>)
    %dma_start3A_22 = arith.constant 0 : i32
    %dma_start3A_23 = arith.constant 0 : i32
    %dma_start3A_24 = tpu.memref_slice %arg2[%dma_start3A_22, %dma_start3A_23] : memref<10000x128xf32, #tpu.memory_space<hbm>> -> memref<10000x128xf32, #tpu.memory_space<hbm>>
    tpu.enqueue_indirect_dma source(%dma_start3A_24 : memref<10000x128xf32, #tpu.memory_space<hbm>>) target(%arg13 : memref<128x128xf32, #tpu.memory_space<vmem>>) offsets(%arg9 : memref<128xi32, #tpu.memory_space<vmem>>) semaphore(%arg19 : memref<!tpu.dma_semaphore, #tpu.memory_space<semaphore_mem>>)
    %add3A_25 = arith.constant 32 : i32
    %add3A_26 = arith.addi %add3A_25, %add3A : i32
    %mul3A_27 = arith.constant 128 : i32
    %mul3A_28 = arith.muli %add3A_26, %mul3A_27 : i32
    %add3A_29 = arith.constant 80000 : i32
    %add3A_30 = arith.addi %add3A_29, %mul3A_28 : i32
    %dma_start3A_31 = tpu.memref_slice %arg4[%add3A_30] : memref<160000xi32, #tpu.memory_space<hbm>> -> memref<128xi32, #tpu.memory_space<hbm>>
    %dma_start3A_32 = tpu.memref_slice %arg4[%add3A_30] : memref<160000xi32, #tpu.memory_space<hbm>> -> memref<128xi32, #tpu.memory_space<hbm>>
    tpu.enqueue_dma source(%dma_start3A_32 : memref<128xi32, #tpu.memory_space<hbm>>) target(%arg8 : memref<128xi32, #tpu.memory_space<vmem>>) target_semaphore(%arg16 : memref<!tpu.dma_semaphore, #tpu.memory_space<semaphore_mem>>)
    %dma_start3A_33 = tpu.memref_slice %arg5[%add3A_30] : memref<160000xi32, #tpu.memory_space<hbm>> -> memref<128xi32, #tpu.memory_space<hbm>>
    %dma_start3A_34 = tpu.memref_slice %arg5[%add3A_30] : memref<160000xi32, #tpu.memory_space<hbm>> -> memref<128xi32, #tpu.memory_space<hbm>>
    tpu.enqueue_dma source(%dma_start3A_34 : memref<128xi32, #tpu.memory_space<hbm>>) target(%arg10 : memref<128xi32, #tpu.memory_space<vmem>>) target_semaphore(%arg16 : memref<!tpu.dma_semaphore, #tpu.memory_space<semaphore_mem>>)
    %scan3A = arith.constant 0 : i32
    %scan3A_35 = arith.constant 0 : i32
    %scan3A_36 = arith.constant 10 : i32
    %scan3A_37 = arith.addi %scan3A_35, %scan3A_36 : i32
    %scan3A_38 = arith.constant 1 : i32
    scf.for %scan3A_40 = %scan3A_35 to %scan3A_37 step %scan3A_38  : i32 {
      %mul3A_41 = arith.constant 2 : i32
      %mul3A_42 = arith.muli %mul3A_41, %scan3A_40 : i32
      %add3A_43 = arith.constant 0 : i32
      %add3A_44 = arith.addi %mul3A_42, %add3A_43 : i32
      %mul3A_45 = arith.constant 32 : i32
      %mul3A_46 = arith.muli %add3A_44, %mul3A_45 : i32
      %add3A_47 = arith.addi %mul3A_46, %add3A : i32
      %lt3A = arith.constant 625 : i32
      %lt3A_48 = arith.cmpi slt, %add3A_47, %lt3A : i32
      %convert_element_type3A = arith.extui %lt3A_48 : i1 to i32
      %cond3A = arith.constant 0 : i32
      %cond3A_49 = arith.cmpi ne, %convert_element_type3A, %cond3A : i32
      scf.if %cond3A_49 {
        %dma_wait3A_108 = arith.constant 0 : i32
        %dma_wait3A_109 = arith.constant 0 : i32
        %dma_wait3A_110 = tpu.memref_slice %arg3[%dma_wait3A_108, %dma_wait3A_109] : memref<10000x128xf32, #tpu.memory_space<hbm>> -> memref<10000x128xf32, #tpu.memory_space<hbm>>
        tpu.wait_indirect_dma semaphore(%arg17 : memref<!tpu.dma_semaphore, #tpu.memory_space<semaphore_mem>>) src(%dma_wait3A_110 : memref<10000x128xf32, #tpu.memory_space<hbm>>) dst(%arg11 : memref<128x128xf32, #tpu.memory_space<vmem>>)
        %dma_wait3A_111 = arith.constant 0 : i32
        %dma_wait3A_112 = arith.constant 0 : i32
        %dma_wait3A_113 = tpu.memref_slice %arg2[%dma_wait3A_111, %dma_wait3A_112] : memref<10000x128xf32, #tpu.memory_space<hbm>> -> memref<10000x128xf32, #tpu.memory_space<hbm>>
        tpu.wait_indirect_dma semaphore(%arg19 : memref<!tpu.dma_semaphore, #tpu.memory_space<semaphore_mem>>) src(%dma_wait3A_113 : memref<10000x128xf32, #tpu.memory_space<hbm>>) dst(%arg13 : memref<128x128xf32, #tpu.memory_space<vmem>>)
      } else {
      }
      %add3A_50 = arith.constant 1 : i32
      %add3A_51 = arith.addi %add3A_44, %add3A_50 : i32
      %mul3A_52 = arith.constant 32 : i32
      %mul3A_53 = arith.muli %add3A_51, %mul3A_52 : i32
      %add3A_54 = arith.addi %mul3A_53, %add3A : i32
      %lt3A_55 = arith.constant 625 : i32
      %lt3A_56 = arith.cmpi slt, %add3A_54, %lt3A_55 : i32
      %convert_element_type3A_57 = arith.extui %lt3A_56 : i1 to i32
      %cond3A_58 = arith.constant 0 : i32
      %cond3A_59 = arith.cmpi ne, %convert_element_type3A_57, %cond3A_58 : i32
      scf.if %cond3A_59 {
        %add3A_108 = arith.constant 1 : i32
        %add3A_109 = arith.addi %add3A_44, %add3A_108 : i32
        %mul3A_110 = arith.constant 32 : i32
        %mul3A_111 = arith.muli %add3A_109, %mul3A_110 : i32
        %add3A_112 = arith.addi %mul3A_111, %add3A : i32
        %mul3A_113 = arith.constant 128 : i32
        %mul3A_114 = arith.muli %add3A_112, %mul3A_113 : i32
        %add3A_115 = arith.constant 80000 : i32
        %add3A_116 = arith.addi %add3A_115, %mul3A_114 : i32
        %dma_wait3A_117 = tpu.memref_slice %arg4[%add3A_116] : memref<160000xi32, #tpu.memory_space<hbm>> -> memref<128xi32, #tpu.memory_space<hbm>>
        %dma_wait3A_118 = tpu.memref_slice %arg4[%add3A_116] : memref<160000xi32, #tpu.memory_space<hbm>> -> memref<128xi32, #tpu.memory_space<hbm>>
        tpu.wait_dma2 semaphore(%arg16 : memref<!tpu.dma_semaphore, #tpu.memory_space<semaphore_mem>>) src(%dma_wait3A_118 : memref<128xi32, #tpu.memory_space<hbm>>) dst(%arg8 : memref<128xi32, #tpu.memory_space<vmem>>)
        %dma_wait3A_119 = tpu.memref_slice %arg5[%add3A_116] : memref<160000xi32, #tpu.memory_space<hbm>> -> memref<128xi32, #tpu.memory_space<hbm>>
        %dma_wait3A_120 = tpu.memref_slice %arg5[%add3A_116] : memref<160000xi32, #tpu.memory_space<hbm>> -> memref<128xi32, #tpu.memory_space<hbm>>
        tpu.wait_dma2 semaphore(%arg16 : memref<!tpu.dma_semaphore, #tpu.memory_space<semaphore_mem>>) src(%dma_wait3A_120 : memref<128xi32, #tpu.memory_space<hbm>>) dst(%arg10 : memref<128xi32, #tpu.memory_space<vmem>>)
        %dma_start3A_121 = arith.constant 0 : i32
        %dma_start3A_122 = arith.constant 0 : i32
        %dma_start3A_123 = tpu.memref_slice %arg3[%dma_start3A_121, %dma_start3A_122] : memref<10000x128xf32, #tpu.memory_space<hbm>> -> memref<10000x128xf32, #tpu.memory_space<hbm>>
        tpu.enqueue_indirect_dma source(%dma_start3A_123 : memref<10000x128xf32, #tpu.memory_space<hbm>>) target(%arg12 : memref<128x128xf32, #tpu.memory_space<vmem>>) offsets(%arg8 : memref<128xi32, #tpu.memory_space<vmem>>) semaphore(%arg18 : memref<!tpu.dma_semaphore, #tpu.memory_space<semaphore_mem>>)
        %dma_start3A_124 = arith.constant 0 : i32
        %dma_start3A_125 = arith.constant 0 : i32
        %dma_start3A_126 = tpu.memref_slice %arg2[%dma_start3A_124, %dma_start3A_125] : memref<10000x128xf32, #tpu.memory_space<hbm>> -> memref<10000x128xf32, #tpu.memory_space<hbm>>
        tpu.enqueue_indirect_dma source(%dma_start3A_126 : memref<10000x128xf32, #tpu.memory_space<hbm>>) target(%arg14 : memref<128x128xf32, #tpu.memory_space<vmem>>) offsets(%arg10 : memref<128xi32, #tpu.memory_space<vmem>>) semaphore(%arg20 : memref<!tpu.dma_semaphore, #tpu.memory_space<semaphore_mem>>)
      } else {
      }
      %add3A_60 = arith.constant 2 : i32
      %add3A_61 = arith.addi %add3A_44, %add3A_60 : i32
      %mul3A_62 = arith.constant 32 : i32
      %mul3A_63 = arith.muli %add3A_61, %mul3A_62 : i32
      %add3A_64 = arith.addi %mul3A_63, %add3A : i32
      %lt3A_65 = arith.constant 625 : i32
      %lt3A_66 = arith.cmpi slt, %add3A_64, %lt3A_65 : i32
      %convert_element_type3A_67 = arith.extui %lt3A_66 : i1 to i32
      %cond3A_68 = arith.constant 0 : i32
      %cond3A_69 = arith.cmpi ne, %convert_element_type3A_67, %cond3A_68 : i32
      scf.if %cond3A_69 {
        %add3A_108 = arith.constant 2 : i32
        %add3A_109 = arith.addi %add3A_44, %add3A_108 : i32
        %mul3A_110 = arith.constant 32 : i32
        %mul3A_111 = arith.muli %add3A_109, %mul3A_110 : i32
        %add3A_112 = arith.addi %mul3A_111, %add3A : i32
        %mul3A_113 = arith.constant 128 : i32
        %mul3A_114 = arith.muli %add3A_112, %mul3A_113 : i32
        %add3A_115 = arith.constant 80000 : i32
        %add3A_116 = arith.addi %add3A_115, %mul3A_114 : i32
        %dma_start3A_117 = tpu.memref_slice %arg4[%add3A_116] : memref<160000xi32, #tpu.memory_space<hbm>> -> memref<128xi32, #tpu.memory_space<hbm>>
        %dma_start3A_118 = tpu.memref_slice %arg4[%add3A_116] : memref<160000xi32, #tpu.memory_space<hbm>> -> memref<128xi32, #tpu.memory_space<hbm>>
        tpu.enqueue_dma source(%dma_start3A_118 : memref<128xi32, #tpu.memory_space<hbm>>) target(%arg7 : memref<128xi32, #tpu.memory_space<vmem>>) target_semaphore(%arg15 : memref<!tpu.dma_semaphore, #tpu.memory_space<semaphore_mem>>)
        %dma_start3A_119 = tpu.memref_slice %arg5[%add3A_116] : memref<160000xi32, #tpu.memory_space<hbm>> -> memref<128xi32, #tpu.memory_space<hbm>>
        %dma_start3A_120 = tpu.memref_slice %arg5[%add3A_116] : memref<160000xi32, #tpu.memory_space<hbm>> -> memref<128xi32, #tpu.memory_space<hbm>>
        tpu.enqueue_dma source(%dma_start3A_120 : memref<128xi32, #tpu.memory_space<hbm>>) target(%arg9 : memref<128xi32, #tpu.memory_space<vmem>>) target_semaphore(%arg15 : memref<!tpu.dma_semaphore, #tpu.memory_space<semaphore_mem>>)
      } else {
      }
      %convert_element_type3A_70 = arith.extui %lt3A_48 : i1 to i32
      %cond3A_71 = arith.constant 0 : i32
      %cond3A_72 = arith.cmpi ne, %convert_element_type3A_70, %cond3A_71 : i32
      scf.if %cond3A_72 {
        %scan3A_108 = arith.constant 0 : i32
        %scan3A_109 = arith.constant 0 : i32
        %scan3A_110 = arith.constant 128 : i32
        %scan3A_111 = arith.addi %scan3A_109, %scan3A_110 : i32
        %scan3A_112 = arith.constant 1 : i32
        scf.for %scan3A_119 = %scan3A_109 to %scan3A_111 step %scan3A_112  : i32 {
          %get3A = arith.index_cast %scan3A_119 : i32 to index
          %get3A_120 = arith.constant 0 : index
          %get3A_121 = tpu.vector_load %arg11[%get3A, %get3A_120] {strides = array<i32>} : memref<128x128xf32, #tpu.memory_space<vmem>>, vector<1x16xf32>,
          %get3A_122 = vector.shape_cast %get3A_121 : vector<1x16xf32> to vector<16xf32>
          %get3A_123 = arith.index_cast %scan3A_119 : i32 to index
          %get3A_124 = arith.constant 0 : index
          %get3A_125 = tpu.vector_load %arg13[%get3A_123, %get3A_124] {strides = array<i32>} : memref<128x128xf32, #tpu.memory_space<vmem>>, vector<1x16xf32>,
          %get3A_126 = vector.shape_cast %get3A_125 : vector<1x16xf32> to vector<16xf32>
          %add3A_127 = arith.addf %get3A_122, %get3A_126 : vector<16xf32>
          %swap3A = arith.index_cast %scan3A_119 : i32 to index
          %swap3A_128 = arith.constant 0 : index
          %swap3A_129 = tpu.vector_load %arg11[%swap3A, %swap3A_128] {strides = array<i32>} : memref<128x128xf32, #tpu.memory_space<vmem>>, vector<1x16xf32>,
          %swap3A_130 = vector.shape_cast %swap3A_129 : vector<1x16xf32> to vector<16xf32>
          %swap3A_131 = vector.shape_cast %add3A_127 : vector<16xf32> to vector<1x16xf32>
          tpu.vector_store %arg11[%swap3A, %swap3A_128], %swap3A_131 {strides = array<i32>} : memref<128x128xf32, #tpu.memory_space<vmem>>, vector<1x16xf32>,
          %get3A_132 = arith.index_cast %scan3A_119 : i32 to index
          %get3A_133 = arith.constant 16 : index
          %get3A_134 = tpu.vector_load %arg11[%get3A_132, %get3A_133] {strides = array<i32>} : memref<128x128xf32, #tpu.memory_space<vmem>>, vector<1x16xf32>,
          %get3A_135 = vector.shape_cast %get3A_134 : vector<1x16xf32> to vector<16xf32>
          %get3A_136 = arith.index_cast %scan3A_119 : i32 to index
          %get3A_137 = arith.constant 16 : index
          %get3A_138 = tpu.vector_load %arg13[%get3A_136, %get3A_137] {strides = array<i32>} : memref<128x128xf32, #tpu.memory_space<vmem>>, vector<1x16xf32>,
          %get3A_139 = vector.shape_cast %get3A_138 : vector<1x16xf32> to vector<16xf32>
          %add3A_140 = arith.addf %get3A_135, %get3A_139 : vector<16xf32>
          %swap3A_141 = arith.index_cast %scan3A_119 : i32 to index
          %swap3A_142 = arith.constant 16 : index
          %swap3A_143 = tpu.vector_load %arg11[%swap3A_141, %swap3A_142] {strides = array<i32>} : memref<128x128xf32, #tpu.memory_space<vmem>>, vector<1x16xf32>,
          %swap3A_144 = vector.shape_cast %swap3A_143 : vector<1x16xf32> to vector<16xf32>
          %swap3A_145 = vector.shape_cast %add3A_140 : vector<16xf32> to vector<1x16xf32>
          tpu.vector_store %arg11[%swap3A_141, %swap3A_142], %swap3A_145 {strides = array<i32>} : memref<128x128xf32, #tpu.memory_space<vmem>>, vector<1x16xf32>,
          %get3A_146 = arith.index_cast %scan3A_119 : i32 to index
          %get3A_147 = arith.constant 32 : index
          %get3A_148 = tpu.vector_load %arg11[%get3A_146, %get3A_147] {strides = array<i32>} : memref<128x128xf32, #tpu.memory_space<vmem>>, vector<1x16xf32>,
          %get3A_149 = vector.shape_cast %get3A_148 : vector<1x16xf32> to vector<16xf32>
          %get3A_150 = arith.index_cast %scan3A_119 : i32 to index
          %get3A_151 = arith.constant 32 : index
          %get3A_152 = tpu.vector_load %arg13[%get3A_150, %get3A_151] {strides = array<i32>} : memref<128x128xf32, #tpu.memory_space<vmem>>, vector<1x16xf32>,
          %get3A_153 = vector.shape_cast %get3A_152 : vector<1x16xf32> to vector<16xf32>
          %add3A_154 = arith.addf %get3A_149, %get3A_153 : vector<16xf32>
          %swap3A_155 = arith.index_cast %scan3A_119 : i32 to index
          %swap3A_156 = arith.constant 32 : index
          %swap3A_157 = tpu.vector_load %arg11[%swap3A_155, %swap3A_156] {strides = array<i32>} : memref<128x128xf32, #tpu.memory_space<vmem>>, vector<1x16xf32>,
          %swap3A_158 = vector.shape_cast %swap3A_157 : vector<1x16xf32> to vector<16xf32>
          %swap3A_159 = vector.shape_cast %add3A_154 : vector<16xf32> to vector<1x16xf32>
          tpu.vector_store %arg11[%swap3A_155, %swap3A_156], %swap3A_159 {strides = array<i32>} : memref<128x128xf32, #tpu.memory_space<vmem>>, vector<1x16xf32>,
          %get3A_160 = arith.index_cast %scan3A_119 : i32 to index
          %get3A_161 = arith.constant 48 : index
          %get3A_162 = tpu.vector_load %arg11[%get3A_160, %get3A_161] {strides = array<i32>} : memref<128x128xf32, #tpu.memory_space<vmem>>, vector<1x16xf32>,
          %get3A_163 = vector.shape_cast %get3A_162 : vector<1x16xf32> to vector<16xf32>
          %get3A_164 = arith.index_cast %scan3A_119 : i32 to index
          %get3A_165 = arith.constant 48 : index
          %get3A_166 = tpu.vector_load %arg13[%get3A_164, %get3A_165] {strides = array<i32>} : memref<128x128xf32, #tpu.memory_space<vmem>>, vector<1x16xf32>,
          %get3A_167 = vector.shape_cast %get3A_166 : vector<1x16xf32> to vector<16xf32>
          %add3A_168 = arith.addf %get3A_163, %get3A_167 : vector<16xf32>
          %swap3A_169 = arith.index_cast %scan3A_119 : i32 to index
          %swap3A_170 = arith.constant 48 : index
          %swap3A_171 = tpu.vector_load %arg11[%swap3A_169, %swap3A_170] {strides = array<i32>} : memref<128x128xf32, #tpu.memory_space<vmem>>, vector<1x16xf32>,
          %swap3A_172 = vector.shape_cast %swap3A_171 : vector<1x16xf32> to vector<16xf32>
          %swap3A_173 = vector.shape_cast %add3A_168 : vector<16xf32> to vector<1x16xf32>
          tpu.vector_store %arg11[%swap3A_169, %swap3A_170], %swap3A_173 {strides = array<i32>} : memref<128x128xf32, #tpu.memory_space<vmem>>, vector<1x16xf32>,
          %get3A_174 = arith.index_cast %scan3A_119 : i32 to index
          %get3A_175 = arith.constant 64 : index
          %get3A_176 = tpu.vector_load %arg11[%get3A_174, %get3A_175] {strides = array<i32>} : memref<128x128xf32, #tpu.memory_space<vmem>>, vector<1x16xf32>,
          %get3A_177 = vector.shape_cast %get3A_176 : vector<1x16xf32> to vector<16xf32>
          %get3A_178 = arith.index_cast %scan3A_119 : i32 to index
          %get3A_179 = arith.constant 64 : index
          %get3A_180 = tpu.vector_load %arg13[%get3A_178, %get3A_179] {strides = array<i32>} : memref<128x128xf32, #tpu.memory_space<vmem>>, vector<1x16xf32>,
          %get3A_181 = vector.shape_cast %get3A_180 : vector<1x16xf32> to vector<16xf32>
          %add3A_182 = arith.addf %get3A_177, %get3A_181 : vector<16xf32>
          %swap3A_183 = arith.index_cast %scan3A_119 : i32 to index
          %swap3A_184 = arith.constant 64 : index
          %swap3A_185 = tpu.vector_load %arg11[%swap3A_183, %swap3A_184] {strides = array<i32>} : memref<128x128xf32, #tpu.memory_space<vmem>>, vector<1x16xf32>,
          %swap3A_186 = vector.shape_cast %swap3A_185 : vector<1x16xf32> to vector<16xf32>
          %swap3A_187 = vector.shape_cast %add3A_182 : vector<16xf32> to vector<1x16xf32>
          tpu.vector_store %arg11[%swap3A_183, %swap3A_184], %swap3A_187 {strides = array<i32>} : memref<128x128xf32, #tpu.memory_space<vmem>>, vector<1x16xf32>,
          %get3A_188 = arith.index_cast %scan3A_119 : i32 to index
          %get3A_189 = arith.constant 80 : index
          %get3A_190 = tpu.vector_load %arg11[%get3A_188, %get3A_189] {strides = array<i32>} : memref<128x128xf32, #tpu.memory_space<vmem>>, vector<1x16xf32>,
          %get3A_191 = vector.shape_cast %get3A_190 : vector<1x16xf32> to vector<16xf32>
          %get3A_192 = arith.index_cast %scan3A_119 : i32 to index
          %get3A_193 = arith.constant 80 : index
          %get3A_194 = tpu.vector_load %arg13[%get3A_192, %get3A_193] {strides = array<i32>} : memref<128x128xf32, #tpu.memory_space<vmem>>, vector<1x16xf32>,
          %get3A_195 = vector.shape_cast %get3A_194 : vector<1x16xf32> to vector<16xf32>
          %add3A_196 = arith.addf %get3A_191, %get3A_195 : vector<16xf32>
          %swap3A_197 = arith.index_cast %scan3A_119 : i32 to index
          %swap3A_198 = arith.constant 80 : index
          %swap3A_199 = tpu.vector_load %arg11[%swap3A_197, %swap3A_198] {strides = array<i32>} : memref<128x128xf32, #tpu.memory_space<vmem>>, vector<1x16xf32>,
          %swap3A_200 = vector.shape_cast %swap3A_199 : vector<1x16xf32> to vector<16xf32>
          %swap3A_201 = vector.shape_cast %add3A_196 : vector<16xf32> to vector<1x16xf32>
          tpu.vector_store %arg11[%swap3A_197, %swap3A_198], %swap3A_201 {strides = array<i32>} : memref<128x128xf32, #tpu.memory_space<vmem>>, vector<1x16xf32>,
          %get3A_202 = arith.index_cast %scan3A_119 : i32 to index
          %get3A_203 = arith.constant 96 : index
          %get3A_204 = tpu.vector_load %arg11[%get3A_202, %get3A_203] {strides = array<i32>} : memref<128x128xf32, #tpu.memory_space<vmem>>, vector<1x16xf32>,
          %get3A_205 = vector.shape_cast %get3A_204 : vector<1x16xf32> to vector<16xf32>
          %get3A_206 = arith.index_cast %scan3A_119 : i32 to index
          %get3A_207 = arith.constant 96 : index
          %get3A_208 = tpu.vector_load %arg13[%get3A_206, %get3A_207] {strides = array<i32>} : memref<128x128xf32, #tpu.memory_space<vmem>>, vector<1x16xf32>,
          %get3A_209 = vector.shape_cast %get3A_208 : vector<1x16xf32> to vector<16xf32>
          %add3A_210 = arith.addf %get3A_205, %get3A_209 : vector<16xf32>
          %swap3A_211 = arith.index_cast %scan3A_119 : i32 to index
          %swap3A_212 = arith.constant 96 : index
          %swap3A_213 = tpu.vector_load %arg11[%swap3A_211, %swap3A_212] {strides = array<i32>} : memref<128x128xf32, #tpu.memory_space<vmem>>, vector<1x16xf32>,
          %swap3A_214 = vector.shape_cast %swap3A_213 : vector<1x16xf32> to vector<16xf32>
          %swap3A_215 = vector.shape_cast %add3A_210 : vector<16xf32> to vector<1x16xf32>
          tpu.vector_store %arg11[%swap3A_211, %swap3A_212], %swap3A_215 {strides = array<i32>} : memref<128x128xf32, #tpu.memory_space<vmem>>, vector<1x16xf32>,
          %get3A_216 = arith.index_cast %scan3A_119 : i32 to index
          %get3A_217 = arith.constant 112 : index
          %get3A_218 = tpu.vector_load %arg11[%get3A_216, %get3A_217] {strides = array<i32>} : memref<128x128xf32, #tpu.memory_space<vmem>>, vector<1x16xf32>,
          %get3A_219 = vector.shape_cast %get3A_218 : vector<1x16xf32> to vector<16xf32>
          %get3A_220 = arith.index_cast %scan3A_119 : i32 to index
          %get3A_221 = arith.constant 112 : index
          %get3A_222 = tpu.vector_load %arg13[%get3A_220, %get3A_221] {strides = array<i32>} : memref<128x128xf32, #tpu.memory_space<vmem>>, vector<1x16xf32>,
          %get3A_223 = vector.shape_cast %get3A_222 : vector<1x16xf32> to vector<16xf32>
          %add3A_224 = arith.addf %get3A_219, %get3A_223 : vector<16xf32>
          %swap3A_225 = arith.index_cast %scan3A_119 : i32 to index
          %swap3A_226 = arith.constant 112 : index
          %swap3A_227 = tpu.vector_load %arg11[%swap3A_225, %swap3A_226] {strides = array<i32>} : memref<128x128xf32, #tpu.memory_space<vmem>>, vector<1x16xf32>,
          %swap3A_228 = vector.shape_cast %swap3A_227 : vector<1x16xf32> to vector<16xf32>
          %swap3A_229 = vector.shape_cast %add3A_224 : vector<16xf32> to vector<1x16xf32>
          tpu.vector_store %arg11[%swap3A_225, %swap3A_226], %swap3A_229 {strides = array<i32>} : memref<128x128xf32, #tpu.memory_space<vmem>>, vector<1x16xf32>,
        }
        %scan3A_113 = arith.constant 128 : i32
        %mul3A_114 = arith.constant 32 : i32
        %mul3A_115 = arith.muli %add3A_44, %mul3A_114 : i32
        %add3A_116 = arith.addi %mul3A_115, %add3A : i32
        %mul3A_117 = arith.constant 128 : i32
        %mul3A_118 = arith.muli %add3A_116, %mul3A_117 : i32
        "tpu.region"() ({
          %run_scoped3A = tpu.sem_alloc : memref<!tpu.dma_semaphore, #tpu.memory_space<semaphore_mem>>
          %dma_start3A_119 = arith.constant 0 : i32
          %dma_start3A_120 = tpu.memref_slice %arg6[%mul3A_118, %dma_start3A_119] : memref<80000x128xf32, #tpu.memory_space<hbm>> -> memref<128x128xf32, #tpu.memory_space<hbm>>
          %dma_start3A_121 = arith.constant 0 : i32
          %dma_start3A_122 = tpu.memref_slice %arg6[%mul3A_118, %dma_start3A_121] : memref<80000x128xf32, #tpu.memory_space<hbm>> -> memref<128x128xf32, #tpu.memory_space<hbm>>
          tpu.enqueue_dma source(%arg11 : memref<128x128xf32, #tpu.memory_space<vmem>>) target(%dma_start3A_122 : memref<128x128xf32, #tpu.memory_space<hbm>>) target_semaphore(%run_scoped3A : memref<!tpu.dma_semaphore, #tpu.memory_space<semaphore_mem>>)
          %dma_wait3A_123 = arith.constant 0 : i32
          %dma_wait3A_124 = tpu.memref_slice %arg6[%mul3A_118, %dma_wait3A_123] : memref<80000x128xf32, #tpu.memory_space<hbm>> -> memref<128x128xf32, #tpu.memory_space<hbm>>
          %dma_wait3A_125 = arith.constant 0 : i32
          %dma_wait3A_126 = tpu.memref_slice %arg6[%mul3A_118, %dma_wait3A_125] : memref<80000x128xf32, #tpu.memory_space<hbm>> -> memref<128x128xf32, #tpu.memory_space<hbm>>
          tpu.wait_dma2 semaphore(%run_scoped3A : memref<!tpu.dma_semaphore, #tpu.memory_space<semaphore_mem>>) src(%arg11 : memref<128x128xf32, #tpu.memory_space<vmem>>) dst(%dma_wait3A_126 : memref<128x128xf32, #tpu.memory_space<hbm>>)
          tpu.yield
        }) : () -> ()
      } else {
      }
      %mul3A_73 = arith.constant 2 : i32
      %mul3A_74 = arith.muli %mul3A_73, %scan3A_40 : i32
      %add3A_75 = arith.constant 1 : i32
      %add3A_76 = arith.addi %mul3A_74, %add3A_75 : i32
      %mul3A_77 = arith.constant 32 : i32
      %mul3A_78 = arith.muli %add3A_76, %mul3A_77 : i32
      %add3A_79 = arith.addi %mul3A_78, %add3A : i32
      %lt3A_80 = arith.constant 625 : i32
      %lt3A_81 = arith.cmpi slt, %add3A_79, %lt3A_80 : i32
      %convert_element_type3A_82 = arith.extui %lt3A_81 : i1 to i32
      %cond3A_83 = arith.constant 0 : i32
      %cond3A_84 = arith.cmpi ne, %convert_element_type3A_82, %cond3A_83 : i32
      scf.if %cond3A_84 {
        %dma_wait3A_108 = arith.constant 0 : i32
        %dma_wait3A_109 = arith.constant 0 : i32
        %dma_wait3A_110 = tpu.memref_slice %arg3[%dma_wait3A_108, %dma_wait3A_109] : memref<10000x128xf32, #tpu.memory_space<hbm>> -> memref<10000x128xf32, #tpu.memory_space<hbm>>
        tpu.wait_indirect_dma semaphore(%arg18 : memref<!tpu.dma_semaphore, #tpu.memory_space<semaphore_mem>>) src(%dma_wait3A_110 : memref<10000x128xf32, #tpu.memory_space<hbm>>) dst(%arg12 : memref<128x128xf32, #tpu.memory_space<vmem>>)
        %dma_wait3A_111 = arith.constant 0 : i32
        %dma_wait3A_112 = arith.constant 0 : i32
        %dma_wait3A_113 = tpu.memref_slice %arg2[%dma_wait3A_111, %dma_wait3A_112] : memref<10000x128xf32, #tpu.memory_space<hbm>> -> memref<10000x128xf32, #tpu.memory_space<hbm>>
        tpu.wait_indirect_dma semaphore(%arg20 : memref<!tpu.dma_semaphore, #tpu.memory_space<semaphore_mem>>) src(%dma_wait3A_113 : memref<10000x128xf32, #tpu.memory_space<hbm>>) dst(%arg14 : memref<128x128xf32, #tpu.memory_space<vmem>>)
      } else {
      }
      %add3A_85 = arith.constant 1 : i32
      %add3A_86 = arith.addi %add3A_76, %add3A_85 : i32
      %mul3A_87 = arith.constant 32 : i32
      %mul3A_88 = arith.muli %add3A_86, %mul3A_87 : i32
      %add3A_89 = arith.addi %mul3A_88, %add3A : i32
      %lt3A_90 = arith.constant 625 : i32
      %lt3A_91 = arith.cmpi slt, %add3A_89, %lt3A_90 : i32
      %convert_element_type3A_92 = arith.extui %lt3A_91 : i1 to i32
      %cond3A_93 = arith.constant 0 : i32
      %cond3A_94 = arith.cmpi ne, %convert_element_type3A_92, %cond3A_93 : i32
      scf.if %cond3A_94 {
        %add3A_108 = arith.constant 1 : i32
        %add3A_109 = arith.addi %add3A_76, %add3A_108 : i32
        %mul3A_110 = arith.constant 32 : i32
        %mul3A_111 = arith.muli %add3A_109, %mul3A_110 : i32
        %add3A_112 = arith.addi %mul3A_111, %add3A : i32
        %mul3A_113 = arith.constant 128 : i32
        %mul3A_114 = arith.muli %add3A_112, %mul3A_113 : i32
        %add3A_115 = arith.constant 80000 : i32
        %add3A_116 = arith.addi %add3A_115, %mul3A_114 : i32
        %dma_wait3A_117 = tpu.memref_slice %arg4[%add3A_116] : memref<160000xi32, #tpu.memory_space<hbm>> -> memref<128xi32, #tpu.memory_space<hbm>>
        %dma_wait3A_118 = tpu.memref_slice %arg4[%add3A_116] : memref<160000xi32, #tpu.memory_space<hbm>> -> memref<128xi32, #tpu.memory_space<hbm>>
        tpu.wait_dma2 semaphore(%arg15 : memref<!tpu.dma_semaphore, #tpu.memory_space<semaphore_mem>>) src(%dma_wait3A_118 : memref<128xi32, #tpu.memory_space<hbm>>) dst(%arg7 : memref<128xi32, #tpu.memory_space<vmem>>)
        %dma_wait3A_119 = tpu.memref_slice %arg5[%add3A_116] : memref<160000xi32, #tpu.memory_space<hbm>> -> memref<128xi32, #tpu.memory_space<hbm>>
        %dma_wait3A_120 = tpu.memref_slice %arg5[%add3A_116] : memref<160000xi32, #tpu.memory_space<hbm>> -> memref<128xi32, #tpu.memory_space<hbm>>
        tpu.wait_dma2 semaphore(%arg15 : memref<!tpu.dma_semaphore, #tpu.memory_space<semaphore_mem>>) src(%dma_wait3A_120 : memref<128xi32, #tpu.memory_space<hbm>>) dst(%arg9 : memref<128xi32, #tpu.memory_space<vmem>>)
        %dma_start3A_121 = arith.constant 0 : i32
        %dma_start3A_122 = arith.constant 0 : i32
        %dma_start3A_123 = tpu.memref_slice %arg3[%dma_start3A_121, %dma_start3A_122] : memref<10000x128xf32, #tpu.memory_space<hbm>> -> memref<10000x128xf32, #tpu.memory_space<hbm>>
        tpu.enqueue_indirect_dma source(%dma_start3A_123 : memref<10000x128xf32, #tpu.memory_space<hbm>>) target(%arg11 : memref<128x128xf32, #tpu.memory_space<vmem>>) offsets(%arg7 : memref<128xi32, #tpu.memory_space<vmem>>) semaphore(%arg17 : memref<!tpu.dma_semaphore, #tpu.memory_space<semaphore_mem>>)
        %dma_start3A_124 = arith.constant 0 : i32
        %dma_start3A_125 = arith.constant 0 : i32
        %dma_start3A_126 = tpu.memref_slice %arg2[%dma_start3A_124, %dma_start3A_125] : memref<10000x128xf32, #tpu.memory_space<hbm>> -> memref<10000x128xf32, #tpu.memory_space<hbm>>
        tpu.enqueue_indirect_dma source(%dma_start3A_126 : memref<10000x128xf32, #tpu.memory_space<hbm>>) target(%arg13 : memref<128x128xf32, #tpu.memory_space<vmem>>) offsets(%arg9 : memref<128xi32, #tpu.memory_space<vmem>>) semaphore(%arg19 : memref<!tpu.dma_semaphore, #tpu.memory_space<semaphore_mem>>)
      } else {
      }
      %add3A_95 = arith.constant 2 : i32
      %add3A_96 = arith.addi %add3A_76, %add3A_95 : i32
      %mul3A_97 = arith.constant 32 : i32
      %mul3A_98 = arith.muli %add3A_96, %mul3A_97 : i32
      %add3A_99 = arith.addi %mul3A_98, %add3A : i32
      %lt3A_100 = arith.constant 625 : i32
      %lt3A_101 = arith.cmpi slt, %add3A_99, %lt3A_100 : i32
      %convert_element_type3A_102 = arith.extui %lt3A_101 : i1 to i32
      %cond3A_103 = arith.constant 0 : i32
      %cond3A_104 = arith.cmpi ne, %convert_element_type3A_102, %cond3A_103 : i32
      scf.if %cond3A_104 {
        %add3A_108 = arith.constant 2 : i32
        %add3A_109 = arith.addi %add3A_76, %add3A_108 : i32
        %mul3A_110 = arith.constant 32 : i32
        %mul3A_111 = arith.muli %add3A_109, %mul3A_110 : i32
        %add3A_112 = arith.addi %mul3A_111, %add3A : i32
        %mul3A_113 = arith.constant 128 : i32
        %mul3A_114 = arith.muli %add3A_112, %mul3A_113 : i32
        %add3A_115 = arith.constant 80000 : i32
        %add3A_116 = arith.addi %add3A_115, %mul3A_114 : i32
        %dma_start3A_117 = tpu.memref_slice %arg4[%add3A_116] : memref<160000xi32, #tpu.memory_space<hbm>> -> memref<128xi32, #tpu.memory_space<hbm>>
        %dma_start3A_118 = tpu.memref_slice %arg4[%add3A_116] : memref<160000xi32, #tpu.memory_space<hbm>> -> memref<128xi32, #tpu.memory_space<hbm>>
        tpu.enqueue_dma source(%dma_start3A_118 : memref<128xi32, #tpu.memory_space<hbm>>) target(%arg8 : memref<128xi32, #tpu.memory_space<vmem>>) target_semaphore(%arg16 : memref<!tpu.dma_semaphore, #tpu.memory_space<semaphore_mem>>)
        %dma_start3A_119 = tpu.memref_slice %arg5[%add3A_116] : memref<160000xi32, #tpu.memory_space<hbm>> -> memref<128xi32, #tpu.memory_space<hbm>>
        %dma_start3A_120 = tpu.memref_slice %arg5[%add3A_116] : memref<160000xi32, #tpu.memory_space<hbm>> -> memref<128xi32, #tpu.memory_space<hbm>>
        tpu.enqueue_dma source(%dma_start3A_120 : memref<128xi32, #tpu.memory_space<hbm>>) target(%arg10 : memref<128xi32, #tpu.memory_space<vmem>>) target_semaphore(%arg16 : memref<!tpu.dma_semaphore, #tpu.memory_space<semaphore_mem>>)
      } else {
      }
      %convert_element_type3A_105 = arith.extui %lt3A_81 : i1 to i32
      %cond3A_106 = arith.constant 0 : i32
      %cond3A_107 = arith.cmpi ne, %convert_element_type3A_105, %cond3A_106 : i32
      scf.if %cond3A_107 {
        %scan3A_108 = arith.constant 0 : i32
        %scan3A_109 = arith.constant 0 : i32
        %scan3A_110 = arith.constant 128 : i32
        %scan3A_111 = arith.addi %scan3A_109, %scan3A_110 : i32
        %scan3A_112 = arith.constant 1 : i32
        scf.for %scan3A_119 = %scan3A_109 to %scan3A_111 step %scan3A_112  : i32 {
          %get3A = arith.index_cast %scan3A_119 : i32 to index
          %get3A_120 = arith.constant 0 : index
          %get3A_121 = tpu.vector_load %arg12[%get3A, %get3A_120] {strides = array<i32>} : memref<128x128xf32, #tpu.memory_space<vmem>>, vector<1x16xf32>,
          %get3A_122 = vector.shape_cast %get3A_121 : vector<1x16xf32> to vector<16xf32>
          %get3A_123 = arith.index_cast %scan3A_119 : i32 to index
          %get3A_124 = arith.constant 0 : index
          %get3A_125 = tpu.vector_load %arg14[%get3A_123, %get3A_124] {strides = array<i32>} : memref<128x128xf32, #tpu.memory_space<vmem>>, vector<1x16xf32>,
          %get3A_126 = vector.shape_cast %get3A_125 : vector<1x16xf32> to vector<16xf32>
          %add3A_127 = arith.addf %get3A_122, %get3A_126 : vector<16xf32>
          %swap3A = arith.index_cast %scan3A_119 : i32 to index
          %swap3A_128 = arith.constant 0 : index
          %swap3A_129 = tpu.vector_load %arg12[%swap3A, %swap3A_128] {strides = array<i32>} : memref<128x128xf32, #tpu.memory_space<vmem>>, vector<1x16xf32>,
          %swap3A_130 = vector.shape_cast %swap3A_129 : vector<1x16xf32> to vector<16xf32>
          %swap3A_131 = vector.shape_cast %add3A_127 : vector<16xf32> to vector<1x16xf32>
          tpu.vector_store %arg12[%swap3A, %swap3A_128], %swap3A_131 {strides = array<i32>} : memref<128x128xf32, #tpu.memory_space<vmem>>, vector<1x16xf32>,
          %get3A_132 = arith.index_cast %scan3A_119 : i32 to index
          %get3A_133 = arith.constant 16 : index
          %get3A_134 = tpu.vector_load %arg12[%get3A_132, %get3A_133] {strides = array<i32>} : memref<128x128xf32, #tpu.memory_space<vmem>>, vector<1x16xf32>,
          %get3A_135 = vector.shape_cast %get3A_134 : vector<1x16xf32> to vector<16xf32>
          %get3A_136 = arith.index_cast %scan3A_119 : i32 to index
          %get3A_137 = arith.constant 16 : index
          %get3A_138 = tpu.vector_load %arg14[%get3A_136, %get3A_137] {strides = array<i32>} : memref<128x128xf32, #tpu.memory_space<vmem>>, vector<1x16xf32>,
          %get3A_139 = vector.shape_cast %get3A_138 : vector<1x16xf32> to vector<16xf32>
          %add3A_140 = arith.addf %get3A_135, %get3A_139 : vector<16xf32>
          %swap3A_141 = arith.index_cast %scan3A_119 : i32 to index
          %swap3A_142 = arith.constant 16 : index
          %swap3A_143 = tpu.vector_load %arg12[%swap3A_141, %swap3A_142] {strides = array<i32>} : memref<128x128xf32, #tpu.memory_space<vmem>>, vector<1x16xf32>,
          %swap3A_144 = vector.shape_cast %swap3A_143 : vector<1x16xf32> to vector<16xf32>
          %swap3A_145 = vector.shape_cast %add3A_140 : vector<16xf32> to vector<1x16xf32>
          tpu.vector_store %arg12[%swap3A_141, %swap3A_142], %swap3A_145 {strides = array<i32>} : memref<128x128xf32, #tpu.memory_space<vmem>>, vector<1x16xf32>,
          %get3A_146 = arith.index_cast %scan3A_119 : i32 to index
          %get3A_147 = arith.constant 32 : index
          %get3A_148 = tpu.vector_load %arg12[%get3A_146, %get3A_147] {strides = array<i32>} : memref<128x128xf32, #tpu.memory_space<vmem>>, vector<1x16xf32>,
          %get3A_149 = vector.shape_cast %get3A_148 : vector<1x16xf32> to vector<16xf32>
          %get3A_150 = arith.index_cast %scan3A_119 : i32 to index
          %get3A_151 = arith.constant 32 : index
          %get3A_152 = tpu.vector_load %arg14[%get3A_150, %get3A_151] {strides = array<i32>} : memref<128x128xf32, #tpu.memory_space<vmem>>, vector<1x16xf32>,
          %get3A_153 = vector.shape_cast %get3A_152 : vector<1x16xf32> to vector<16xf32>
          %add3A_154 = arith.addf %get3A_149, %get3A_153 : vector<16xf32>
          %swap3A_155 = arith.index_cast %scan3A_119 : i32 to index
          %swap3A_156 = arith.constant 32 : index
          %swap3A_157 = tpu.vector_load %arg12[%swap3A_155, %swap3A_156] {strides = array<i32>} : memref<128x128xf32, #tpu.memory_space<vmem>>, vector<1x16xf32>,
          %swap3A_158 = vector.shape_cast %swap3A_157 : vector<1x16xf32> to vector<16xf32>
          %swap3A_159 = vector.shape_cast %add3A_154 : vector<16xf32> to vector<1x16xf32>
          tpu.vector_store %arg12[%swap3A_155, %swap3A_156], %swap3A_159 {strides = array<i32>} : memref<128x128xf32, #tpu.memory_space<vmem>>, vector<1x16xf32>,
          %get3A_160 = arith.index_cast %scan3A_119 : i32 to index
          %get3A_161 = arith.constant 48 : index
          %get3A_162 = tpu.vector_load %arg12[%get3A_160, %get3A_161] {strides = array<i32>} : memref<128x128xf32, #tpu.memory_space<vmem>>, vector<1x16xf32>,
          %get3A_163 = vector.shape_cast %get3A_162 : vector<1x16xf32> to vector<16xf32>
          %get3A_164 = arith.index_cast %scan3A_119 : i32 to index
          %get3A_165 = arith.constant 48 : index
          %get3A_166 = tpu.vector_load %arg14[%get3A_164, %get3A_165] {strides = array<i32>} : memref<128x128xf32, #tpu.memory_space<vmem>>, vector<1x16xf32>,
          %get3A_167 = vector.shape_cast %get3A_166 : vector<1x16xf32> to vector<16xf32>
          %add3A_168 = arith.addf %get3A_163, %get3A_167 : vector<16xf32>
          %swap3A_169 = arith.index_cast %scan3A_119 : i32 to index
          %swap3A_170 = arith.constant 48 : index
          %swap3A_171 = tpu.vector_load %arg12[%swap3A_169, %swap3A_170] {strides = array<i32>} : memref<128x128xf32, #tpu.memory_space<vmem>>, vector<1x16xf32>,
          %swap3A_172 = vector.shape_cast %swap3A_171 : vector<1x16xf32> to vector<16xf32>
          %swap3A_173 = vector.shape_cast %add3A_168 : vector<16xf32> to vector<1x16xf32>
          tpu.vector_store %arg12[%swap3A_169, %swap3A_170], %swap3A_173 {strides = array<i32>} : memref<128x128xf32, #tpu.memory_space<vmem>>, vector<1x16xf32>,
          %get3A_174 = arith.index_cast %scan3A_119 : i32 to index
          %get3A_175 = arith.constant 64 : index
          %get3A_176 = tpu.vector_load %arg12[%get3A_174, %get3A_175] {strides = array<i32>} : memref<128x128xf32, #tpu.memory_space<vmem>>, vector<1x16xf32>,
          %get3A_177 = vector.shape_cast %get3A_176 : vector<1x16xf32> to vector<16xf32>
          %get3A_178 = arith.index_cast %scan3A_119 : i32 to index
          %get3A_179 = arith.constant 64 : index
          %get3A_180 = tpu.vector_load %arg14[%get3A_178, %get3A_179] {strides = array<i32>} : memref<128x128xf32, #tpu.memory_space<vmem>>, vector<1x16xf32>,
          %get3A_181 = vector.shape_cast %get3A_180 : vector<1x16xf32> to vector<16xf32>
          %add3A_182 = arith.addf %get3A_177, %get3A_181 : vector<16xf32>
          %swap3A_183 = arith.index_cast %scan3A_119 : i32 to index
          %swap3A_184 = arith.constant 64 : index
          %swap3A_185 = tpu.vector_load %arg12[%swap3A_183, %swap3A_184] {strides = array<i32>} : memref<128x128xf32, #tpu.memory_space<vmem>>, vector<1x16xf32>,
          %swap3A_186 = vector.shape_cast %swap3A_185 : vector<1x16xf32> to vector<16xf32>
          %swap3A_187 = vector.shape_cast %add3A_182 : vector<16xf32> to vector<1x16xf32>
          tpu.vector_store %arg12[%swap3A_183, %swap3A_184], %swap3A_187 {strides = array<i32>} : memref<128x128xf32, #tpu.memory_space<vmem>>, vector<1x16xf32>,
          %get3A_188 = arith.index_cast %scan3A_119 : i32 to index
          %get3A_189 = arith.constant 80 : index
          %get3A_190 = tpu.vector_load %arg12[%get3A_188, %get3A_189] {strides = array<i32>} : memref<128x128xf32, #tpu.memory_space<vmem>>, vector<1x16xf32>,
          %get3A_191 = vector.shape_cast %get3A_190 : vector<1x16xf32> to vector<16xf32>
          %get3A_192 = arith.index_cast %scan3A_119 : i32 to index
          %get3A_193 = arith.constant 80 : index
          %get3A_194 = tpu.vector_load %arg14[%get3A_192, %get3A_193] {strides = array<i32>} : memref<128x128xf32, #tpu.memory_space<vmem>>, vector<1x16xf32>,
          %get3A_195 = vector.shape_cast %get3A_194 : vector<1x16xf32> to vector<16xf32>
          %add3A_196 = arith.addf %get3A_191, %get3A_195 : vector<16xf32>
          %swap3A_197 = arith.index_cast %scan3A_119 : i32 to index
          %swap3A_198 = arith.constant 80 : index
          %swap3A_199 = tpu.vector_load %arg12[%swap3A_197, %swap3A_198] {strides = array<i32>} : memref<128x128xf32, #tpu.memory_space<vmem>>, vector<1x16xf32>,
          %swap3A_200 = vector.shape_cast %swap3A_199 : vector<1x16xf32> to vector<16xf32>
          %swap3A_201 = vector.shape_cast %add3A_196 : vector<16xf32> to vector<1x16xf32>
          tpu.vector_store %arg12[%swap3A_197, %swap3A_198], %swap3A_201 {strides = array<i32>} : memref<128x128xf32, #tpu.memory_space<vmem>>, vector<1x16xf32>,
          %get3A_202 = arith.index_cast %scan3A_119 : i32 to index
          %get3A_203 = arith.constant 96 : index
          %get3A_204 = tpu.vector_load %arg12[%get3A_202, %get3A_203] {strides = array<i32>} : memref<128x128xf32, #tpu.memory_space<vmem>>, vector<1x16xf32>,
          %get3A_205 = vector.shape_cast %get3A_204 : vector<1x16xf32> to vector<16xf32>
          %get3A_206 = arith.index_cast %scan3A_119 : i32 to index
          %get3A_207 = arith.constant 96 : index
          %get3A_208 = tpu.vector_load %arg14[%get3A_206, %get3A_207] {strides = array<i32>} : memref<128x128xf32, #tpu.memory_space<vmem>>, vector<1x16xf32>,
          %get3A_209 = vector.shape_cast %get3A_208 : vector<1x16xf32> to vector<16xf32>
          %add3A_210 = arith.addf %get3A_205, %get3A_209 : vector<16xf32>
          %swap3A_211 = arith.index_cast %scan3A_119 : i32 to index
          %swap3A_212 = arith.constant 96 : index
          %swap3A_213 = tpu.vector_load %arg12[%swap3A_211, %swap3A_212] {strides = array<i32>} : memref<128x128xf32, #tpu.memory_space<vmem>>, vector<1x16xf32>,
          %swap3A_214 = vector.shape_cast %swap3A_213 : vector<1x16xf32> to vector<16xf32>
          %swap3A_215 = vector.shape_cast %add3A_210 : vector<16xf32> to vector<1x16xf32>
          tpu.vector_store %arg12[%swap3A_211, %swap3A_212], %swap3A_215 {strides = array<i32>} : memref<128x128xf32, #tpu.memory_space<vmem>>, vector<1x16xf32>,
          %get3A_216 = arith.index_cast %scan3A_119 : i32 to index
          %get3A_217 = arith.constant 112 : index
          %get3A_218 = tpu.vector_load %arg12[%get3A_216, %get3A_217] {strides = array<i32>} : memref<128x128xf32, #tpu.memory_space<vmem>>, vector<1x16xf32>,
          %get3A_219 = vector.shape_cast %get3A_218 : vector<1x16xf32> to vector<16xf32>
          %get3A_220 = arith.index_cast %scan3A_119 : i32 to index
          %get3A_221 = arith.constant 112 : index
          %get3A_222 = tpu.vector_load %arg14[%get3A_220, %get3A_221] {strides = array<i32>} : memref<128x128xf32, #tpu.memory_space<vmem>>, vector<1x16xf32>,
          %get3A_223 = vector.shape_cast %get3A_222 : vector<1x16xf32> to vector<16xf32>
          %add3A_224 = arith.addf %get3A_219, %get3A_223 : vector<16xf32>
          %swap3A_225 = arith.index_cast %scan3A_119 : i32 to index
          %swap3A_226 = arith.constant 112 : index
          %swap3A_227 = tpu.vector_load %arg12[%swap3A_225, %swap3A_226] {strides = array<i32>} : memref<128x128xf32, #tpu.memory_space<vmem>>, vector<1x16xf32>,
          %swap3A_228 = vector.shape_cast %swap3A_227 : vector<1x16xf32> to vector<16xf32>
          %swap3A_229 = vector.shape_cast %add3A_224 : vector<16xf32> to vector<1x16xf32>
          tpu.vector_store %arg12[%swap3A_225, %swap3A_226], %swap3A_229 {strides = array<i32>} : memref<128x128xf32, #tpu.memory_space<vmem>>, vector<1x16xf32>,
        }
        %scan3A_113 = arith.constant 128 : i32
        %mul3A_114 = arith.constant 32 : i32
        %mul3A_115 = arith.muli %add3A_76, %mul3A_114 : i32
        %add3A_116 = arith.addi %mul3A_115, %add3A : i32
        %mul3A_117 = arith.constant 128 : i32
        %mul3A_118 = arith.muli %add3A_116, %mul3A_117 : i32
        "tpu.region"() ({
          %run_scoped3A = tpu.sem_alloc : memref<!tpu.dma_semaphore, #tpu.memory_space<semaphore_mem>>
          %dma_start3A_119 = arith.constant 0 : i32
          %dma_start3A_120 = tpu.memref_slice %arg6[%mul3A_118, %dma_start3A_119] : memref<80000x128xf32, #tpu.memory_space<hbm>> -> memref<128x128xf32, #tpu.memory_space<hbm>>
          %dma_start3A_121 = arith.constant 0 : i32
          %dma_start3A_122 = tpu.memref_slice %arg6[%mul3A_118, %dma_start3A_121] : memref<80000x128xf32, #tpu.memory_space<hbm>> -> memref<128x128xf32, #tpu.memory_space<hbm>>
          tpu.enqueue_dma source(%arg12 : memref<128x128xf32, #tpu.memory_space<vmem>>) target(%dma_start3A_122 : memref<128x128xf32, #tpu.memory_space<hbm>>) target_semaphore(%run_scoped3A : memref<!tpu.dma_semaphore, #tpu.memory_space<semaphore_mem>>)
          %dma_wait3A_123 = arith.constant 0 : i32
          %dma_wait3A_124 = tpu.memref_slice %arg6[%mul3A_118, %dma_wait3A_123] : memref<80000x128xf32, #tpu.memory_space<hbm>> -> memref<128x128xf32, #tpu.memory_space<hbm>>
          %dma_wait3A_125 = arith.constant 0 : i32
          %dma_wait3A_126 = tpu.memref_slice %arg6[%mul3A_118, %dma_wait3A_125] : memref<80000x128xf32, #tpu.memory_space<hbm>> -> memref<128x128xf32, #tpu.memory_space<hbm>>
          tpu.wait_dma2 semaphore(%run_scoped3A : memref<!tpu.dma_semaphore, #tpu.memory_space<semaphore_mem>>) src(%arg12 : memref<128x128xf32, #tpu.memory_space<vmem>>) dst(%dma_wait3A_126 : memref<128x128xf32, #tpu.memory_space<hbm>>)
          tpu.yield
        }) : () -> ()
      } else {
      }
    }
    %scan3A_39 = arith.constant 10 : i32
    return
  }
}

#map = affine_map<(d0, d1) -> (0, 0)>
#map1 = affine_map<(d0, d1) -> (0)>
module attributes {stable_mosaic.version = 14 : i64} {
  func.func @scatter_body(%arg0: i32, %arg1: i32, %arg2: memref<80000x128xf32, #tpu.memory_space<hbm>>, %arg3: memref<160000xi32, #tpu.memory_space<hbm>>, %arg4: memref<10240x128xf32, #tpu.memory_space<hbm>>, %arg5: memref<128xi32, #tpu.memory_space<vmem>>, %arg6: memref<128xi32, #tpu.memory_space<vmem>>, %arg7: memref<128x128xf32, #tpu.memory_space<vmem>>, %arg8: memref<128x128xf32, #tpu.memory_space<vmem>>, %arg9: memref<!tpu.dma_semaphore, #tpu.memory_space<semaphore_mem>>, %arg10: memref<!tpu.dma_semaphore, #tpu.memory_space<semaphore_mem>>, %arg11: memref<!tpu.dma_semaphore, #tpu.memory_space<semaphore_mem>>, %arg12: memref<!tpu.dma_semaphore, #tpu.memory_space<semaphore_mem>>, %arg13: memref<!tpu.dma_semaphore, #tpu.memory_space<semaphore_mem>>, %arg14: memref<!tpu.dma_semaphore, #tpu.memory_space<semaphore_mem>>, %arg15: memref<10240x128xf32, #tpu.memory_space<vmem_shared>>) attributes {dimension_semantics = [#tpu.dimension_semantics<core_parallel>, #tpu.dimension_semantics<subcore_parallel>], iteration_bounds = array<i64: 1, 16>, scalar_prefetch = 0 : i64, scratch_operands = 11 : i64, tpu.core_type = #tpu.core_type<sc_vector_subcore>, window_params = [{transform_indices = #map}, {transform_indices = #map1}, {transform_indices = #map}]} {
    %scan3A = arith.constant 0 : i32
    %scan3A_0 = arith.constant 0 : i32
    %scan3A_1 = arith.constant 128 : i32
    %scan3A_2 = arith.addi %scan3A_0, %scan3A_1 : i32
    %scan3A_3 = arith.constant 1 : i32
    scf.for %scan3A_45 = %scan3A_0 to %scan3A_2 step %scan3A_3  : i32 {
      %broadcast_in_dim3A = arith.constant 0.000000e+00 : f32
      %broadcast_in_dim3A_46 = vector.broadcast %broadcast_in_dim3A : f32 to vector<16xf32>
      %swap3A = arith.index_cast %scan3A_45 : i32 to index
      %swap3A_47 = arith.constant 0 : index
      %swap3A_48 = tpu.vector_load %arg7[%swap3A, %swap3A_47] {strides = array<i32>} : memref<128x128xf32, #tpu.memory_space<vmem>>, vector<1x16xf32>,
      %swap3A_49 = vector.shape_cast %swap3A_48 : vector<1x16xf32> to vector<16xf32>
      %swap3A_50 = vector.shape_cast %broadcast_in_dim3A_46 : vector<16xf32> to vector<1x16xf32>
      tpu.vector_store %arg7[%swap3A, %swap3A_47], %swap3A_50 {strides = array<i32>} : memref<128x128xf32, #tpu.memory_space<vmem>>, vector<1x16xf32>,
      %broadcast_in_dim3A_51 = arith.constant 0.000000e+00 : f32
      %broadcast_in_dim3A_52 = vector.broadcast %broadcast_in_dim3A_51 : f32 to vector<16xf32>
      %swap3A_53 = arith.index_cast %scan3A_45 : i32 to index
      %swap3A_54 = arith.constant 16 : index
      %swap3A_55 = tpu.vector_load %arg7[%swap3A_53, %swap3A_54] {strides = array<i32>} : memref<128x128xf32, #tpu.memory_space<vmem>>, vector<1x16xf32>,
      %swap3A_56 = vector.shape_cast %swap3A_55 : vector<1x16xf32> to vector<16xf32>
      %swap3A_57 = vector.shape_cast %broadcast_in_dim3A_52 : vector<16xf32> to vector<1x16xf32>
      tpu.vector_store %arg7[%swap3A_53, %swap3A_54], %swap3A_57 {strides = array<i32>} : memref<128x128xf32, #tpu.memory_space<vmem>>, vector<1x16xf32>,
      %broadcast_in_dim3A_58 = arith.constant 0.000000e+00 : f32
      %broadcast_in_dim3A_59 = vector.broadcast %broadcast_in_dim3A_58 : f32 to vector<16xf32>
      %swap3A_60 = arith.index_cast %scan3A_45 : i32 to index
      %swap3A_61 = arith.constant 32 : index
      %swap3A_62 = tpu.vector_load %arg7[%swap3A_60, %swap3A_61] {strides = array<i32>} : memref<128x128xf32, #tpu.memory_space<vmem>>, vector<1x16xf32>,
      %swap3A_63 = vector.shape_cast %swap3A_62 : vector<1x16xf32> to vector<16xf32>
      %swap3A_64 = vector.shape_cast %broadcast_in_dim3A_59 : vector<16xf32> to vector<1x16xf32>
      tpu.vector_store %arg7[%swap3A_60, %swap3A_61], %swap3A_64 {strides = array<i32>} : memref<128x128xf32, #tpu.memory_space<vmem>>, vector<1x16xf32>,
      %broadcast_in_dim3A_65 = arith.constant 0.000000e+00 : f32
      %broadcast_in_dim3A_66 = vector.broadcast %broadcast_in_dim3A_65 : f32 to vector<16xf32>
      %swap3A_67 = arith.index_cast %scan3A_45 : i32 to index
      %swap3A_68 = arith.constant 48 : index
      %swap3A_69 = tpu.vector_load %arg7[%swap3A_67, %swap3A_68] {strides = array<i32>} : memref<128x128xf32, #tpu.memory_space<vmem>>, vector<1x16xf32>,
      %swap3A_70 = vector.shape_cast %swap3A_69 : vector<1x16xf32> to vector<16xf32>
      %swap3A_71 = vector.shape_cast %broadcast_in_dim3A_66 : vector<16xf32> to vector<1x16xf32>
      tpu.vector_store %arg7[%swap3A_67, %swap3A_68], %swap3A_71 {strides = array<i32>} : memref<128x128xf32, #tpu.memory_space<vmem>>, vector<1x16xf32>,
      %broadcast_in_dim3A_72 = arith.constant 0.000000e+00 : f32
      %broadcast_in_dim3A_73 = vector.broadcast %broadcast_in_dim3A_72 : f32 to vector<16xf32>
      %swap3A_74 = arith.index_cast %scan3A_45 : i32 to index
      %swap3A_75 = arith.constant 64 : index
      %swap3A_76 = tpu.vector_load %arg7[%swap3A_74, %swap3A_75] {strides = array<i32>} : memref<128x128xf32, #tpu.memory_space<vmem>>, vector<1x16xf32>,
      %swap3A_77 = vector.shape_cast %swap3A_76 : vector<1x16xf32> to vector<16xf32>
      %swap3A_78 = vector.shape_cast %broadcast_in_dim3A_73 : vector<16xf32> to vector<1x16xf32>
      tpu.vector_store %arg7[%swap3A_74, %swap3A_75], %swap3A_78 {strides = array<i32>} : memref<128x128xf32, #tpu.memory_space<vmem>>, vector<1x16xf32>,
      %broadcast_in_dim3A_79 = arith.constant 0.000000e+00 : f32
      %broadcast_in_dim3A_80 = vector.broadcast %broadcast_in_dim3A_79 : f32 to vector<16xf32>
      %swap3A_81 = arith.index_cast %scan3A_45 : i32 to index
      %swap3A_82 = arith.constant 80 : index
      %swap3A_83 = tpu.vector_load %arg7[%swap3A_81, %swap3A_82] {strides = array<i32>} : memref<128x128xf32, #tpu.memory_space<vmem>>, vector<1x16xf32>,
      %swap3A_84 = vector.shape_cast %swap3A_83 : vector<1x16xf32> to vector<16xf32>
      %swap3A_85 = vector.shape_cast %broadcast_in_dim3A_80 : vector<16xf32> to vector<1x16xf32>
      tpu.vector_store %arg7[%swap3A_81, %swap3A_82], %swap3A_85 {strides = array<i32>} : memref<128x128xf32, #tpu.memory_space<vmem>>, vector<1x16xf32>,
      %broadcast_in_dim3A_86 = arith.constant 0.000000e+00 : f32
      %broadcast_in_dim3A_87 = vector.broadcast %broadcast_in_dim3A_86 : f32 to vector<16xf32>
      %swap3A_88 = arith.index_cast %scan3A_45 : i32 to index
      %swap3A_89 = arith.constant 96 : index
      %swap3A_90 = tpu.vector_load %arg7[%swap3A_88, %swap3A_89] {strides = array<i32>} : memref<128x128xf32, #tpu.memory_space<vmem>>, vector<1x16xf32>,
      %swap3A_91 = vector.shape_cast %swap3A_90 : vector<1x16xf32> to vector<16xf32>
      %swap3A_92 = vector.shape_cast %broadcast_in_dim3A_87 : vector<16xf32> to vector<1x16xf32>
      tpu.vector_store %arg7[%swap3A_88, %swap3A_89], %swap3A_92 {strides = array<i32>} : memref<128x128xf32, #tpu.memory_space<vmem>>, vector<1x16xf32>,
      %broadcast_in_dim3A_93 = arith.constant 0.000000e+00 : f32
      %broadcast_in_dim3A_94 = vector.broadcast %broadcast_in_dim3A_93 : f32 to vector<16xf32>
      %swap3A_95 = arith.index_cast %scan3A_45 : i32 to index
      %swap3A_96 = arith.constant 112 : index
      %swap3A_97 = tpu.vector_load %arg7[%swap3A_95, %swap3A_96] {strides = array<i32>} : memref<128x128xf32, #tpu.memory_space<vmem>>, vector<1x16xf32>,
      %swap3A_98 = vector.shape_cast %swap3A_97 : vector<1x16xf32> to vector<16xf32>
      %swap3A_99 = vector.shape_cast %broadcast_in_dim3A_94 : vector<16xf32> to vector<1x16xf32>
      tpu.vector_store %arg7[%swap3A_95, %swap3A_96], %swap3A_99 {strides = array<i32>} : memref<128x128xf32, #tpu.memory_space<vmem>>, vector<1x16xf32>,
    }
    %scan3A_4 = arith.constant 128 : i32
    %mul3A = arith.constant 640 : i32
    %mul3A_5 = arith.muli %arg1, %mul3A : i32
    %add3A = arith.constant 0 : i32
    %add3A_6 = arith.addi %mul3A_5, %add3A : i32
    "tpu.region"() ({
      %run_scoped3A = tpu.sem_alloc : memref<!tpu.dma_semaphore, #tpu.memory_space<semaphore_mem>>
      %dma_start3A_45 = arith.constant 0 : i32
      %dma_start3A_46 = tpu.memref_slice %arg15[%add3A_6, %dma_start3A_45] : memref<10240x128xf32, #tpu.memory_space<vmem_shared>> -> memref<128x128xf32, #tpu.memory_space<vmem_shared>>
      %dma_start3A_47 = arith.constant 0 : i32
      %dma_start3A_48 = tpu.memref_slice %arg15[%add3A_6, %dma_start3A_47] : memref<10240x128xf32, #tpu.memory_space<vmem_shared>> -> memref<128x128xf32, #tpu.memory_space<vmem_shared>>
      tpu.enqueue_dma source(%arg7 : memref<128x128xf32, #tpu.memory_space<vmem>>) target(%dma_start3A_48 : memref<128x128xf32, #tpu.memory_space<vmem_shared>>) target_semaphore(%run_scoped3A : memref<!tpu.dma_semaphore, #tpu.memory_space<semaphore_mem>>)
      %dma_wait3A = arith.constant 0 : i32
      %dma_wait3A_49 = tpu.memref_slice %arg15[%add3A_6, %dma_wait3A] : memref<10240x128xf32, #tpu.memory_space<vmem_shared>> -> memref<128x128xf32, #tpu.memory_space<vmem_shared>>
      %dma_wait3A_50 = arith.constant 0 : i32
      %dma_wait3A_51 = tpu.memref_slice %arg15[%add3A_6, %dma_wait3A_50] : memref<10240x128xf32, #tpu.memory_space<vmem_shared>> -> memref<128x128xf32, #tpu.memory_space<vmem_shared>>
      tpu.wait_dma2 semaphore(%run_scoped3A : memref<!tpu.dma_semaphore, #tpu.memory_space<semaphore_mem>>) src(%arg7 : memref<128x128xf32, #tpu.memory_space<vmem>>) dst(%dma_wait3A_51 : memref<128x128xf32, #tpu.memory_space<vmem_shared>>)
      tpu.yield
    }) : () -> ()
    %mul3A_7 = arith.constant 640 : i32
    %mul3A_8 = arith.muli %arg1, %mul3A_7 : i32
    %add3A_9 = arith.constant 128 : i32
    %add3A_10 = arith.addi %mul3A_8, %add3A_9 : i32
    "tpu.region"() ({
      %run_scoped3A = tpu.sem_alloc : memref<!tpu.dma_semaphore, #tpu.memory_space<semaphore_mem>>
      %dma_start3A_45 = arith.constant 0 : i32
      %dma_start3A_46 = tpu.memref_slice %arg15[%add3A_10, %dma_start3A_45] : memref<10240x128xf32, #tpu.memory_space<vmem_shared>> -> memref<128x128xf32, #tpu.memory_space<vmem_shared>>
      %dma_start3A_47 = arith.constant 0 : i32
      %dma_start3A_48 = tpu.memref_slice %arg15[%add3A_10, %dma_start3A_47] : memref<10240x128xf32, #tpu.memory_space<vmem_shared>> -> memref<128x128xf32, #tpu.memory_space<vmem_shared>>
      tpu.enqueue_dma source(%arg7 : memref<128x128xf32, #tpu.memory_space<vmem>>) target(%dma_start3A_48 : memref<128x128xf32, #tpu.memory_space<vmem_shared>>) target_semaphore(%run_scoped3A : memref<!tpu.dma_semaphore, #tpu.memory_space<semaphore_mem>>)
      %dma_wait3A = arith.constant 0 : i32
      %dma_wait3A_49 = tpu.memref_slice %arg15[%add3A_10, %dma_wait3A] : memref<10240x128xf32, #tpu.memory_space<vmem_shared>> -> memref<128x128xf32, #tpu.memory_space<vmem_shared>>
      %dma_wait3A_50 = arith.constant 0 : i32
      %dma_wait3A_51 = tpu.memref_slice %arg15[%add3A_10, %dma_wait3A_50] : memref<10240x128xf32, #tpu.memory_space<vmem_shared>> -> memref<128x128xf32, #tpu.memory_space<vmem_shared>>
      tpu.wait_dma2 semaphore(%run_scoped3A : memref<!tpu.dma_semaphore, #tpu.memory_space<semaphore_mem>>) src(%arg7 : memref<128x128xf32, #tpu.memory_space<vmem>>) dst(%dma_wait3A_51 : memref<128x128xf32, #tpu.memory_space<vmem_shared>>)
      tpu.yield
    }) : () -> ()
    %mul3A_11 = arith.constant 640 : i32
    %mul3A_12 = arith.muli %arg1, %mul3A_11 : i32
    %add3A_13 = arith.constant 256 : i32
    %add3A_14 = arith.addi %mul3A_12, %add3A_13 : i32
    "tpu.region"() ({
      %run_scoped3A = tpu.sem_alloc : memref<!tpu.dma_semaphore, #tpu.memory_space<semaphore_mem>>
      %dma_start3A_45 = arith.constant 0 : i32
      %dma_start3A_46 = tpu.memref_slice %arg15[%add3A_14, %dma_start3A_45] : memref<10240x128xf32, #tpu.memory_space<vmem_shared>> -> memref<128x128xf32, #tpu.memory_space<vmem_shared>>
      %dma_start3A_47 = arith.constant 0 : i32
      %dma_start3A_48 = tpu.memref_slice %arg15[%add3A_14, %dma_start3A_47] : memref<10240x128xf32, #tpu.memory_space<vmem_shared>> -> memref<128x128xf32, #tpu.memory_space<vmem_shared>>
      tpu.enqueue_dma source(%arg7 : memref<128x128xf32, #tpu.memory_space<vmem>>) target(%dma_start3A_48 : memref<128x128xf32, #tpu.memory_space<vmem_shared>>) target_semaphore(%run_scoped3A : memref<!tpu.dma_semaphore, #tpu.memory_space<semaphore_mem>>)
      %dma_wait3A = arith.constant 0 : i32
      %dma_wait3A_49 = tpu.memref_slice %arg15[%add3A_14, %dma_wait3A] : memref<10240x128xf32, #tpu.memory_space<vmem_shared>> -> memref<128x128xf32, #tpu.memory_space<vmem_shared>>
      %dma_wait3A_50 = arith.constant 0 : i32
      %dma_wait3A_51 = tpu.memref_slice %arg15[%add3A_14, %dma_wait3A_50] : memref<10240x128xf32, #tpu.memory_space<vmem_shared>> -> memref<128x128xf32, #tpu.memory_space<vmem_shared>>
      tpu.wait_dma2 semaphore(%run_scoped3A : memref<!tpu.dma_semaphore, #tpu.memory_space<semaphore_mem>>) src(%arg7 : memref<128x128xf32, #tpu.memory_space<vmem>>) dst(%dma_wait3A_51 : memref<128x128xf32, #tpu.memory_space<vmem_shared>>)
      tpu.yield
    }) : () -> ()
    %mul3A_15 = arith.constant 640 : i32
    %mul3A_16 = arith.muli %arg1, %mul3A_15 : i32
    %add3A_17 = arith.constant 384 : i32
    %add3A_18 = arith.addi %mul3A_16, %add3A_17 : i32
    "tpu.region"() ({
      %run_scoped3A = tpu.sem_alloc : memref<!tpu.dma_semaphore, #tpu.memory_space<semaphore_mem>>
      %dma_start3A_45 = arith.constant 0 : i32
      %dma_start3A_46 = tpu.memref_slice %arg15[%add3A_18, %dma_start3A_45] : memref<10240x128xf32, #tpu.memory_space<vmem_shared>> -> memref<128x128xf32, #tpu.memory_space<vmem_shared>>
      %dma_start3A_47 = arith.constant 0 : i32
      %dma_start3A_48 = tpu.memref_slice %arg15[%add3A_18, %dma_start3A_47] : memref<10240x128xf32, #tpu.memory_space<vmem_shared>> -> memref<128x128xf32, #tpu.memory_space<vmem_shared>>
      tpu.enqueue_dma source(%arg7 : memref<128x128xf32, #tpu.memory_space<vmem>>) target(%dma_start3A_48 : memref<128x128xf32, #tpu.memory_space<vmem_shared>>) target_semaphore(%run_scoped3A : memref<!tpu.dma_semaphore, #tpu.memory_space<semaphore_mem>>)
      %dma_wait3A = arith.constant 0 : i32
      %dma_wait3A_49 = tpu.memref_slice %arg15[%add3A_18, %dma_wait3A] : memref<10240x128xf32, #tpu.memory_space<vmem_shared>> -> memref<128x128xf32, #tpu.memory_space<vmem_shared>>
      %dma_wait3A_50 = arith.constant 0 : i32
      %dma_wait3A_51 = tpu.memref_slice %arg15[%add3A_18, %dma_wait3A_50] : memref<10240x128xf32, #tpu.memory_space<vmem_shared>> -> memref<128x128xf32, #tpu.memory_space<vmem_shared>>
      tpu.wait_dma2 semaphore(%run_scoped3A : memref<!tpu.dma_semaphore, #tpu.memory_space<semaphore_mem>>) src(%arg7 : memref<128x128xf32, #tpu.memory_space<vmem>>) dst(%dma_wait3A_51 : memref<128x128xf32, #tpu.memory_space<vmem_shared>>)
      tpu.yield
    }) : () -> ()
    %mul3A_19 = arith.constant 640 : i32
    %mul3A_20 = arith.muli %arg1, %mul3A_19 : i32
    %add3A_21 = arith.constant 512 : i32
    %add3A_22 = arith.addi %mul3A_20, %add3A_21 : i32
    "tpu.region"() ({
      %run_scoped3A = tpu.sem_alloc : memref<!tpu.dma_semaphore, #tpu.memory_space<semaphore_mem>>
      %dma_start3A_45 = arith.constant 0 : i32
      %dma_start3A_46 = tpu.memref_slice %arg15[%add3A_22, %dma_start3A_45] : memref<10240x128xf32, #tpu.memory_space<vmem_shared>> -> memref<128x128xf32, #tpu.memory_space<vmem_shared>>
      %dma_start3A_47 = arith.constant 0 : i32
      %dma_start3A_48 = tpu.memref_slice %arg15[%add3A_22, %dma_start3A_47] : memref<10240x128xf32, #tpu.memory_space<vmem_shared>> -> memref<128x128xf32, #tpu.memory_space<vmem_shared>>
      tpu.enqueue_dma source(%arg7 : memref<128x128xf32, #tpu.memory_space<vmem>>) target(%dma_start3A_48 : memref<128x128xf32, #tpu.memory_space<vmem_shared>>) target_semaphore(%run_scoped3A : memref<!tpu.dma_semaphore, #tpu.memory_space<semaphore_mem>>)
      %dma_wait3A = arith.constant 0 : i32
      %dma_wait3A_49 = tpu.memref_slice %arg15[%add3A_22, %dma_wait3A] : memref<10240x128xf32, #tpu.memory_space<vmem_shared>> -> memref<128x128xf32, #tpu.memory_space<vmem_shared>>
      %dma_wait3A_50 = arith.constant 0 : i32
      %dma_wait3A_51 = tpu.memref_slice %arg15[%add3A_22, %dma_wait3A_50] : memref<10240x128xf32, #tpu.memory_space<vmem_shared>> -> memref<128x128xf32, #tpu.memory_space<vmem_shared>>
      tpu.wait_dma2 semaphore(%run_scoped3A : memref<!tpu.dma_semaphore, #tpu.memory_space<semaphore_mem>>) src(%arg7 : memref<128x128xf32, #tpu.memory_space<vmem>>) dst(%dma_wait3A_51 : memref<128x128xf32, #tpu.memory_space<vmem_shared>>)
      tpu.yield
    }) : () -> ()
    %barrier3A = arith.constant 0 : index
    tpu.barrier barrier_id(%barrier3A)
    %add3A_23 = arith.constant 0 : i32
    %add3A_24 = arith.addi %add3A_23, %arg1 : i32
    %mul3A_25 = arith.constant 128 : i32
    %mul3A_26 = arith.muli %add3A_24, %mul3A_25 : i32
    %add3A_27 = arith.constant 0 : i32
    %add3A_28 = arith.addi %add3A_27, %mul3A_26 : i32
    %dma_start3A = tpu.memref_slice %arg3[%add3A_28] : memref<160000xi32, #tpu.memory_space<hbm>> -> memref<128xi32, #tpu.memory_space<hbm>>
    %dma_start3A_29 = tpu.memref_slice %arg3[%add3A_28] : memref<160000xi32, #tpu.memory_space<hbm>> -> memref<128xi32, #tpu.memory_space<hbm>>
    tpu.enqueue_dma source(%dma_start3A_29 : memref<128xi32, #tpu.memory_space<hbm>>) target(%arg5 : memref<128xi32, #tpu.memory_space<vmem>>) target_semaphore(%arg9 : memref<!tpu.dma_semaphore, #tpu.memory_space<semaphore_mem>>)
    %dma_start3A_30 = arith.constant 0 : i32
    %dma_start3A_31 = tpu.memref_slice %arg2[%mul3A_26, %dma_start3A_30] : memref<80000x128xf32, #tpu.memory_space<hbm>> -> memref<128x128xf32, #tpu.memory_space<hbm>>
    %dma_start3A_32 = arith.constant 0 : i32
    %dma_start3A_33 = tpu.memref_slice %arg2[%mul3A_26, %dma_start3A_32] : memref<80000x128xf32, #tpu.memory_space<hbm>> -> memref<128x128xf32, #tpu.memory_space<hbm>>
    tpu.enqueue_dma source(%dma_start3A_33 : memref<128x128xf32, #tpu.memory_space<hbm>>) target(%arg7 : memref<128x128xf32, #tpu.memory_space<vmem>>) target_semaphore(%arg11 : memref<!tpu.dma_semaphore, #tpu.memory_space<semaphore_mem>>)
    %scan3A_34 = arith.constant 0 : i32
    %scan3A_35 = arith.constant 0 : i32
    %scan3A_36 = arith.constant 21 : i32
    %scan3A_37 = arith.addi %scan3A_35, %scan3A_36 : i32
    %scan3A_38 = arith.constant 1 : i32
    scf.for %scan3A_45 = %scan3A_35 to %scan3A_37 step %scan3A_38  : i32 {
      %mul3A_46 = arith.constant 2 : i32
      %mul3A_47 = arith.muli %mul3A_46, %scan3A_45 : i32
      %add3A_48 = arith.constant 0 : i32
      %add3A_49 = arith.addi %mul3A_47, %add3A_48 : i32
      %sub3A = arith.constant 1 : i32
      %sub3A_50 = arith.subi %add3A_49, %sub3A : i32
      %mul3A_51 = arith.constant 16 : i32
      %mul3A_52 = arith.muli %sub3A_50, %mul3A_51 : i32
      %add3A_53 = arith.addi %mul3A_52, %arg1 : i32
      %lt3A = arith.constant 625 : i32
      %lt3A_54 = arith.cmpi slt, %add3A_53, %lt3A : i32
      %gt3A = arith.constant 0 : i32
      %gt3A_55 = arith.cmpi sgt, %scan3A_45, %gt3A : i32
      %and3A = arith.andi %gt3A_55, %lt3A_54 : i1
      %convert_element_type3A = arith.extui %and3A : i1 to i32
      %cond3A = arith.constant 0 : i32
      %cond3A_56 = arith.cmpi ne, %convert_element_type3A, %cond3A : i32
      scf.if %cond3A_56 {
        %dma_wait3A = arith.constant 0 : i32
        %dma_wait3A_109 = arith.constant 0 : i32
        %dma_wait3A_110 = tpu.memref_slice %arg15[%dma_wait3A, %dma_wait3A_109] : memref<10240x128xf32, #tpu.memory_space<vmem_shared>> -> memref<10240x128xf32, #tpu.memory_space<vmem_shared>>
        tpu.wait_indirect_dma semaphore(%arg14 : memref<!tpu.dma_semaphore, #tpu.memory_space<semaphore_mem>>) src(%arg8 : memref<128x128xf32, #tpu.memory_space<vmem>>) dst(%dma_wait3A_110 : memref<10240x128xf32, #tpu.memory_space<vmem_shared>>)
      } else {
      }
      %mul3A_57 = arith.constant 16 : i32
      %mul3A_58 = arith.muli %add3A_49, %mul3A_57 : i32
      %add3A_59 = arith.addi %mul3A_58, %arg1 : i32
      %lt3A_60 = arith.constant 625 : i32
      %lt3A_61 = arith.cmpi slt, %add3A_59, %lt3A_60 : i32
      %add3A_62 = arith.constant 1 : i32
      %add3A_63 = arith.addi %add3A_49, %add3A_62 : i32
      %mul3A_64 = arith.constant 16 : i32
      %mul3A_65 = arith.muli %add3A_63, %mul3A_64 : i32
      %add3A_66 = arith.addi %mul3A_65, %arg1 : i32
      %lt3A_67 = arith.constant 625 : i32
      %lt3A_68 = arith.cmpi slt, %add3A_66, %lt3A_67 : i32
      %and3A_69 = arith.andi %lt3A_61, %lt3A_68 : i1
      %convert_element_type3A_70 = arith.extui %and3A_69 : i1 to i32
      %cond3A_71 = arith.constant 0 : i32
      %cond3A_72 = arith.cmpi ne, %convert_element_type3A_70, %cond3A_71 : i32
      scf.if %cond3A_72 {
        %add3A_109 = arith.constant 1 : i32
        %add3A_110 = arith.addi %add3A_49, %add3A_109 : i32
        %mul3A_111 = arith.constant 16 : i32
        %mul3A_112 = arith.muli %add3A_110, %mul3A_111 : i32
        %add3A_113 = arith.addi %mul3A_112, %arg1 : i32
        %mul3A_114 = arith.constant 128 : i32
        %mul3A_115 = arith.muli %add3A_113, %mul3A_114 : i32
        %add3A_116 = arith.constant 0 : i32
        %add3A_117 = arith.addi %add3A_116, %mul3A_115 : i32
        %dma_start3A_118 = tpu.memref_slice %arg3[%add3A_117] : memref<160000xi32, #tpu.memory_space<hbm>> -> memref<128xi32, #tpu.memory_space<hbm>>
        %dma_start3A_119 = tpu.memref_slice %arg3[%add3A_117] : memref<160000xi32, #tpu.memory_space<hbm>> -> memref<128xi32, #tpu.memory_space<hbm>>
        tpu.enqueue_dma source(%dma_start3A_119 : memref<128xi32, #tpu.memory_space<hbm>>) target(%arg6 : memref<128xi32, #tpu.memory_space<vmem>>) target_semaphore(%arg10 : memref<!tpu.dma_semaphore, #tpu.memory_space<semaphore_mem>>)
        %dma_start3A_120 = arith.constant 0 : i32
        %dma_start3A_121 = tpu.memref_slice %arg2[%mul3A_115, %dma_start3A_120] : memref<80000x128xf32, #tpu.memory_space<hbm>> -> memref<128x128xf32, #tpu.memory_space<hbm>>
        %dma_start3A_122 = arith.constant 0 : i32
        %dma_start3A_123 = tpu.memref_slice %arg2[%mul3A_115, %dma_start3A_122] : memref<80000x128xf32, #tpu.memory_space<hbm>> -> memref<128x128xf32, #tpu.memory_space<hbm>>
        tpu.enqueue_dma source(%dma_start3A_123 : memref<128x128xf32, #tpu.memory_space<hbm>>) target(%arg8 : memref<128x128xf32, #tpu.memory_space<vmem>>) target_semaphore(%arg12 : memref<!tpu.dma_semaphore, #tpu.memory_space<semaphore_mem>>)
      } else {
      }
      %convert_element_type3A_73 = arith.extui %lt3A_61 : i1 to i32
      %cond3A_74 = arith.constant 0 : i32
      %cond3A_75 = arith.cmpi ne, %convert_element_type3A_73, %cond3A_74 : i32
      scf.if %cond3A_75 {
        %mul3A_109 = arith.constant 16 : i32
        %mul3A_110 = arith.muli %add3A_49, %mul3A_109 : i32
        %add3A_111 = arith.addi %mul3A_110, %arg1 : i32
        %mul3A_112 = arith.constant 128 : i32
        %mul3A_113 = arith.muli %add3A_111, %mul3A_112 : i32
        %add3A_114 = arith.constant 0 : i32
        %add3A_115 = arith.addi %add3A_114, %mul3A_113 : i32
        %dma_wait3A = tpu.memref_slice %arg3[%add3A_115] : memref<160000xi32, #tpu.memory_space<hbm>> -> memref<128xi32, #tpu.memory_space<hbm>>
        %dma_wait3A_116 = tpu.memref_slice %arg3[%add3A_115] : memref<160000xi32, #tpu.memory_space<hbm>> -> memref<128xi32, #tpu.memory_space<hbm>>
        tpu.wait_dma2 semaphore(%arg9 : memref<!tpu.dma_semaphore, #tpu.memory_space<semaphore_mem>>) src(%dma_wait3A_116 : memref<128xi32, #tpu.memory_space<hbm>>) dst(%arg5 : memref<128xi32, #tpu.memory_space<vmem>>)
        %dma_wait3A_117 = arith.constant 0 : i32
        %dma_wait3A_118 = tpu.memref_slice %arg2[%mul3A_113, %dma_wait3A_117] : memref<80000x128xf32, #tpu.memory_space<hbm>> -> memref<128x128xf32, #tpu.memory_space<hbm>>
        %dma_wait3A_119 = arith.constant 0 : i32
        %dma_wait3A_120 = tpu.memref_slice %arg2[%mul3A_113, %dma_wait3A_119] : memref<80000x128xf32, #tpu.memory_space<hbm>> -> memref<128x128xf32, #tpu.memory_space<hbm>>
        tpu.wait_dma2 semaphore(%arg11 : memref<!tpu.dma_semaphore, #tpu.memory_space<semaphore_mem>>) src(%dma_wait3A_120 : memref<128x128xf32, #tpu.memory_space<hbm>>) dst(%arg7 : memref<128x128xf32, #tpu.memory_space<vmem>>)
        %dma_start3A_121 = arith.constant 0 : i32
        %dma_start3A_122 = arith.constant 0 : i32
        %dma_start3A_123 = tpu.memref_slice %arg15[%dma_start3A_121, %dma_start3A_122] : memref<10240x128xf32, #tpu.memory_space<vmem_shared>> -> memref<10240x128xf32, #tpu.memory_space<vmem_shared>>
        tpu.enqueue_indirect_dma source(%arg7 : memref<128x128xf32, #tpu.memory_space<vmem>>) target(%dma_start3A_123 : memref<10240x128xf32, #tpu.memory_space<vmem_shared>>) offsets(%arg5 : memref<128xi32, #tpu.memory_space<vmem>>) semaphore(%arg13 : memref<!tpu.dma_semaphore, #tpu.memory_space<semaphore_mem>>) {add = true}
      } else {
      }
      %mul3A_76 = arith.constant 2 : i32
      %mul3A_77 = arith.muli %mul3A_76, %scan3A_45 : i32
      %add3A_78 = arith.constant 1 : i32
      %add3A_79 = arith.addi %mul3A_77, %add3A_78 : i32
      %sub3A_80 = arith.constant 1 : i32
      %sub3A_81 = arith.subi %add3A_79, %sub3A_80 : i32
      %mul3A_82 = arith.constant 16 : i32
      %mul3A_83 = arith.muli %sub3A_81, %mul3A_82 : i32
      %add3A_84 = arith.addi %mul3A_83, %arg1 : i32
      %lt3A_85 = arith.constant 625 : i32
      %lt3A_86 = arith.cmpi slt, %add3A_84, %lt3A_85 : i32
      %convert_element_type3A_87 = arith.extui %lt3A_86 : i1 to i32
      %cond3A_88 = arith.constant 0 : i32
      %cond3A_89 = arith.cmpi ne, %convert_element_type3A_87, %cond3A_88 : i32
      scf.if %cond3A_89 {
        %dma_wait3A = arith.constant 0 : i32
        %dma_wait3A_109 = arith.constant 0 : i32
        %dma_wait3A_110 = tpu.memref_slice %arg15[%dma_wait3A, %dma_wait3A_109] : memref<10240x128xf32, #tpu.memory_space<vmem_shared>> -> memref<10240x128xf32, #tpu.memory_space<vmem_shared>>
        tpu.wait_indirect_dma semaphore(%arg13 : memref<!tpu.dma_semaphore, #tpu.memory_space<semaphore_mem>>) src(%arg7 : memref<128x128xf32, #tpu.memory_space<vmem>>) dst(%dma_wait3A_110 : memref<10240x128xf32, #tpu.memory_space<vmem_shared>>)
      } else {
      }
      %mul3A_90 = arith.constant 16 : i32
      %mul3A_91 = arith.muli %add3A_79, %mul3A_90 : i32
      %add3A_92 = arith.addi %mul3A_91, %arg1 : i32
      %lt3A_93 = arith.constant 625 : i32
      %lt3A_94 = arith.cmpi slt, %add3A_92, %lt3A_93 : i32
      %add3A_95 = arith.constant 1 : i32
      %add3A_96 = arith.addi %add3A_79, %add3A_95 : i32
      %mul3A_97 = arith.constant 16 : i32
      %mul3A_98 = arith.muli %add3A_96, %mul3A_97 : i32
      %add3A_99 = arith.addi %mul3A_98, %arg1 : i32
      %lt3A_100 = arith.constant 625 : i32
      %lt3A_101 = arith.cmpi slt, %add3A_99, %lt3A_100 : i32
      %and3A_102 = arith.andi %lt3A_94, %lt3A_101 : i1
      %convert_element_type3A_103 = arith.extui %and3A_102 : i1 to i32
      %cond3A_104 = arith.constant 0 : i32
      %cond3A_105 = arith.cmpi ne, %convert_element_type3A_103, %cond3A_104 : i32
      scf.if %cond3A_105 {
        %add3A_109 = arith.constant 1 : i32
        %add3A_110 = arith.addi %add3A_79, %add3A_109 : i32
        %mul3A_111 = arith.constant 16 : i32
        %mul3A_112 = arith.muli %add3A_110, %mul3A_111 : i32
        %add3A_113 = arith.addi %mul3A_112, %arg1 : i32
        %mul3A_114 = arith.constant 128 : i32
        %mul3A_115 = arith.muli %add3A_113, %mul3A_114 : i32
        %add3A_116 = arith.constant 0 : i32
        %add3A_117 = arith.addi %add3A_116, %mul3A_115 : i32
        %dma_start3A_118 = tpu.memref_slice %arg3[%add3A_117] : memref<160000xi32, #tpu.memory_space<hbm>> -> memref<128xi32, #tpu.memory_space<hbm>>
        %dma_start3A_119 = tpu.memref_slice %arg3[%add3A_117] : memref<160000xi32, #tpu.memory_space<hbm>> -> memref<128xi32, #tpu.memory_space<hbm>>
        tpu.enqueue_dma source(%dma_start3A_119 : memref<128xi32, #tpu.memory_space<hbm>>) target(%arg5 : memref<128xi32, #tpu.memory_space<vmem>>) target_semaphore(%arg9 : memref<!tpu.dma_semaphore, #tpu.memory_space<semaphore_mem>>)
        %dma_start3A_120 = arith.constant 0 : i32
        %dma_start3A_121 = tpu.memref_slice %arg2[%mul3A_115, %dma_start3A_120] : memref<80000x128xf32, #tpu.memory_space<hbm>> -> memref<128x128xf32, #tpu.memory_space<hbm>>
        %dma_start3A_122 = arith.constant 0 : i32
        %dma_start3A_123 = tpu.memref_slice %arg2[%mul3A_115, %dma_start3A_122] : memref<80000x128xf32, #tpu.memory_space<hbm>> -> memref<128x128xf32, #tpu.memory_space<hbm>>
        tpu.enqueue_dma source(%dma_start3A_123 : memref<128x128xf32, #tpu.memory_space<hbm>>) target(%arg7 : memref<128x128xf32, #tpu.memory_space<vmem>>) target_semaphore(%arg11 : memref<!tpu.dma_semaphore, #tpu.memory_space<semaphore_mem>>)
      } else {
      }
      %convert_element_type3A_106 = arith.extui %lt3A_94 : i1 to i32
      %cond3A_107 = arith.constant 0 : i32
      %cond3A_108 = arith.cmpi ne, %convert_element_type3A_106, %cond3A_107 : i32
      scf.if %cond3A_108 {
        %mul3A_109 = arith.constant 16 : i32
        %mul3A_110 = arith.muli %add3A_79, %mul3A_109 : i32
        %add3A_111 = arith.addi %mul3A_110, %arg1 : i32
        %mul3A_112 = arith.constant 128 : i32
        %mul3A_113 = arith.muli %add3A_111, %mul3A_112 : i32
        %add3A_114 = arith.constant 0 : i32
        %add3A_115 = arith.addi %add3A_114, %mul3A_113 : i32
        %dma_wait3A = tpu.memref_slice %arg3[%add3A_115] : memref<160000xi32, #tpu.memory_space<hbm>> -> memref<128xi32, #tpu.memory_space<hbm>>
        %dma_wait3A_116 = tpu.memref_slice %arg3[%add3A_115] : memref<160000xi32, #tpu.memory_space<hbm>> -> memref<128xi32, #tpu.memory_space<hbm>>
        tpu.wait_dma2 semaphore(%arg10 : memref<!tpu.dma_semaphore, #tpu.memory_space<semaphore_mem>>) src(%dma_wait3A_116 : memref<128xi32, #tpu.memory_space<hbm>>) dst(%arg6 : memref<128xi32, #tpu.memory_space<vmem>>)
        %dma_wait3A_117 = arith.constant 0 : i32
        %dma_wait3A_118 = tpu.memref_slice %arg2[%mul3A_113, %dma_wait3A_117] : memref<80000x128xf32, #tpu.memory_space<hbm>> -> memref<128x128xf32, #tpu.memory_space<hbm>>
        %dma_wait3A_119 = arith.constant 0 : i32
        %dma_wait3A_120 = tpu.memref_slice %arg2[%mul3A_113, %dma_wait3A_119] : memref<80000x128xf32, #tpu.memory_space<hbm>> -> memref<128x128xf32, #tpu.memory_space<hbm>>
        tpu.wait_dma2 semaphore(%arg12 : memref<!tpu.dma_semaphore, #tpu.memory_space<semaphore_mem>>) src(%dma_wait3A_120 : memref<128x128xf32, #tpu.memory_space<hbm>>) dst(%arg8 : memref<128x128xf32, #tpu.memory_space<vmem>>)
        %dma_start3A_121 = arith.constant 0 : i32
        %dma_start3A_122 = arith.constant 0 : i32
        %dma_start3A_123 = tpu.memref_slice %arg15[%dma_start3A_121, %dma_start3A_122] : memref<10240x128xf32, #tpu.memory_space<vmem_shared>> -> memref<10240x128xf32, #tpu.memory_space<vmem_shared>>
        tpu.enqueue_indirect_dma source(%arg8 : memref<128x128xf32, #tpu.memory_space<vmem>>) target(%dma_start3A_123 : memref<10240x128xf32, #tpu.memory_space<vmem_shared>>) offsets(%arg6 : memref<128xi32, #tpu.memory_space<vmem>>) semaphore(%arg14 : memref<!tpu.dma_semaphore, #tpu.memory_space<semaphore_mem>>) {add = true}
      } else {
      }
    }
    %scan3A_39 = arith.constant 21 : i32
    %barrier3A_40 = arith.constant 0 : index
    tpu.barrier barrier_id(%barrier3A_40)
    %mul3A_41 = arith.constant 640 : i32
    %mul3A_42 = arith.muli %arg1, %mul3A_41 : i32
    %mul3A_43 = arith.constant 640 : i32
    %mul3A_44 = arith.muli %arg1, %mul3A_43 : i32
    "tpu.region"() ({
      %run_scoped3A = tpu.sem_alloc : memref<!tpu.dma_semaphore, #tpu.memory_space<semaphore_mem>>
      %dma_start3A_45 = arith.constant 0 : i32
      %dma_start3A_46 = tpu.memref_slice %arg4[%mul3A_44, %dma_start3A_45] : memref<10240x128xf32, #tpu.memory_space<hbm>> -> memref<640x128xf32, #tpu.memory_space<hbm>>
      %dma_start3A_47 = arith.constant 0 : i32
      %dma_start3A_48 = tpu.memref_slice %arg15[%mul3A_42, %dma_start3A_47] : memref<10240x128xf32, #tpu.memory_space<vmem_shared>> -> memref<640x128xf32, #tpu.memory_space<vmem_shared>>
      tpu.enqueue_dma source(%dma_start3A_48 : memref<640x128xf32, #tpu.memory_space<vmem_shared>>) target(%dma_start3A_46 : memref<640x128xf32, #tpu.memory_space<hbm>>) target_semaphore(%run_scoped3A : memref<!tpu.dma_semaphore, #tpu.memory_space<semaphore_mem>>)
      %dma_wait3A = arith.constant 0 : i32
      %dma_wait3A_49 = tpu.memref_slice %arg4[%mul3A_44, %dma_wait3A] : memref<10240x128xf32, #tpu.memory_space<hbm>> -> memref<640x128xf32, #tpu.memory_space<hbm>>
      %dma_wait3A_50 = arith.constant 0 : i32
      %dma_wait3A_51 = tpu.memref_slice %arg15[%mul3A_42, %dma_wait3A_50] : memref<10240x128xf32, #tpu.memory_space<vmem_shared>> -> memref<640x128xf32, #tpu.memory_space<vmem_shared>>
      tpu.wait_dma2 semaphore(%run_scoped3A : memref<!tpu.dma_semaphore, #tpu.memory_space<semaphore_mem>>) src(%dma_wait3A_51 : memref<640x128xf32, #tpu.memory_space<vmem_shared>>) dst(%dma_wait3A_49 : memref<640x128xf32, #tpu.memory_space<hbm>>)
      tpu.yield
    }) : () -> ()
    return
  }
}

#map = affine_map<(d0, d1) -> (0, 0)>
#map1 = affine_map<(d0, d1) -> (0)>
module attributes {stable_mosaic.version = 14 : i64} {
  func.func @gather_body(%arg0: i32, %arg1: i32, %arg2: memref<10000x128xf32, #tpu.memory_space<hbm>>, %arg3: memref<10000x128xf32, #tpu.memory_space<hbm>>, %arg4: memref<160000xi32, #tpu.memory_space<hbm>>, %arg5: memref<160000xi32, #tpu.memory_space<hbm>>, %arg6: memref<80000x128xf32, #tpu.memory_space<hbm>>, %arg7: memref<128xi32, #tpu.memory_space<vmem>>, %arg8: memref<128xi32, #tpu.memory_space<vmem>>, %arg9: memref<128xi32, #tpu.memory_space<vmem>>, %arg10: memref<128xi32, #tpu.memory_space<vmem>>, %arg11: memref<128x128xf32, #tpu.memory_space<vmem>>, %arg12: memref<128x128xf32, #tpu.memory_space<vmem>>, %arg13: memref<128x128xf32, #tpu.memory_space<vmem>>, %arg14: memref<128x128xf32, #tpu.memory_space<vmem>>, %arg15: memref<!tpu.dma_semaphore, #tpu.memory_space<semaphore_mem>>, %arg16: memref<!tpu.dma_semaphore, #tpu.memory_space<semaphore_mem>>, %arg17: memref<!tpu.dma_semaphore, #tpu.memory_space<semaphore_mem>>, %arg18: memref<!tpu.dma_semaphore, #tpu.memory_space<semaphore_mem>>, %arg19: memref<!tpu.dma_semaphore, #tpu.memory_space<semaphore_mem>>, %arg20: memref<!tpu.dma_semaphore, #tpu.memory_space<semaphore_mem>>) attributes {dimension_semantics = [#tpu.dimension_semantics<core_parallel>, #tpu.dimension_semantics<subcore_parallel>], iteration_bounds = array<i64: 2, 16>, scalar_prefetch = 0 : i64, scratch_operands = 14 : i64, tpu.core_type = #tpu.core_type<sc_vector_subcore>, window_params = [{transform_indices = #map}, {transform_indices = #map}, {transform_indices = #map1}, {transform_indices = #map1}, {transform_indices = #map}]} {
    %mul3A = arith.constant 2 : i32
    %mul3A_0 = arith.muli %arg1, %mul3A : i32
    %add3A = arith.addi %mul3A_0, %arg0 : i32
    %add3A_1 = arith.constant 0 : i32
    %add3A_2 = arith.addi %add3A_1, %add3A : i32
    %mul3A_3 = arith.constant 128 : i32
    %mul3A_4 = arith.muli %add3A_2, %mul3A_3 : i32
    %add3A_5 = arith.constant 0 : i32
    %add3A_6 = arith.addi %add3A_5, %mul3A_4 : i32
    %dma_start3A = tpu.memref_slice %arg4[%add3A_6] : memref<160000xi32, #tpu.memory_space<hbm>> -> memref<128xi32, #tpu.memory_space<hbm>>
    %dma_start3A_7 = tpu.memref_slice %arg4[%add3A_6] : memref<160000xi32, #tpu.memory_space<hbm>> -> memref<128xi32, #tpu.memory_space<hbm>>
    tpu.enqueue_dma source(%dma_start3A_7 : memref<128xi32, #tpu.memory_space<hbm>>) target(%arg7 : memref<128xi32, #tpu.memory_space<vmem>>) target_semaphore(%arg15 : memref<!tpu.dma_semaphore, #tpu.memory_space<semaphore_mem>>)
    %dma_start3A_8 = tpu.memref_slice %arg5[%add3A_6] : memref<160000xi32, #tpu.memory_space<hbm>> -> memref<128xi32, #tpu.memory_space<hbm>>
    %dma_start3A_9 = tpu.memref_slice %arg5[%add3A_6] : memref<160000xi32, #tpu.memory_space<hbm>> -> memref<128xi32, #tpu.memory_space<hbm>>
    tpu.enqueue_dma source(%dma_start3A_9 : memref<128xi32, #tpu.memory_space<hbm>>) target(%arg9 : memref<128xi32, #tpu.memory_space<vmem>>) target_semaphore(%arg15 : memref<!tpu.dma_semaphore, #tpu.memory_space<semaphore_mem>>)
    %add3A_10 = arith.constant 0 : i32
    %add3A_11 = arith.addi %add3A_10, %add3A : i32
    %mul3A_12 = arith.constant 128 : i32
    %mul3A_13 = arith.muli %add3A_11, %mul3A_12 : i32
    %add3A_14 = arith.constant 0 : i32
    %add3A_15 = arith.addi %add3A_14, %mul3A_13 : i32
    %dma_wait3A = tpu.memref_slice %arg4[%add3A_15] : memref<160000xi32, #tpu.memory_space<hbm>> -> memref<128xi32, #tpu.memory_space<hbm>>
    %dma_wait3A_16 = tpu.memref_slice %arg4[%add3A_15] : memref<160000xi32, #tpu.memory_space<hbm>> -> memref<128xi32, #tpu.memory_space<hbm>>
    tpu.wait_dma2 semaphore(%arg15 : memref<!tpu.dma_semaphore, #tpu.memory_space<semaphore_mem>>) src(%dma_wait3A_16 : memref<128xi32, #tpu.memory_space<hbm>>) dst(%arg7 : memref<128xi32, #tpu.memory_space<vmem>>)
    %dma_wait3A_17 = tpu.memref_slice %arg5[%add3A_15] : memref<160000xi32, #tpu.memory_space<hbm>> -> memref<128xi32, #tpu.memory_space<hbm>>
    %dma_wait3A_18 = tpu.memref_slice %arg5[%add3A_15] : memref<160000xi32, #tpu.memory_space<hbm>> -> memref<128xi32, #tpu.memory_space<hbm>>
    tpu.wait_dma2 semaphore(%arg15 : memref<!tpu.dma_semaphore, #tpu.memory_space<semaphore_mem>>) src(%dma_wait3A_18 : memref<128xi32, #tpu.memory_space<hbm>>) dst(%arg9 : memref<128xi32, #tpu.memory_space<vmem>>)
    %dma_start3A_19 = arith.constant 0 : i32
    %dma_start3A_20 = arith.constant 0 : i32
    %dma_start3A_21 = tpu.memref_slice %arg3[%dma_start3A_19, %dma_start3A_20] : memref<10000x128xf32, #tpu.memory_space<hbm>> -> memref<10000x128xf32, #tpu.memory_space<hbm>>
    tpu.enqueue_indirect_dma source(%dma_start3A_21 : memref<10000x128xf32, #tpu.memory_space<hbm>>) target(%arg11 : memref<128x128xf32, #tpu.memory_space<vmem>>) offsets(%arg7 : memref<128xi32, #tpu.memory_space<vmem>>) semaphore(%arg17 : memref<!tpu.dma_semaphore, #tpu.memory_space<semaphore_mem>>)
    %dma_start3A_22 = arith.constant 0 : i32
    %dma_start3A_23 = arith.constant 0 : i32
    %dma_start3A_24 = tpu.memref_slice %arg2[%dma_start3A_22, %dma_start3A_23] : memref<10000x128xf32, #tpu.memory_space<hbm>> -> memref<10000x128xf32, #tpu.memory_space<hbm>>
    tpu.enqueue_indirect_dma source(%dma_start3A_24 : memref<10000x128xf32, #tpu.memory_space<hbm>>) target(%arg13 : memref<128x128xf32, #tpu.memory_space<vmem>>) offsets(%arg9 : memref<128xi32, #tpu.memory_space<vmem>>) semaphore(%arg19 : memref<!tpu.dma_semaphore, #tpu.memory_space<semaphore_mem>>)
    %add3A_25 = arith.constant 32 : i32
    %add3A_26 = arith.addi %add3A_25, %add3A : i32
    %mul3A_27 = arith.constant 128 : i32
    %mul3A_28 = arith.muli %add3A_26, %mul3A_27 : i32
    %add3A_29 = arith.constant 0 : i32
    %add3A_30 = arith.addi %add3A_29, %mul3A_28 : i32
    %dma_start3A_31 = tpu.memref_slice %arg4[%add3A_30] : memref<160000xi32, #tpu.memory_space<hbm>> -> memref<128xi32, #tpu.memory_space<hbm>>
    %dma_start3A_32 = tpu.memref_slice %arg4[%add3A_30] : memref<160000xi32, #tpu.memory_space<hbm>> -> memref<128xi32, #tpu.memory_space<hbm>>
    tpu.enqueue_dma source(%dma_start3A_32 : memref<128xi32, #tpu.memory_space<hbm>>) target(%arg8 : memref<128xi32, #tpu.memory_space<vmem>>) target_semaphore(%arg16 : memref<!tpu.dma_semaphore, #tpu.memory_space<semaphore_mem>>)
    %dma_start3A_33 = tpu.memref_slice %arg5[%add3A_30] : memref<160000xi32, #tpu.memory_space<hbm>> -> memref<128xi32, #tpu.memory_space<hbm>>
    %dma_start3A_34 = tpu.memref_slice %arg5[%add3A_30] : memref<160000xi32, #tpu.memory_space<hbm>> -> memref<128xi32, #tpu.memory_space<hbm>>
    tpu.enqueue_dma source(%dma_start3A_34 : memref<128xi32, #tpu.memory_space<hbm>>) target(%arg10 : memref<128xi32, #tpu.memory_space<vmem>>) target_semaphore(%arg16 : memref<!tpu.dma_semaphore, #tpu.memory_space<semaphore_mem>>)
    %scan3A = arith.constant 0 : i32
    %scan3A_35 = arith.constant 0 : i32
    %scan3A_36 = arith.constant 10 : i32
    %scan3A_37 = arith.addi %scan3A_35, %scan3A_36 : i32
    %scan3A_38 = arith.constant 1 : i32
    scf.for %scan3A_40 = %scan3A_35 to %scan3A_37 step %scan3A_38  : i32 {
      %mul3A_41 = arith.constant 2 : i32
      %mul3A_42 = arith.muli %mul3A_41, %scan3A_40 : i32
      %add3A_43 = arith.constant 0 : i32
      %add3A_44 = arith.addi %mul3A_42, %add3A_43 : i32
      %mul3A_45 = arith.constant 32 : i32
      %mul3A_46 = arith.muli %add3A_44, %mul3A_45 : i32
      %add3A_47 = arith.addi %mul3A_46, %add3A : i32
      %lt3A = arith.constant 625 : i32
      %lt3A_48 = arith.cmpi slt, %add3A_47, %lt3A : i32
      %convert_element_type3A = arith.extui %lt3A_48 : i1 to i32
      %cond3A = arith.constant 0 : i32
      %cond3A_49 = arith.cmpi ne, %convert_element_type3A, %cond3A : i32
      scf.if %cond3A_49 {
        %dma_wait3A_108 = arith.constant 0 : i32
        %dma_wait3A_109 = arith.constant 0 : i32
        %dma_wait3A_110 = tpu.memref_slice %arg3[%dma_wait3A_108, %dma_wait3A_109] : memref<10000x128xf32, #tpu.memory_space<hbm>> -> memref<10000x128xf32, #tpu.memory_space<hbm>>
        tpu.wait_indirect_dma semaphore(%arg17 : memref<!tpu.dma_semaphore, #tpu.memory_space<semaphore_mem>>) src(%dma_wait3A_110 : memref<10000x128xf32, #tpu.memory_space<hbm>>) dst(%arg11 : memref<128x128xf32, #tpu.memory_space<vmem>>)
        %dma_wait3A_111 = arith.constant 0 : i32
        %dma_wait3A_112 = arith.constant 0 : i32
        %dma_wait3A_113 = tpu.memref_slice %arg2[%dma_wait3A_111, %dma_wait3A_112] : memref<10000x128xf32, #tpu.memory_space<hbm>> -> memref<10000x128xf32, #tpu.memory_space<hbm>>
        tpu.wait_indirect_dma semaphore(%arg19 : memref<!tpu.dma_semaphore, #tpu.memory_space<semaphore_mem>>) src(%dma_wait3A_113 : memref<10000x128xf32, #tpu.memory_space<hbm>>) dst(%arg13 : memref<128x128xf32, #tpu.memory_space<vmem>>)
      } else {
      }
      %add3A_50 = arith.constant 1 : i32
      %add3A_51 = arith.addi %add3A_44, %add3A_50 : i32
      %mul3A_52 = arith.constant 32 : i32
      %mul3A_53 = arith.muli %add3A_51, %mul3A_52 : i32
      %add3A_54 = arith.addi %mul3A_53, %add3A : i32
      %lt3A_55 = arith.constant 625 : i32
      %lt3A_56 = arith.cmpi slt, %add3A_54, %lt3A_55 : i32
      %convert_element_type3A_57 = arith.extui %lt3A_56 : i1 to i32
      %cond3A_58 = arith.constant 0 : i32
      %cond3A_59 = arith.cmpi ne, %convert_element_type3A_57, %cond3A_58 : i32
      scf.if %cond3A_59 {
        %add3A_108 = arith.constant 1 : i32
        %add3A_109 = arith.addi %add3A_44, %add3A_108 : i32
        %mul3A_110 = arith.constant 32 : i32
        %mul3A_111 = arith.muli %add3A_109, %mul3A_110 : i32
        %add3A_112 = arith.addi %mul3A_111, %add3A : i32
        %mul3A_113 = arith.constant 128 : i32
        %mul3A_114 = arith.muli %add3A_112, %mul3A_113 : i32
        %add3A_115 = arith.constant 0 : i32
        %add3A_116 = arith.addi %add3A_115, %mul3A_114 : i32
        %dma_wait3A_117 = tpu.memref_slice %arg4[%add3A_116] : memref<160000xi32, #tpu.memory_space<hbm>> -> memref<128xi32, #tpu.memory_space<hbm>>
        %dma_wait3A_118 = tpu.memref_slice %arg4[%add3A_116] : memref<160000xi32, #tpu.memory_space<hbm>> -> memref<128xi32, #tpu.memory_space<hbm>>
        tpu.wait_dma2 semaphore(%arg16 : memref<!tpu.dma_semaphore, #tpu.memory_space<semaphore_mem>>) src(%dma_wait3A_118 : memref<128xi32, #tpu.memory_space<hbm>>) dst(%arg8 : memref<128xi32, #tpu.memory_space<vmem>>)
        %dma_wait3A_119 = tpu.memref_slice %arg5[%add3A_116] : memref<160000xi32, #tpu.memory_space<hbm>> -> memref<128xi32, #tpu.memory_space<hbm>>
        %dma_wait3A_120 = tpu.memref_slice %arg5[%add3A_116] : memref<160000xi32, #tpu.memory_space<hbm>> -> memref<128xi32, #tpu.memory_space<hbm>>
        tpu.wait_dma2 semaphore(%arg16 : memref<!tpu.dma_semaphore, #tpu.memory_space<semaphore_mem>>) src(%dma_wait3A_120 : memref<128xi32, #tpu.memory_space<hbm>>) dst(%arg10 : memref<128xi32, #tpu.memory_space<vmem>>)
        %dma_start3A_121 = arith.constant 0 : i32
        %dma_start3A_122 = arith.constant 0 : i32
        %dma_start3A_123 = tpu.memref_slice %arg3[%dma_start3A_121, %dma_start3A_122] : memref<10000x128xf32, #tpu.memory_space<hbm>> -> memref<10000x128xf32, #tpu.memory_space<hbm>>
        tpu.enqueue_indirect_dma source(%dma_start3A_123 : memref<10000x128xf32, #tpu.memory_space<hbm>>) target(%arg12 : memref<128x128xf32, #tpu.memory_space<vmem>>) offsets(%arg8 : memref<128xi32, #tpu.memory_space<vmem>>) semaphore(%arg18 : memref<!tpu.dma_semaphore, #tpu.memory_space<semaphore_mem>>)
        %dma_start3A_124 = arith.constant 0 : i32
        %dma_start3A_125 = arith.constant 0 : i32
        %dma_start3A_126 = tpu.memref_slice %arg2[%dma_start3A_124, %dma_start3A_125] : memref<10000x128xf32, #tpu.memory_space<hbm>> -> memref<10000x128xf32, #tpu.memory_space<hbm>>
        tpu.enqueue_indirect_dma source(%dma_start3A_126 : memref<10000x128xf32, #tpu.memory_space<hbm>>) target(%arg14 : memref<128x128xf32, #tpu.memory_space<vmem>>) offsets(%arg10 : memref<128xi32, #tpu.memory_space<vmem>>) semaphore(%arg20 : memref<!tpu.dma_semaphore, #tpu.memory_space<semaphore_mem>>)
      } else {
      }
      %add3A_60 = arith.constant 2 : i32
      %add3A_61 = arith.addi %add3A_44, %add3A_60 : i32
      %mul3A_62 = arith.constant 32 : i32
      %mul3A_63 = arith.muli %add3A_61, %mul3A_62 : i32
      %add3A_64 = arith.addi %mul3A_63, %add3A : i32
      %lt3A_65 = arith.constant 625 : i32
      %lt3A_66 = arith.cmpi slt, %add3A_64, %lt3A_65 : i32
      %convert_element_type3A_67 = arith.extui %lt3A_66 : i1 to i32
      %cond3A_68 = arith.constant 0 : i32
      %cond3A_69 = arith.cmpi ne, %convert_element_type3A_67, %cond3A_68 : i32
      scf.if %cond3A_69 {
        %add3A_108 = arith.constant 2 : i32
        %add3A_109 = arith.addi %add3A_44, %add3A_108 : i32
        %mul3A_110 = arith.constant 32 : i32
        %mul3A_111 = arith.muli %add3A_109, %mul3A_110 : i32
        %add3A_112 = arith.addi %mul3A_111, %add3A : i32
        %mul3A_113 = arith.constant 128 : i32
        %mul3A_114 = arith.muli %add3A_112, %mul3A_113 : i32
        %add3A_115 = arith.constant 0 : i32
        %add3A_116 = arith.addi %add3A_115, %mul3A_114 : i32
        %dma_start3A_117 = tpu.memref_slice %arg4[%add3A_116] : memref<160000xi32, #tpu.memory_space<hbm>> -> memref<128xi32, #tpu.memory_space<hbm>>
        %dma_start3A_118 = tpu.memref_slice %arg4[%add3A_116] : memref<160000xi32, #tpu.memory_space<hbm>> -> memref<128xi32, #tpu.memory_space<hbm>>
        tpu.enqueue_dma source(%dma_start3A_118 : memref<128xi32, #tpu.memory_space<hbm>>) target(%arg7 : memref<128xi32, #tpu.memory_space<vmem>>) target_semaphore(%arg15 : memref<!tpu.dma_semaphore, #tpu.memory_space<semaphore_mem>>)
        %dma_start3A_119 = tpu.memref_slice %arg5[%add3A_116] : memref<160000xi32, #tpu.memory_space<hbm>> -> memref<128xi32, #tpu.memory_space<hbm>>
        %dma_start3A_120 = tpu.memref_slice %arg5[%add3A_116] : memref<160000xi32, #tpu.memory_space<hbm>> -> memref<128xi32, #tpu.memory_space<hbm>>
        tpu.enqueue_dma source(%dma_start3A_120 : memref<128xi32, #tpu.memory_space<hbm>>) target(%arg9 : memref<128xi32, #tpu.memory_space<vmem>>) target_semaphore(%arg15 : memref<!tpu.dma_semaphore, #tpu.memory_space<semaphore_mem>>)
      } else {
      }
      %convert_element_type3A_70 = arith.extui %lt3A_48 : i1 to i32
      %cond3A_71 = arith.constant 0 : i32
      %cond3A_72 = arith.cmpi ne, %convert_element_type3A_70, %cond3A_71 : i32
      scf.if %cond3A_72 {
        %scan3A_108 = arith.constant 0 : i32
        %scan3A_109 = arith.constant 0 : i32
        %scan3A_110 = arith.constant 128 : i32
        %scan3A_111 = arith.addi %scan3A_109, %scan3A_110 : i32
        %scan3A_112 = arith.constant 1 : i32
        scf.for %scan3A_119 = %scan3A_109 to %scan3A_111 step %scan3A_112  : i32 {
          %get3A = arith.index_cast %scan3A_119 : i32 to index
          %get3A_120 = arith.constant 0 : index
          %get3A_121 = tpu.vector_load %arg11[%get3A, %get3A_120] {strides = array<i32>} : memref<128x128xf32, #tpu.memory_space<vmem>>, vector<1x16xf32>,
          %get3A_122 = vector.shape_cast %get3A_121 : vector<1x16xf32> to vector<16xf32>
          %get3A_123 = arith.index_cast %scan3A_119 : i32 to index
          %get3A_124 = arith.constant 0 : index
          %get3A_125 = tpu.vector_load %arg13[%get3A_123, %get3A_124] {strides = array<i32>} : memref<128x128xf32, #tpu.memory_space<vmem>>, vector<1x16xf32>,
          %get3A_126 = vector.shape_cast %get3A_125 : vector<1x16xf32> to vector<16xf32>
          %add3A_127 = arith.addf %get3A_122, %get3A_126 : vector<16xf32>
          %swap3A = arith.index_cast %scan3A_119 : i32 to index
          %swap3A_128 = arith.constant 0 : index
          %swap3A_129 = tpu.vector_load %arg11[%swap3A, %swap3A_128] {strides = array<i32>} : memref<128x128xf32, #tpu.memory_space<vmem>>, vector<1x16xf32>,
          %swap3A_130 = vector.shape_cast %swap3A_129 : vector<1x16xf32> to vector<16xf32>
          %swap3A_131 = vector.shape_cast %add3A_127 : vector<16xf32> to vector<1x16xf32>
          tpu.vector_store %arg11[%swap3A, %swap3A_128], %swap3A_131 {strides = array<i32>} : memref<128x128xf32, #tpu.memory_space<vmem>>, vector<1x16xf32>,
          %get3A_132 = arith.index_cast %scan3A_119 : i32 to index
          %get3A_133 = arith.constant 16 : index
          %get3A_134 = tpu.vector_load %arg11[%get3A_132, %get3A_133] {strides = array<i32>} : memref<128x128xf32, #tpu.memory_space<vmem>>, vector<1x16xf32>,
          %get3A_135 = vector.shape_cast %get3A_134 : vector<1x16xf32> to vector<16xf32>
          %get3A_136 = arith.index_cast %scan3A_119 : i32 to index
          %get3A_137 = arith.constant 16 : index
          %get3A_138 = tpu.vector_load %arg13[%get3A_136, %get3A_137] {strides = array<i32>} : memref<128x128xf32, #tpu.memory_space<vmem>>, vector<1x16xf32>,
          %get3A_139 = vector.shape_cast %get3A_138 : vector<1x16xf32> to vector<16xf32>
          %add3A_140 = arith.addf %get3A_135, %get3A_139 : vector<16xf32>
          %swap3A_141 = arith.index_cast %scan3A_119 : i32 to index
          %swap3A_142 = arith.constant 16 : index
          %swap3A_143 = tpu.vector_load %arg11[%swap3A_141, %swap3A_142] {strides = array<i32>} : memref<128x128xf32, #tpu.memory_space<vmem>>, vector<1x16xf32>,
          %swap3A_144 = vector.shape_cast %swap3A_143 : vector<1x16xf32> to vector<16xf32>
          %swap3A_145 = vector.shape_cast %add3A_140 : vector<16xf32> to vector<1x16xf32>
          tpu.vector_store %arg11[%swap3A_141, %swap3A_142], %swap3A_145 {strides = array<i32>} : memref<128x128xf32, #tpu.memory_space<vmem>>, vector<1x16xf32>,
          %get3A_146 = arith.index_cast %scan3A_119 : i32 to index
          %get3A_147 = arith.constant 32 : index
          %get3A_148 = tpu.vector_load %arg11[%get3A_146, %get3A_147] {strides = array<i32>} : memref<128x128xf32, #tpu.memory_space<vmem>>, vector<1x16xf32>,
          %get3A_149 = vector.shape_cast %get3A_148 : vector<1x16xf32> to vector<16xf32>
          %get3A_150 = arith.index_cast %scan3A_119 : i32 to index
          %get3A_151 = arith.constant 32 : index
          %get3A_152 = tpu.vector_load %arg13[%get3A_150, %get3A_151] {strides = array<i32>} : memref<128x128xf32, #tpu.memory_space<vmem>>, vector<1x16xf32>,
          %get3A_153 = vector.shape_cast %get3A_152 : vector<1x16xf32> to vector<16xf32>
          %add3A_154 = arith.addf %get3A_149, %get3A_153 : vector<16xf32>
          %swap3A_155 = arith.index_cast %scan3A_119 : i32 to index
          %swap3A_156 = arith.constant 32 : index
          %swap3A_157 = tpu.vector_load %arg11[%swap3A_155, %swap3A_156] {strides = array<i32>} : memref<128x128xf32, #tpu.memory_space<vmem>>, vector<1x16xf32>,
          %swap3A_158 = vector.shape_cast %swap3A_157 : vector<1x16xf32> to vector<16xf32>
          %swap3A_159 = vector.shape_cast %add3A_154 : vector<16xf32> to vector<1x16xf32>
          tpu.vector_store %arg11[%swap3A_155, %swap3A_156], %swap3A_159 {strides = array<i32>} : memref<128x128xf32, #tpu.memory_space<vmem>>, vector<1x16xf32>,
          %get3A_160 = arith.index_cast %scan3A_119 : i32 to index
          %get3A_161 = arith.constant 48 : index
          %get3A_162 = tpu.vector_load %arg11[%get3A_160, %get3A_161] {strides = array<i32>} : memref<128x128xf32, #tpu.memory_space<vmem>>, vector<1x16xf32>,
          %get3A_163 = vector.shape_cast %get3A_162 : vector<1x16xf32> to vector<16xf32>
          %get3A_164 = arith.index_cast %scan3A_119 : i32 to index
          %get3A_165 = arith.constant 48 : index
          %get3A_166 = tpu.vector_load %arg13[%get3A_164, %get3A_165] {strides = array<i32>} : memref<128x128xf32, #tpu.memory_space<vmem>>, vector<1x16xf32>,
          %get3A_167 = vector.shape_cast %get3A_166 : vector<1x16xf32> to vector<16xf32>
          %add3A_168 = arith.addf %get3A_163, %get3A_167 : vector<16xf32>
          %swap3A_169 = arith.index_cast %scan3A_119 : i32 to index
          %swap3A_170 = arith.constant 48 : index
          %swap3A_171 = tpu.vector_load %arg11[%swap3A_169, %swap3A_170] {strides = array<i32>} : memref<128x128xf32, #tpu.memory_space<vmem>>, vector<1x16xf32>,
          %swap3A_172 = vector.shape_cast %swap3A_171 : vector<1x16xf32> to vector<16xf32>
          %swap3A_173 = vector.shape_cast %add3A_168 : vector<16xf32> to vector<1x16xf32>
          tpu.vector_store %arg11[%swap3A_169, %swap3A_170], %swap3A_173 {strides = array<i32>} : memref<128x128xf32, #tpu.memory_space<vmem>>, vector<1x16xf32>,
          %get3A_174 = arith.index_cast %scan3A_119 : i32 to index
          %get3A_175 = arith.constant 64 : index
          %get3A_176 = tpu.vector_load %arg11[%get3A_174, %get3A_175] {strides = array<i32>} : memref<128x128xf32, #tpu.memory_space<vmem>>, vector<1x16xf32>,
          %get3A_177 = vector.shape_cast %get3A_176 : vector<1x16xf32> to vector<16xf32>
          %get3A_178 = arith.index_cast %scan3A_119 : i32 to index
          %get3A_179 = arith.constant 64 : index
          %get3A_180 = tpu.vector_load %arg13[%get3A_178, %get3A_179] {strides = array<i32>} : memref<128x128xf32, #tpu.memory_space<vmem>>, vector<1x16xf32>,
          %get3A_181 = vector.shape_cast %get3A_180 : vector<1x16xf32> to vector<16xf32>
          %add3A_182 = arith.addf %get3A_177, %get3A_181 : vector<16xf32>
          %swap3A_183 = arith.index_cast %scan3A_119 : i32 to index
          %swap3A_184 = arith.constant 64 : index
          %swap3A_185 = tpu.vector_load %arg11[%swap3A_183, %swap3A_184] {strides = array<i32>} : memref<128x128xf32, #tpu.memory_space<vmem>>, vector<1x16xf32>,
          %swap3A_186 = vector.shape_cast %swap3A_185 : vector<1x16xf32> to vector<16xf32>
          %swap3A_187 = vector.shape_cast %add3A_182 : vector<16xf32> to vector<1x16xf32>
          tpu.vector_store %arg11[%swap3A_183, %swap3A_184], %swap3A_187 {strides = array<i32>} : memref<128x128xf32, #tpu.memory_space<vmem>>, vector<1x16xf32>,
          %get3A_188 = arith.index_cast %scan3A_119 : i32 to index
          %get3A_189 = arith.constant 80 : index
          %get3A_190 = tpu.vector_load %arg11[%get3A_188, %get3A_189] {strides = array<i32>} : memref<128x128xf32, #tpu.memory_space<vmem>>, vector<1x16xf32>,
          %get3A_191 = vector.shape_cast %get3A_190 : vector<1x16xf32> to vector<16xf32>
          %get3A_192 = arith.index_cast %scan3A_119 : i32 to index
          %get3A_193 = arith.constant 80 : index
          %get3A_194 = tpu.vector_load %arg13[%get3A_192, %get3A_193] {strides = array<i32>} : memref<128x128xf32, #tpu.memory_space<vmem>>, vector<1x16xf32>,
          %get3A_195 = vector.shape_cast %get3A_194 : vector<1x16xf32> to vector<16xf32>
          %add3A_196 = arith.addf %get3A_191, %get3A_195 : vector<16xf32>
          %swap3A_197 = arith.index_cast %scan3A_119 : i32 to index
          %swap3A_198 = arith.constant 80 : index
          %swap3A_199 = tpu.vector_load %arg11[%swap3A_197, %swap3A_198] {strides = array<i32>} : memref<128x128xf32, #tpu.memory_space<vmem>>, vector<1x16xf32>,
          %swap3A_200 = vector.shape_cast %swap3A_199 : vector<1x16xf32> to vector<16xf32>
          %swap3A_201 = vector.shape_cast %add3A_196 : vector<16xf32> to vector<1x16xf32>
          tpu.vector_store %arg11[%swap3A_197, %swap3A_198], %swap3A_201 {strides = array<i32>} : memref<128x128xf32, #tpu.memory_space<vmem>>, vector<1x16xf32>,
          %get3A_202 = arith.index_cast %scan3A_119 : i32 to index
          %get3A_203 = arith.constant 96 : index
          %get3A_204 = tpu.vector_load %arg11[%get3A_202, %get3A_203] {strides = array<i32>} : memref<128x128xf32, #tpu.memory_space<vmem>>, vector<1x16xf32>,
          %get3A_205 = vector.shape_cast %get3A_204 : vector<1x16xf32> to vector<16xf32>
          %get3A_206 = arith.index_cast %scan3A_119 : i32 to index
          %get3A_207 = arith.constant 96 : index
          %get3A_208 = tpu.vector_load %arg13[%get3A_206, %get3A_207] {strides = array<i32>} : memref<128x128xf32, #tpu.memory_space<vmem>>, vector<1x16xf32>,
          %get3A_209 = vector.shape_cast %get3A_208 : vector<1x16xf32> to vector<16xf32>
          %add3A_210 = arith.addf %get3A_205, %get3A_209 : vector<16xf32>
          %swap3A_211 = arith.index_cast %scan3A_119 : i32 to index
          %swap3A_212 = arith.constant 96 : index
          %swap3A_213 = tpu.vector_load %arg11[%swap3A_211, %swap3A_212] {strides = array<i32>} : memref<128x128xf32, #tpu.memory_space<vmem>>, vector<1x16xf32>,
          %swap3A_214 = vector.shape_cast %swap3A_213 : vector<1x16xf32> to vector<16xf32>
          %swap3A_215 = vector.shape_cast %add3A_210 : vector<16xf32> to vector<1x16xf32>
          tpu.vector_store %arg11[%swap3A_211, %swap3A_212], %swap3A_215 {strides = array<i32>} : memref<128x128xf32, #tpu.memory_space<vmem>>, vector<1x16xf32>,
          %get3A_216 = arith.index_cast %scan3A_119 : i32 to index
          %get3A_217 = arith.constant 112 : index
          %get3A_218 = tpu.vector_load %arg11[%get3A_216, %get3A_217] {strides = array<i32>} : memref<128x128xf32, #tpu.memory_space<vmem>>, vector<1x16xf32>,
          %get3A_219 = vector.shape_cast %get3A_218 : vector<1x16xf32> to vector<16xf32>
          %get3A_220 = arith.index_cast %scan3A_119 : i32 to index
          %get3A_221 = arith.constant 112 : index
          %get3A_222 = tpu.vector_load %arg13[%get3A_220, %get3A_221] {strides = array<i32>} : memref<128x128xf32, #tpu.memory_space<vmem>>, vector<1x16xf32>,
          %get3A_223 = vector.shape_cast %get3A_222 : vector<1x16xf32> to vector<16xf32>
          %add3A_224 = arith.addf %get3A_219, %get3A_223 : vector<16xf32>
          %swap3A_225 = arith.index_cast %scan3A_119 : i32 to index
          %swap3A_226 = arith.constant 112 : index
          %swap3A_227 = tpu.vector_load %arg11[%swap3A_225, %swap3A_226] {strides = array<i32>} : memref<128x128xf32, #tpu.memory_space<vmem>>, vector<1x16xf32>,
          %swap3A_228 = vector.shape_cast %swap3A_227 : vector<1x16xf32> to vector<16xf32>
          %swap3A_229 = vector.shape_cast %add3A_224 : vector<16xf32> to vector<1x16xf32>
          tpu.vector_store %arg11[%swap3A_225, %swap3A_226], %swap3A_229 {strides = array<i32>} : memref<128x128xf32, #tpu.memory_space<vmem>>, vector<1x16xf32>,
        }
        %scan3A_113 = arith.constant 128 : i32
        %mul3A_114 = arith.constant 32 : i32
        %mul3A_115 = arith.muli %add3A_44, %mul3A_114 : i32
        %add3A_116 = arith.addi %mul3A_115, %add3A : i32
        %mul3A_117 = arith.constant 128 : i32
        %mul3A_118 = arith.muli %add3A_116, %mul3A_117 : i32
        "tpu.region"() ({
          %run_scoped3A = tpu.sem_alloc : memref<!tpu.dma_semaphore, #tpu.memory_space<semaphore_mem>>
          %dma_start3A_119 = arith.constant 0 : i32
          %dma_start3A_120 = tpu.memref_slice %arg6[%mul3A_118, %dma_start3A_119] : memref<80000x128xf32, #tpu.memory_space<hbm>> -> memref<128x128xf32, #tpu.memory_space<hbm>>
          %dma_start3A_121 = arith.constant 0 : i32
          %dma_start3A_122 = tpu.memref_slice %arg6[%mul3A_118, %dma_start3A_121] : memref<80000x128xf32, #tpu.memory_space<hbm>> -> memref<128x128xf32, #tpu.memory_space<hbm>>
          tpu.enqueue_dma source(%arg11 : memref<128x128xf32, #tpu.memory_space<vmem>>) target(%dma_start3A_122 : memref<128x128xf32, #tpu.memory_space<hbm>>) target_semaphore(%run_scoped3A : memref<!tpu.dma_semaphore, #tpu.memory_space<semaphore_mem>>)
          %dma_wait3A_123 = arith.constant 0 : i32
          %dma_wait3A_124 = tpu.memref_slice %arg6[%mul3A_118, %dma_wait3A_123] : memref<80000x128xf32, #tpu.memory_space<hbm>> -> memref<128x128xf32, #tpu.memory_space<hbm>>
          %dma_wait3A_125 = arith.constant 0 : i32
          %dma_wait3A_126 = tpu.memref_slice %arg6[%mul3A_118, %dma_wait3A_125] : memref<80000x128xf32, #tpu.memory_space<hbm>> -> memref<128x128xf32, #tpu.memory_space<hbm>>
          tpu.wait_dma2 semaphore(%run_scoped3A : memref<!tpu.dma_semaphore, #tpu.memory_space<semaphore_mem>>) src(%arg11 : memref<128x128xf32, #tpu.memory_space<vmem>>) dst(%dma_wait3A_126 : memref<128x128xf32, #tpu.memory_space<hbm>>)
          tpu.yield
        }) : () -> ()
      } else {
      }
      %mul3A_73 = arith.constant 2 : i32
      %mul3A_74 = arith.muli %mul3A_73, %scan3A_40 : i32
      %add3A_75 = arith.constant 1 : i32
      %add3A_76 = arith.addi %mul3A_74, %add3A_75 : i32
      %mul3A_77 = arith.constant 32 : i32
      %mul3A_78 = arith.muli %add3A_76, %mul3A_77 : i32
      %add3A_79 = arith.addi %mul3A_78, %add3A : i32
      %lt3A_80 = arith.constant 625 : i32
      %lt3A_81 = arith.cmpi slt, %add3A_79, %lt3A_80 : i32
      %convert_element_type3A_82 = arith.extui %lt3A_81 : i1 to i32
      %cond3A_83 = arith.constant 0 : i32
      %cond3A_84 = arith.cmpi ne, %convert_element_type3A_82, %cond3A_83 : i32
      scf.if %cond3A_84 {
        %dma_wait3A_108 = arith.constant 0 : i32
        %dma_wait3A_109 = arith.constant 0 : i32
        %dma_wait3A_110 = tpu.memref_slice %arg3[%dma_wait3A_108, %dma_wait3A_109] : memref<10000x128xf32, #tpu.memory_space<hbm>> -> memref<10000x128xf32, #tpu.memory_space<hbm>>
        tpu.wait_indirect_dma semaphore(%arg18 : memref<!tpu.dma_semaphore, #tpu.memory_space<semaphore_mem>>) src(%dma_wait3A_110 : memref<10000x128xf32, #tpu.memory_space<hbm>>) dst(%arg12 : memref<128x128xf32, #tpu.memory_space<vmem>>)
        %dma_wait3A_111 = arith.constant 0 : i32
        %dma_wait3A_112 = arith.constant 0 : i32
        %dma_wait3A_113 = tpu.memref_slice %arg2[%dma_wait3A_111, %dma_wait3A_112] : memref<10000x128xf32, #tpu.memory_space<hbm>> -> memref<10000x128xf32, #tpu.memory_space<hbm>>
        tpu.wait_indirect_dma semaphore(%arg20 : memref<!tpu.dma_semaphore, #tpu.memory_space<semaphore_mem>>) src(%dma_wait3A_113 : memref<10000x128xf32, #tpu.memory_space<hbm>>) dst(%arg14 : memref<128x128xf32, #tpu.memory_space<vmem>>)
      } else {
      }
      %add3A_85 = arith.constant 1 : i32
      %add3A_86 = arith.addi %add3A_76, %add3A_85 : i32
      %mul3A_87 = arith.constant 32 : i32
      %mul3A_88 = arith.muli %add3A_86, %mul3A_87 : i32
      %add3A_89 = arith.addi %mul3A_88, %add3A : i32
      %lt3A_90 = arith.constant 625 : i32
      %lt3A_91 = arith.cmpi slt, %add3A_89, %lt3A_90 : i32
      %convert_element_type3A_92 = arith.extui %lt3A_91 : i1 to i32
      %cond3A_93 = arith.constant 0 : i32
      %cond3A_94 = arith.cmpi ne, %convert_element_type3A_92, %cond3A_93 : i32
      scf.if %cond3A_94 {
        %add3A_108 = arith.constant 1 : i32
        %add3A_109 = arith.addi %add3A_76, %add3A_108 : i32
        %mul3A_110 = arith.constant 32 : i32
        %mul3A_111 = arith.muli %add3A_109, %mul3A_110 : i32
        %add3A_112 = arith.addi %mul3A_111, %add3A : i32
        %mul3A_113 = arith.constant 128 : i32
        %mul3A_114 = arith.muli %add3A_112, %mul3A_113 : i32
        %add3A_115 = arith.constant 0 : i32
        %add3A_116 = arith.addi %add3A_115, %mul3A_114 : i32
        %dma_wait3A_117 = tpu.memref_slice %arg4[%add3A_116] : memref<160000xi32, #tpu.memory_space<hbm>> -> memref<128xi32, #tpu.memory_space<hbm>>
        %dma_wait3A_118 = tpu.memref_slice %arg4[%add3A_116] : memref<160000xi32, #tpu.memory_space<hbm>> -> memref<128xi32, #tpu.memory_space<hbm>>
        tpu.wait_dma2 semaphore(%arg15 : memref<!tpu.dma_semaphore, #tpu.memory_space<semaphore_mem>>) src(%dma_wait3A_118 : memref<128xi32, #tpu.memory_space<hbm>>) dst(%arg7 : memref<128xi32, #tpu.memory_space<vmem>>)
        %dma_wait3A_119 = tpu.memref_slice %arg5[%add3A_116] : memref<160000xi32, #tpu.memory_space<hbm>> -> memref<128xi32, #tpu.memory_space<hbm>>
        %dma_wait3A_120 = tpu.memref_slice %arg5[%add3A_116] : memref<160000xi32, #tpu.memory_space<hbm>> -> memref<128xi32, #tpu.memory_space<hbm>>
        tpu.wait_dma2 semaphore(%arg15 : memref<!tpu.dma_semaphore, #tpu.memory_space<semaphore_mem>>) src(%dma_wait3A_120 : memref<128xi32, #tpu.memory_space<hbm>>) dst(%arg9 : memref<128xi32, #tpu.memory_space<vmem>>)
        %dma_start3A_121 = arith.constant 0 : i32
        %dma_start3A_122 = arith.constant 0 : i32
        %dma_start3A_123 = tpu.memref_slice %arg3[%dma_start3A_121, %dma_start3A_122] : memref<10000x128xf32, #tpu.memory_space<hbm>> -> memref<10000x128xf32, #tpu.memory_space<hbm>>
        tpu.enqueue_indirect_dma source(%dma_start3A_123 : memref<10000x128xf32, #tpu.memory_space<hbm>>) target(%arg11 : memref<128x128xf32, #tpu.memory_space<vmem>>) offsets(%arg7 : memref<128xi32, #tpu.memory_space<vmem>>) semaphore(%arg17 : memref<!tpu.dma_semaphore, #tpu.memory_space<semaphore_mem>>)
        %dma_start3A_124 = arith.constant 0 : i32
        %dma_start3A_125 = arith.constant 0 : i32
        %dma_start3A_126 = tpu.memref_slice %arg2[%dma_start3A_124, %dma_start3A_125] : memref<10000x128xf32, #tpu.memory_space<hbm>> -> memref<10000x128xf32, #tpu.memory_space<hbm>>
        tpu.enqueue_indirect_dma source(%dma_start3A_126 : memref<10000x128xf32, #tpu.memory_space<hbm>>) target(%arg13 : memref<128x128xf32, #tpu.memory_space<vmem>>) offsets(%arg9 : memref<128xi32, #tpu.memory_space<vmem>>) semaphore(%arg19 : memref<!tpu.dma_semaphore, #tpu.memory_space<semaphore_mem>>)
      } else {
      }
      %add3A_95 = arith.constant 2 : i32
      %add3A_96 = arith.addi %add3A_76, %add3A_95 : i32
      %mul3A_97 = arith.constant 32 : i32
      %mul3A_98 = arith.muli %add3A_96, %mul3A_97 : i32
      %add3A_99 = arith.addi %mul3A_98, %add3A : i32
      %lt3A_100 = arith.constant 625 : i32
      %lt3A_101 = arith.cmpi slt, %add3A_99, %lt3A_100 : i32
      %convert_element_type3A_102 = arith.extui %lt3A_101 : i1 to i32
      %cond3A_103 = arith.constant 0 : i32
      %cond3A_104 = arith.cmpi ne, %convert_element_type3A_102, %cond3A_103 : i32
      scf.if %cond3A_104 {
        %add3A_108 = arith.constant 2 : i32
        %add3A_109 = arith.addi %add3A_76, %add3A_108 : i32
        %mul3A_110 = arith.constant 32 : i32
        %mul3A_111 = arith.muli %add3A_109, %mul3A_110 : i32
        %add3A_112 = arith.addi %mul3A_111, %add3A : i32
        %mul3A_113 = arith.constant 128 : i32
        %mul3A_114 = arith.muli %add3A_112, %mul3A_113 : i32
        %add3A_115 = arith.constant 0 : i32
        %add3A_116 = arith.addi %add3A_115, %mul3A_114 : i32
        %dma_start3A_117 = tpu.memref_slice %arg4[%add3A_116] : memref<160000xi32, #tpu.memory_space<hbm>> -> memref<128xi32, #tpu.memory_space<hbm>>
        %dma_start3A_118 = tpu.memref_slice %arg4[%add3A_116] : memref<160000xi32, #tpu.memory_space<hbm>> -> memref<128xi32, #tpu.memory_space<hbm>>
        tpu.enqueue_dma source(%dma_start3A_118 : memref<128xi32, #tpu.memory_space<hbm>>) target(%arg8 : memref<128xi32, #tpu.memory_space<vmem>>) target_semaphore(%arg16 : memref<!tpu.dma_semaphore, #tpu.memory_space<semaphore_mem>>)
        %dma_start3A_119 = tpu.memref_slice %arg5[%add3A_116] : memref<160000xi32, #tpu.memory_space<hbm>> -> memref<128xi32, #tpu.memory_space<hbm>>
        %dma_start3A_120 = tpu.memref_slice %arg5[%add3A_116] : memref<160000xi32, #tpu.memory_space<hbm>> -> memref<128xi32, #tpu.memory_space<hbm>>
        tpu.enqueue_dma source(%dma_start3A_120 : memref<128xi32, #tpu.memory_space<hbm>>) target(%arg10 : memref<128xi32, #tpu.memory_space<vmem>>) target_semaphore(%arg16 : memref<!tpu.dma_semaphore, #tpu.memory_space<semaphore_mem>>)
      } else {
      }
      %convert_element_type3A_105 = arith.extui %lt3A_81 : i1 to i32
      %cond3A_106 = arith.constant 0 : i32
      %cond3A_107 = arith.cmpi ne, %convert_element_type3A_105, %cond3A_106 : i32
      scf.if %cond3A_107 {
        %scan3A_108 = arith.constant 0 : i32
        %scan3A_109 = arith.constant 0 : i32
        %scan3A_110 = arith.constant 128 : i32
        %scan3A_111 = arith.addi %scan3A_109, %scan3A_110 : i32
        %scan3A_112 = arith.constant 1 : i32
        scf.for %scan3A_119 = %scan3A_109 to %scan3A_111 step %scan3A_112  : i32 {
          %get3A = arith.index_cast %scan3A_119 : i32 to index
          %get3A_120 = arith.constant 0 : index
          %get3A_121 = tpu.vector_load %arg12[%get3A, %get3A_120] {strides = array<i32>} : memref<128x128xf32, #tpu.memory_space<vmem>>, vector<1x16xf32>,
          %get3A_122 = vector.shape_cast %get3A_121 : vector<1x16xf32> to vector<16xf32>
          %get3A_123 = arith.index_cast %scan3A_119 : i32 to index
          %get3A_124 = arith.constant 0 : index
          %get3A_125 = tpu.vector_load %arg14[%get3A_123, %get3A_124] {strides = array<i32>} : memref<128x128xf32, #tpu.memory_space<vmem>>, vector<1x16xf32>,
          %get3A_126 = vector.shape_cast %get3A_125 : vector<1x16xf32> to vector<16xf32>
          %add3A_127 = arith.addf %get3A_122, %get3A_126 : vector<16xf32>
          %swap3A = arith.index_cast %scan3A_119 : i32 to index
          %swap3A_128 = arith.constant 0 : index
          %swap3A_129 = tpu.vector_load %arg12[%swap3A, %swap3A_128] {strides = array<i32>} : memref<128x128xf32, #tpu.memory_space<vmem>>, vector<1x16xf32>,
          %swap3A_130 = vector.shape_cast %swap3A_129 : vector<1x16xf32> to vector<16xf32>
          %swap3A_131 = vector.shape_cast %add3A_127 : vector<16xf32> to vector<1x16xf32>
          tpu.vector_store %arg12[%swap3A, %swap3A_128], %swap3A_131 {strides = array<i32>} : memref<128x128xf32, #tpu.memory_space<vmem>>, vector<1x16xf32>,
          %get3A_132 = arith.index_cast %scan3A_119 : i32 to index
          %get3A_133 = arith.constant 16 : index
          %get3A_134 = tpu.vector_load %arg12[%get3A_132, %get3A_133] {strides = array<i32>} : memref<128x128xf32, #tpu.memory_space<vmem>>, vector<1x16xf32>,
          %get3A_135 = vector.shape_cast %get3A_134 : vector<1x16xf32> to vector<16xf32>
          %get3A_136 = arith.index_cast %scan3A_119 : i32 to index
          %get3A_137 = arith.constant 16 : index
          %get3A_138 = tpu.vector_load %arg14[%get3A_136, %get3A_137] {strides = array<i32>} : memref<128x128xf32, #tpu.memory_space<vmem>>, vector<1x16xf32>,
          %get3A_139 = vector.shape_cast %get3A_138 : vector<1x16xf32> to vector<16xf32>
          %add3A_140 = arith.addf %get3A_135, %get3A_139 : vector<16xf32>
          %swap3A_141 = arith.index_cast %scan3A_119 : i32 to index
          %swap3A_142 = arith.constant 16 : index
          %swap3A_143 = tpu.vector_load %arg12[%swap3A_141, %swap3A_142] {strides = array<i32>} : memref<128x128xf32, #tpu.memory_space<vmem>>, vector<1x16xf32>,
          %swap3A_144 = vector.shape_cast %swap3A_143 : vector<1x16xf32> to vector<16xf32>
          %swap3A_145 = vector.shape_cast %add3A_140 : vector<16xf32> to vector<1x16xf32>
          tpu.vector_store %arg12[%swap3A_141, %swap3A_142], %swap3A_145 {strides = array<i32>} : memref<128x128xf32, #tpu.memory_space<vmem>>, vector<1x16xf32>,
          %get3A_146 = arith.index_cast %scan3A_119 : i32 to index
          %get3A_147 = arith.constant 32 : index
          %get3A_148 = tpu.vector_load %arg12[%get3A_146, %get3A_147] {strides = array<i32>} : memref<128x128xf32, #tpu.memory_space<vmem>>, vector<1x16xf32>,
          %get3A_149 = vector.shape_cast %get3A_148 : vector<1x16xf32> to vector<16xf32>
          %get3A_150 = arith.index_cast %scan3A_119 : i32 to index
          %get3A_151 = arith.constant 32 : index
          %get3A_152 = tpu.vector_load %arg14[%get3A_150, %get3A_151] {strides = array<i32>} : memref<128x128xf32, #tpu.memory_space<vmem>>, vector<1x16xf32>,
          %get3A_153 = vector.shape_cast %get3A_152 : vector<1x16xf32> to vector<16xf32>
          %add3A_154 = arith.addf %get3A_149, %get3A_153 : vector<16xf32>
          %swap3A_155 = arith.index_cast %scan3A_119 : i32 to index
          %swap3A_156 = arith.constant 32 : index
          %swap3A_157 = tpu.vector_load %arg12[%swap3A_155, %swap3A_156] {strides = array<i32>} : memref<128x128xf32, #tpu.memory_space<vmem>>, vector<1x16xf32>,
          %swap3A_158 = vector.shape_cast %swap3A_157 : vector<1x16xf32> to vector<16xf32>
          %swap3A_159 = vector.shape_cast %add3A_154 : vector<16xf32> to vector<1x16xf32>
          tpu.vector_store %arg12[%swap3A_155, %swap3A_156], %swap3A_159 {strides = array<i32>} : memref<128x128xf32, #tpu.memory_space<vmem>>, vector<1x16xf32>,
          %get3A_160 = arith.index_cast %scan3A_119 : i32 to index
          %get3A_161 = arith.constant 48 : index
          %get3A_162 = tpu.vector_load %arg12[%get3A_160, %get3A_161] {strides = array<i32>} : memref<128x128xf32, #tpu.memory_space<vmem>>, vector<1x16xf32>,
          %get3A_163 = vector.shape_cast %get3A_162 : vector<1x16xf32> to vector<16xf32>
          %get3A_164 = arith.index_cast %scan3A_119 : i32 to index
          %get3A_165 = arith.constant 48 : index
          %get3A_166 = tpu.vector_load %arg14[%get3A_164, %get3A_165] {strides = array<i32>} : memref<128x128xf32, #tpu.memory_space<vmem>>, vector<1x16xf32>,
          %get3A_167 = vector.shape_cast %get3A_166 : vector<1x16xf32> to vector<16xf32>
          %add3A_168 = arith.addf %get3A_163, %get3A_167 : vector<16xf32>
          %swap3A_169 = arith.index_cast %scan3A_119 : i32 to index
          %swap3A_170 = arith.constant 48 : index
          %swap3A_171 = tpu.vector_load %arg12[%swap3A_169, %swap3A_170] {strides = array<i32>} : memref<128x128xf32, #tpu.memory_space<vmem>>, vector<1x16xf32>,
          %swap3A_172 = vector.shape_cast %swap3A_171 : vector<1x16xf32> to vector<16xf32>
          %swap3A_173 = vector.shape_cast %add3A_168 : vector<16xf32> to vector<1x16xf32>
          tpu.vector_store %arg12[%swap3A_169, %swap3A_170], %swap3A_173 {strides = array<i32>} : memref<128x128xf32, #tpu.memory_space<vmem>>, vector<1x16xf32>,
          %get3A_174 = arith.index_cast %scan3A_119 : i32 to index
          %get3A_175 = arith.constant 64 : index
          %get3A_176 = tpu.vector_load %arg12[%get3A_174, %get3A_175] {strides = array<i32>} : memref<128x128xf32, #tpu.memory_space<vmem>>, vector<1x16xf32>,
          %get3A_177 = vector.shape_cast %get3A_176 : vector<1x16xf32> to vector<16xf32>
          %get3A_178 = arith.index_cast %scan3A_119 : i32 to index
          %get3A_179 = arith.constant 64 : index
          %get3A_180 = tpu.vector_load %arg14[%get3A_178, %get3A_179] {strides = array<i32>} : memref<128x128xf32, #tpu.memory_space<vmem>>, vector<1x16xf32>,
          %get3A_181 = vector.shape_cast %get3A_180 : vector<1x16xf32> to vector<16xf32>
          %add3A_182 = arith.addf %get3A_177, %get3A_181 : vector<16xf32>
          %swap3A_183 = arith.index_cast %scan3A_119 : i32 to index
          %swap3A_184 = arith.constant 64 : index
          %swap3A_185 = tpu.vector_load %arg12[%swap3A_183, %swap3A_184] {strides = array<i32>} : memref<128x128xf32, #tpu.memory_space<vmem>>, vector<1x16xf32>,
          %swap3A_186 = vector.shape_cast %swap3A_185 : vector<1x16xf32> to vector<16xf32>
          %swap3A_187 = vector.shape_cast %add3A_182 : vector<16xf32> to vector<1x16xf32>
          tpu.vector_store %arg12[%swap3A_183, %swap3A_184], %swap3A_187 {strides = array<i32>} : memref<128x128xf32, #tpu.memory_space<vmem>>, vector<1x16xf32>,
          %get3A_188 = arith.index_cast %scan3A_119 : i32 to index
          %get3A_189 = arith.constant 80 : index
          %get3A_190 = tpu.vector_load %arg12[%get3A_188, %get3A_189] {strides = array<i32>} : memref<128x128xf32, #tpu.memory_space<vmem>>, vector<1x16xf32>,
          %get3A_191 = vector.shape_cast %get3A_190 : vector<1x16xf32> to vector<16xf32>
          %get3A_192 = arith.index_cast %scan3A_119 : i32 to index
          %get3A_193 = arith.constant 80 : index
          %get3A_194 = tpu.vector_load %arg14[%get3A_192, %get3A_193] {strides = array<i32>} : memref<128x128xf32, #tpu.memory_space<vmem>>, vector<1x16xf32>,
          %get3A_195 = vector.shape_cast %get3A_194 : vector<1x16xf32> to vector<16xf32>
          %add3A_196 = arith.addf %get3A_191, %get3A_195 : vector<16xf32>
          %swap3A_197 = arith.index_cast %scan3A_119 : i32 to index
          %swap3A_198 = arith.constant 80 : index
          %swap3A_199 = tpu.vector_load %arg12[%swap3A_197, %swap3A_198] {strides = array<i32>} : memref<128x128xf32, #tpu.memory_space<vmem>>, vector<1x16xf32>,
          %swap3A_200 = vector.shape_cast %swap3A_199 : vector<1x16xf32> to vector<16xf32>
          %swap3A_201 = vector.shape_cast %add3A_196 : vector<16xf32> to vector<1x16xf32>
          tpu.vector_store %arg12[%swap3A_197, %swap3A_198], %swap3A_201 {strides = array<i32>} : memref<128x128xf32, #tpu.memory_space<vmem>>, vector<1x16xf32>,
          %get3A_202 = arith.index_cast %scan3A_119 : i32 to index
          %get3A_203 = arith.constant 96 : index
          %get3A_204 = tpu.vector_load %arg12[%get3A_202, %get3A_203] {strides = array<i32>} : memref<128x128xf32, #tpu.memory_space<vmem>>, vector<1x16xf32>,
          %get3A_205 = vector.shape_cast %get3A_204 : vector<1x16xf32> to vector<16xf32>
          %get3A_206 = arith.index_cast %scan3A_119 : i32 to index
          %get3A_207 = arith.constant 96 : index
          %get3A_208 = tpu.vector_load %arg14[%get3A_206, %get3A_207] {strides = array<i32>} : memref<128x128xf32, #tpu.memory_space<vmem>>, vector<1x16xf32>,
          %get3A_209 = vector.shape_cast %get3A_208 : vector<1x16xf32> to vector<16xf32>
          %add3A_210 = arith.addf %get3A_205, %get3A_209 : vector<16xf32>
          %swap3A_211 = arith.index_cast %scan3A_119 : i32 to index
          %swap3A_212 = arith.constant 96 : index
          %swap3A_213 = tpu.vector_load %arg12[%swap3A_211, %swap3A_212] {strides = array<i32>} : memref<128x128xf32, #tpu.memory_space<vmem>>, vector<1x16xf32>,
          %swap3A_214 = vector.shape_cast %swap3A_213 : vector<1x16xf32> to vector<16xf32>
          %swap3A_215 = vector.shape_cast %add3A_210 : vector<16xf32> to vector<1x16xf32>
          tpu.vector_store %arg12[%swap3A_211, %swap3A_212], %swap3A_215 {strides = array<i32>} : memref<128x128xf32, #tpu.memory_space<vmem>>, vector<1x16xf32>,
          %get3A_216 = arith.index_cast %scan3A_119 : i32 to index
          %get3A_217 = arith.constant 112 : index
          %get3A_218 = tpu.vector_load %arg12[%get3A_216, %get3A_217] {strides = array<i32>} : memref<128x128xf32, #tpu.memory_space<vmem>>, vector<1x16xf32>,
          %get3A_219 = vector.shape_cast %get3A_218 : vector<1x16xf32> to vector<16xf32>
          %get3A_220 = arith.index_cast %scan3A_119 : i32 to index
          %get3A_221 = arith.constant 112 : index
          %get3A_222 = tpu.vector_load %arg14[%get3A_220, %get3A_221] {strides = array<i32>} : memref<128x128xf32, #tpu.memory_space<vmem>>, vector<1x16xf32>,
          %get3A_223 = vector.shape_cast %get3A_222 : vector<1x16xf32> to vector<16xf32>
          %add3A_224 = arith.addf %get3A_219, %get3A_223 : vector<16xf32>
          %swap3A_225 = arith.index_cast %scan3A_119 : i32 to index
          %swap3A_226 = arith.constant 112 : index
          %swap3A_227 = tpu.vector_load %arg12[%swap3A_225, %swap3A_226] {strides = array<i32>} : memref<128x128xf32, #tpu.memory_space<vmem>>, vector<1x16xf32>,
          %swap3A_228 = vector.shape_cast %swap3A_227 : vector<1x16xf32> to vector<16xf32>
          %swap3A_229 = vector.shape_cast %add3A_224 : vector<16xf32> to vector<1x16xf32>
          tpu.vector_store %arg12[%swap3A_225, %swap3A_226], %swap3A_229 {strides = array<i32>} : memref<128x128xf32, #tpu.memory_space<vmem>>, vector<1x16xf32>,
        }
        %scan3A_113 = arith.constant 128 : i32
        %mul3A_114 = arith.constant 32 : i32
        %mul3A_115 = arith.muli %add3A_76, %mul3A_114 : i32
        %add3A_116 = arith.addi %mul3A_115, %add3A : i32
        %mul3A_117 = arith.constant 128 : i32
        %mul3A_118 = arith.muli %add3A_116, %mul3A_117 : i32
        "tpu.region"() ({
          %run_scoped3A = tpu.sem_alloc : memref<!tpu.dma_semaphore, #tpu.memory_space<semaphore_mem>>
          %dma_start3A_119 = arith.constant 0 : i32
          %dma_start3A_120 = tpu.memref_slice %arg6[%mul3A_118, %dma_start3A_119] : memref<80000x128xf32, #tpu.memory_space<hbm>> -> memref<128x128xf32, #tpu.memory_space<hbm>>
          %dma_start3A_121 = arith.constant 0 : i32
          %dma_start3A_122 = tpu.memref_slice %arg6[%mul3A_118, %dma_start3A_121] : memref<80000x128xf32, #tpu.memory_space<hbm>> -> memref<128x128xf32, #tpu.memory_space<hbm>>
          tpu.enqueue_dma source(%arg12 : memref<128x128xf32, #tpu.memory_space<vmem>>) target(%dma_start3A_122 : memref<128x128xf32, #tpu.memory_space<hbm>>) target_semaphore(%run_scoped3A : memref<!tpu.dma_semaphore, #tpu.memory_space<semaphore_mem>>)
          %dma_wait3A_123 = arith.constant 0 : i32
          %dma_wait3A_124 = tpu.memref_slice %arg6[%mul3A_118, %dma_wait3A_123] : memref<80000x128xf32, #tpu.memory_space<hbm>> -> memref<128x128xf32, #tpu.memory_space<hbm>>
          %dma_wait3A_125 = arith.constant 0 : i32
          %dma_wait3A_126 = tpu.memref_slice %arg6[%mul3A_118, %dma_wait3A_125] : memref<80000x128xf32, #tpu.memory_space<hbm>> -> memref<128x128xf32, #tpu.memory_space<hbm>>
          tpu.wait_dma2 semaphore(%run_scoped3A : memref<!tpu.dma_semaphore, #tpu.memory_space<semaphore_mem>>) src(%arg12 : memref<128x128xf32, #tpu.memory_space<vmem>>) dst(%dma_wait3A_126 : memref<128x128xf32, #tpu.memory_space<hbm>>)
          tpu.yield
        }) : () -> ()
      } else {
      }
    }
    %scan3A_39 = arith.constant 10 : i32
    return
  }
}

module attributes {stable_mosaic.version = 14 : i64} {
  func.func @_prep_body(%arg0: i32, %arg1: memref<1000x128xf32, #tpu.memory_space<vmem>>, %arg2: memref<1000x128xf32, #tpu.memory_space<vmem>>, %arg3: memref<128x128xf32, #tpu.memory_space<vmem>>, %arg4: memref<128x128xf32, #tpu.memory_space<vmem>>, %arg5: memref<128x128xf32, #tpu.memory_space<vmem>>, %arg6: memref<1x128xf32, #tpu.memory_space<vmem>>, %arg7: memref<128x128xf32, #tpu.memory_space<vmem>>, %arg8: memref<1x128xf32, #tpu.memory_space<vmem>>, %arg9: memref<1x128xf32, #tpu.memory_space<vmem>>, %arg10: memref<1x128xf32, #tpu.memory_space<vmem>>, %arg11: memref<1000x128xf32, #tpu.memory_space<vmem>>, %arg12: memref<1000x128xf32, #tpu.memory_space<vmem>>, %arg13: memref<1000x128xf32, #tpu.memory_space<vmem>>) attributes {dimension_semantics = [#tpu.dimension_semantics<arbitrary>], iteration_bounds = array<i64: 10>, scalar_prefetch = 0 : i64, scratch_operands = 0 : i64, tpu.core_type = #tpu.core_type<tc>, window_params = [{transform_indices = @transform_0, window_bounds = array<i64: 1000, 128>}, {transform_indices = @transform_1, window_bounds = array<i64: 1000, 128>}, {pipeline_mode = #tpu.pipeline_mode<synchronous>, transform_indices = @transform_2, window_bounds = array<i64: 128, 128>}, {pipeline_mode = #tpu.pipeline_mode<synchronous>, transform_indices = @transform_3, window_bounds = array<i64: 128, 128>}, {pipeline_mode = #tpu.pipeline_mode<synchronous>, transform_indices = @transform_4, window_bounds = array<i64: 128, 128>}, {pipeline_mode = #tpu.pipeline_mode<synchronous>, transform_indices = @transform_5, window_bounds = array<i64: 1, 128>}, {pipeline_mode = #tpu.pipeline_mode<synchronous>, transform_indices = @transform_6, window_bounds = array<i64: 128, 128>}, {pipeline_mode = #tpu.pipeline_mode<synchronous>, transform_indices = @transform_7, window_bounds = array<i64: 1, 128>}, {pipeline_mode = #tpu.pipeline_mode<synchronous>, transform_indices = @transform_8, window_bounds = array<i64: 1, 128>}, {pipeline_mode = #tpu.pipeline_mode<synchronous>, transform_indices = @transform_9, window_bounds = array<i64: 1, 128>}, {transform_indices = @transform_10, window_bounds = array<i64: 1000, 128>}, {transform_indices = @transform_11, window_bounds = array<i64: 1000, 128>}, {transform_indices = @transform_12, window_bounds = array<i64: 1000, 128>}]} {
    %get3A = arith.constant 0 : index
    %get3A_0 = arith.constant 0 : index
    %get3A_1 = vector.load %arg1[%get3A, %get3A_0] : memref<1000x128xf32, #tpu.memory_space<vmem>>, vector<1000x128xf32>
    %get3A_2 = arith.constant 0 : index
    %get3A_3 = arith.constant 0 : index
    %get3A_4 = vector.load %arg2[%get3A_2, %get3A_3] : memref<1000x128xf32, #tpu.memory_space<vmem>>, vector<1000x128xf32>
    %get3A_5 = arith.constant 0 : index
    %get3A_6 = arith.constant 0 : index
    %get3A_7 = vector.load %arg3[%get3A_5, %get3A_6] : memref<128x128xf32, #tpu.memory_space<vmem>>, vector<128x128xf32>
    %dot_general3A = arith.constant dense<0.000000e+00> : vector<1000x128xf32>
    %dot_general3A_8 = tpu.matmul %get3A_4, %get3A_7, %dot_general3A {dimension_numbers = #tpu.dot_dimension_numbers<[1], [0], [0], [1], [0, 0, 1, 1], [], []>, transpose_lhs_hint = false} : vector<1000x128xf32>, vector<128x128xf32>, vector<1000x128xf32> -> vector<1000x128xf32>
    %swap3A = arith.constant 0 : index
    %swap3A_9 = arith.constant 0 : index
    %swap3A_10 = vector.load %arg11[%swap3A, %swap3A_9] : memref<1000x128xf32, #tpu.memory_space<vmem>>, vector<1000x128xf32>
    tpu.vector_store %arg11[%swap3A, %swap3A_9], %dot_general3A_8 {strides = array<i32>} : memref<1000x128xf32, #tpu.memory_space<vmem>>, vector<1000x128xf32>,
    %get3A_11 = arith.constant 0 : index
    %get3A_12 = arith.constant 0 : index
    %get3A_13 = vector.load %arg4[%get3A_11, %get3A_12] : memref<128x128xf32, #tpu.memory_space<vmem>>, vector<128x128xf32>
    %dot_general3A_14 = arith.constant dense<0.000000e+00> : vector<1000x128xf32>
    %dot_general3A_15 = tpu.matmul %get3A_1, %get3A_13, %dot_general3A_14 {dimension_numbers = #tpu.dot_dimension_numbers<[1], [0], [0], [1], [0, 0, 1, 1], [], []>, transpose_lhs_hint = false} : vector<1000x128xf32>, vector<128x128xf32>, vector<1000x128xf32> -> vector<1000x128xf32>
    %swap3A_16 = arith.constant 0 : index
    %swap3A_17 = arith.constant 0 : index
    %swap3A_18 = vector.load %arg12[%swap3A_16, %swap3A_17] : memref<1000x128xf32, #tpu.memory_space<vmem>>, vector<1000x128xf32>
    tpu.vector_store %arg12[%swap3A_16, %swap3A_17], %dot_general3A_15 {strides = array<i32>} : memref<1000x128xf32, #tpu.memory_space<vmem>>, vector<1000x128xf32>,
    %get3A_19 = arith.constant 0 : index
    %get3A_20 = arith.constant 0 : index
    %get3A_21 = vector.load %arg5[%get3A_19, %get3A_20] : memref<128x128xf32, #tpu.memory_space<vmem>>, vector<128x128xf32>
    %dot_general3A_22 = arith.constant dense<0.000000e+00> : vector<1000x128xf32>
    %dot_general3A_23 = tpu.matmul %get3A_1, %get3A_21, %dot_general3A_22 {dimension_numbers = #tpu.dot_dimension_numbers<[1], [0], [0], [1], [0, 0, 1, 1], [], []>, transpose_lhs_hint = false} : vector<1000x128xf32>, vector<128x128xf32>, vector<1000x128xf32> -> vector<1000x128xf32>
    %get3A_24 = arith.constant 0 : index
    %get3A_25 = arith.constant 0 : index
    %get3A_26 = vector.load %arg6[%get3A_24, %get3A_25] : memref<1x128xf32, #tpu.memory_space<vmem>>, vector<1x128xf32>
    %add3A = vector.broadcast %get3A_26 : vector<1x128xf32> to vector<1000x128xf32>
    %add3A_27 = arith.addf %dot_general3A_23, %add3A : vector<1000x128xf32>
    %neg3A = arith.constant 0.000000e+00 : f32
    %neg3A_28 = vector.broadcast %neg3A : f32 to vector<1000x128xf32>
    %neg3A_29 = arith.subf %neg3A_28, %add3A_27 : vector<1000x128xf32>
    %exp3A = math.exp %neg3A_29 : vector<1000x128xf32>
    %add3A_30 = arith.constant 1.000000e+00 : f32
    %add3A_31 = vector.broadcast %add3A_30 : f32 to vector<1000x128xf32>
    %add3A_32 = arith.addf %add3A_31, %exp3A : vector<1000x128xf32>
    %div3A = arith.constant 1.000000e+00 : f32
    %div3A_33 = vector.broadcast %div3A : f32 to vector<1000x128xf32>
    %div3A_34 = arith.divf %div3A_33, %add3A_32 : vector<1000x128xf32>
    %mul3A = arith.mulf %add3A_27, %div3A_34 : vector<1000x128xf32>
    %get3A_35 = arith.constant 0 : index
    %get3A_36 = arith.constant 0 : index
    %get3A_37 = vector.load %arg7[%get3A_35, %get3A_36] : memref<128x128xf32, #tpu.memory_space<vmem>>, vector<128x128xf32>
    %dot_general3A_38 = arith.constant dense<0.000000e+00> : vector<1000x128xf32>
    %dot_general3A_39 = tpu.matmul %mul3A, %get3A_37, %dot_general3A_38 {dimension_numbers = #tpu.dot_dimension_numbers<[1], [0], [0], [1], [0, 0, 1, 1], [], []>, transpose_lhs_hint = false} : vector<1000x128xf32>, vector<128x128xf32>, vector<1000x128xf32> -> vector<1000x128xf32>
    %get3A_40 = arith.constant 0 : index
    %get3A_41 = arith.constant 0 : index
    %get3A_42 = vector.load %arg8[%get3A_40, %get3A_41] : memref<1x128xf32, #tpu.memory_space<vmem>>, vector<1x128xf32>
    %add3A_43 = vector.broadcast %get3A_42 : vector<1x128xf32> to vector<1000x128xf32>
    %add3A_44 = arith.addf %dot_general3A_39, %add3A_43 : vector<1000x128xf32>
    %get3A_45 = arith.constant 0 : index
    %get3A_46 = arith.constant 0 : index
    %get3A_47 = vector.load %arg9[%get3A_45, %get3A_46] : memref<1x128xf32, #tpu.memory_space<vmem>>, vector<1x128xf32>
    %get3A_48 = arith.constant 0 : index
    %get3A_49 = arith.constant 0 : index
    %get3A_50 = vector.load %arg10[%get3A_48, %get3A_49] : memref<1x128xf32, #tpu.memory_space<vmem>>, vector<1x128xf32>
    %reduce_sum3A = arith.constant dense<0.000000e+00> : vector<1000xf32>
    %reduce_sum3A_51 = vector.multi_reduction <add>, %add3A_44, %reduce_sum3A [1] : vector<1000x128xf32> to vector<1000xf32>
    %broadcast_in_dim3A = vector.shape_cast %reduce_sum3A_51 : vector<1000xf32> to vector<1000x1xf32>
    %div3A_52 = arith.constant 1.280000e+02 : f32
    %div3A_53 = vector.broadcast %div3A_52 : f32 to vector<1000x1xf32>
    %div3A_54 = arith.divf %broadcast_in_dim3A, %div3A_53 : vector<1000x1xf32>
    %sub3A = vector.broadcast %div3A_54 : vector<1000x1xf32> to vector<1000x128xf32>
    %sub3A_55 = arith.subf %add3A_44, %sub3A : vector<1000x128xf32>
    %integer_pow3A = arith.mulf %sub3A_55, %sub3A_55 : vector<1000x128xf32>
    %reduce_sum3A_56 = arith.constant dense<0.000000e+00> : vector<1000xf32>
    %reduce_sum3A_57 = vector.multi_reduction <add>, %integer_pow3A, %reduce_sum3A_56 [1] : vector<1000x128xf32> to vector<1000xf32>
    %broadcast_in_dim3A_58 = vector.shape_cast %reduce_sum3A_57 : vector<1000xf32> to vector<1000x1xf32>
    %div3A_59 = arith.constant 1.280000e+02 : f32
    %div3A_60 = vector.broadcast %div3A_59 : f32 to vector<1000x1xf32>
    %div3A_61 = arith.divf %broadcast_in_dim3A_58, %div3A_60 : vector<1000x1xf32>
    %sub3A_62 = vector.broadcast %div3A_54 : vector<1000x1xf32> to vector<1000x128xf32>
    %sub3A_63 = arith.subf %add3A_44, %sub3A_62 : vector<1000x128xf32>
    %add3A_64 = arith.constant 9.99999974E-6 : f32
    %add3A_65 = vector.broadcast %add3A_64 : f32 to vector<1000x1xf32>
    %add3A_66 = arith.addf %div3A_61, %add3A_65 : vector<1000x1xf32>
    %rsqrt3A = math.rsqrt %add3A_66 : vector<1000x1xf32>
    %mul3A_67 = vector.broadcast %rsqrt3A : vector<1000x1xf32> to vector<1000x128xf32>
    %mul3A_68 = arith.mulf %sub3A_63, %mul3A_67 : vector<1000x128xf32>
    %mul3A_69 = vector.broadcast %get3A_47 : vector<1x128xf32> to vector<1000x128xf32>
    %mul3A_70 = arith.mulf %mul3A_68, %mul3A_69 : vector<1000x128xf32>
    %add3A_71 = vector.broadcast %get3A_50 : vector<1x128xf32> to vector<1000x128xf32>
    %add3A_72 = arith.addf %mul3A_70, %add3A_71 : vector<1000x128xf32>
    %add3A_73 = arith.addf %add3A_72, %get3A_1 : vector<1000x128xf32>
    %swap3A_74 = arith.constant 0 : index
    %swap3A_75 = arith.constant 0 : index
    %swap3A_76 = vector.load %arg13[%swap3A_74, %swap3A_75] : memref<1000x128xf32, #tpu.memory_space<vmem>>, vector<1000x128xf32>
    tpu.vector_store %arg13[%swap3A_74, %swap3A_75], %add3A_73 {strides = array<i32>} : memref<1000x128xf32, #tpu.memory_space<vmem>>, vector<1000x128xf32>,
    return
  }
  func.func @transform_0(%arg0: i32) -> (i32, i32) {
    %c0_i32 = arith.constant 0 : i32
    %c0_i32_0 = arith.constant 0 : i32
    return %arg0, %c0_i32 : i32, i32
  }
  func.func @transform_1(%arg0: i32) -> (i32, i32) {
    %c0_i32 = arith.constant 0 : i32
    %c0_i32_0 = arith.constant 0 : i32
    return %arg0, %c0_i32 : i32, i32
  }
  func.func @transform_2(%arg0: i32) -> (i32, i32) {
    %c0_i32 = arith.constant 0 : i32
    %c0_i32_0 = arith.constant 0 : i32
    %c0_i32_1 = arith.constant 0 : i32
    return %c0_i32, %c0_i32_0 : i32, i32
  }
  func.func @transform_3(%arg0: i32) -> (i32, i32) {
    %c0_i32 = arith.constant 0 : i32
    %c0_i32_0 = arith.constant 0 : i32
    %c0_i32_1 = arith.constant 0 : i32
    return %c0_i32, %c0_i32_0 : i32, i32
  }
  func.func @transform_4(%arg0: i32) -> (i32, i32) {
    %c0_i32 = arith.constant 0 : i32
    %c0_i32_0 = arith.constant 0 : i32
    %c0_i32_1 = arith.constant 0 : i32
    return %c0_i32, %c0_i32_0 : i32, i32
  }
  func.func @transform_5(%arg0: i32) -> (i32, i32) {
    %c0_i32 = arith.constant 0 : i32
    %c0_i32_0 = arith.constant 0 : i32
    %c0_i32_1 = arith.constant 0 : i32
    return %c0_i32, %c0_i32_0 : i32, i32
  }
  func.func @transform_6(%arg0: i32) -> (i32, i32) {
    %c0_i32 = arith.constant 0 : i32
    %c0_i32_0 = arith.constant 0 : i32
    %c0_i32_1 = arith.constant 0 : i32
    return %c0_i32, %c0_i32_0 : i32, i32
  }
  func.func @transform_7(%arg0: i32) -> (i32, i32) {
    %c0_i32 = arith.constant 0 : i32
    %c0_i32_0 = arith.constant 0 : i32
    %c0_i32_1 = arith.constant 0 : i32
    return %c0_i32, %c0_i32_0 : i32, i32
  }
  func.func @transform_8(%arg0: i32) -> (i32, i32) {
    %c0_i32 = arith.constant 0 : i32
    %c0_i32_0 = arith.constant 0 : i32
    %c0_i32_1 = arith.constant 0 : i32
    return %c0_i32, %c0_i32_0 : i32, i32
  }
  func.func @transform_9(%arg0: i32) -> (i32, i32) {
    %c0_i32 = arith.constant 0 : i32
    %c0_i32_0 = arith.constant 0 : i32
    %c0_i32_1 = arith.constant 0 : i32
    return %c0_i32, %c0_i32_0 : i32, i32
  }
  func.func @transform_10(%arg0: i32) -> (i32, i32) {
    %c0_i32 = arith.constant 0 : i32
    %c0_i32_0 = arith.constant 0 : i32
    return %arg0, %c0_i32 : i32, i32
  }
  func.func @transform_11(%arg0: i32) -> (i32, i32) {
    %c0_i32 = arith.constant 0 : i32
    %c0_i32_0 = arith.constant 0 : i32
    return %arg0, %c0_i32 : i32, i32
  }
  func.func @transform_12(%arg0: i32) -> (i32, i32) {
    %c0_i32 = arith.constant 0 : i32
    %c0_i32_0 = arith.constant 0 : i32
    return %arg0, %c0_i32 : i32, i32
  }
}

module attributes {stable_mosaic.version = 14 : i64} {
  func.func @_edge_body(%arg0: i32, %arg1: memref<1600x128xf32, #tpu.memory_space<vmem>>, %arg2: memref<1600x128xf32, #tpu.memory_space<vmem>>, %arg3: memref<128x128xbf16, #tpu.memory_space<vmem>>, %arg4: memref<1x128xf32, #tpu.memory_space<vmem>>, %arg5: memref<128x128xbf16, #tpu.memory_space<vmem>>, %arg6: memref<1x128xf32, #tpu.memory_space<vmem>>, %arg7: memref<1x128xf32, #tpu.memory_space<vmem>>, %arg8: memref<1x128xf32, #tpu.memory_space<vmem>>, %arg9: memref<1600x128xf32, #tpu.memory_space<vmem>>) attributes {dimension_semantics = [#tpu.dimension_semantics<arbitrary>], iteration_bounds = array<i64: 50>, scalar_prefetch = 0 : i64, scratch_operands = 0 : i64, tpu.core_type = #tpu.core_type<tc>, window_params = [{transform_indices = @transform_0, window_bounds = array<i64: 1600, 128>}, {transform_indices = @transform_1, window_bounds = array<i64: 1600, 128>}, {pipeline_mode = #tpu.pipeline_mode<synchronous>, transform_indices = @transform_2, window_bounds = array<i64: 128, 128>}, {pipeline_mode = #tpu.pipeline_mode<synchronous>, transform_indices = @transform_3, window_bounds = array<i64: 1, 128>}, {pipeline_mode = #tpu.pipeline_mode<synchronous>, transform_indices = @transform_4, window_bounds = array<i64: 128, 128>}, {pipeline_mode = #tpu.pipeline_mode<synchronous>, transform_indices = @transform_5, window_bounds = array<i64: 1, 128>}, {pipeline_mode = #tpu.pipeline_mode<synchronous>, transform_indices = @transform_6, window_bounds = array<i64: 1, 128>}, {pipeline_mode = #tpu.pipeline_mode<synchronous>, transform_indices = @transform_7, window_bounds = array<i64: 1, 128>}, {transform_indices = @transform_8, window_bounds = array<i64: 1600, 128>}]} {
    %get3A = arith.constant 0 : index
    %get3A_0 = arith.constant 0 : index
    %get3A_1 = vector.load %arg2[%get3A, %get3A_0] : memref<1600x128xf32, #tpu.memory_space<vmem>>, vector<1600x128xf32>
    %get3A_2 = arith.constant 0 : index
    %get3A_3 = arith.constant 0 : index
    %get3A_4 = vector.load %arg1[%get3A_2, %get3A_3] : memref<1600x128xf32, #tpu.memory_space<vmem>>, vector<1600x128xf32>
    %convert_element_type3A = arith.truncf %get3A_1 : vector<1600x128xf32> to vector<1600x128xbf16>
    %get3A_5 = arith.constant 0 : index
    %get3A_6 = arith.constant 0 : index
    %get3A_7 = vector.load %arg3[%get3A_5, %get3A_6] : memref<128x128xbf16, #tpu.memory_space<vmem>>, vector<128x128xbf16>
    %dot_general3A = arith.constant dense<0.000000e+00> : vector<1600x128xf32>
    %dot_general3A_8 = tpu.matmul %convert_element_type3A, %get3A_7, %dot_general3A {dimension_numbers = #tpu.dot_dimension_numbers<[1], [0], [0], [1], [0, 0, 1, 1], [], []>, transpose_lhs_hint = false} : vector<1600x128xbf16>, vector<128x128xbf16>, vector<1600x128xf32> -> vector<1600x128xf32>
    %add3A = arith.addf %get3A_4, %dot_general3A_8 : vector<1600x128xf32>
    %get3A_9 = arith.constant 0 : index
    %get3A_10 = arith.constant 0 : index
    %get3A_11 = vector.load %arg4[%get3A_9, %get3A_10] : memref<1x128xf32, #tpu.memory_space<vmem>>, vector<1x128xf32>
    %add3A_12 = vector.broadcast %get3A_11 : vector<1x128xf32> to vector<1600x128xf32>
    %add3A_13 = arith.addf %add3A, %add3A_12 : vector<1600x128xf32>
    %neg3A = arith.constant 0.000000e+00 : f32
    %neg3A_14 = vector.broadcast %neg3A : f32 to vector<1600x128xf32>
    %neg3A_15 = arith.subf %neg3A_14, %add3A_13 : vector<1600x128xf32>
    %exp3A = math.exp %neg3A_15 : vector<1600x128xf32>
    %add3A_16 = arith.constant 1.000000e+00 : f32
    %add3A_17 = vector.broadcast %add3A_16 : f32 to vector<1600x128xf32>
    %add3A_18 = arith.addf %add3A_17, %exp3A : vector<1600x128xf32>
    %div3A = arith.constant 1.000000e+00 : f32
    %div3A_19 = vector.broadcast %div3A : f32 to vector<1600x128xf32>
    %div3A_20 = arith.divf %div3A_19, %add3A_18 : vector<1600x128xf32>
    %mul3A = arith.mulf %add3A_13, %div3A_20 : vector<1600x128xf32>
    %convert_element_type3A_21 = arith.truncf %mul3A : vector<1600x128xf32> to vector<1600x128xbf16>
    %get3A_22 = arith.constant 0 : index
    %get3A_23 = arith.constant 0 : index
    %get3A_24 = vector.load %arg5[%get3A_22, %get3A_23] : memref<128x128xbf16, #tpu.memory_space<vmem>>, vector<128x128xbf16>
    %dot_general3A_25 = arith.constant dense<0.000000e+00> : vector<1600x128xf32>
    %dot_general3A_26 = tpu.matmul %convert_element_type3A_21, %get3A_24, %dot_general3A_25 {dimension_numbers = #tpu.dot_dimension_numbers<[1], [0], [0], [1], [0, 0, 1, 1], [], []>, transpose_lhs_hint = false} : vector<1600x128xbf16>, vector<128x128xbf16>, vector<1600x128xf32> -> vector<1600x128xf32>
    %get3A_27 = arith.constant 0 : index
    %get3A_28 = arith.constant 0 : index
    %get3A_29 = vector.load %arg6[%get3A_27, %get3A_28] : memref<1x128xf32, #tpu.memory_space<vmem>>, vector<1x128xf32>
    %add3A_30 = vector.broadcast %get3A_29 : vector<1x128xf32> to vector<1600x128xf32>
    %add3A_31 = arith.addf %dot_general3A_26, %add3A_30 : vector<1600x128xf32>
    %get3A_32 = arith.constant 0 : index
    %get3A_33 = arith.constant 0 : index
    %get3A_34 = vector.load %arg7[%get3A_32, %get3A_33] : memref<1x128xf32, #tpu.memory_space<vmem>>, vector<1x128xf32>
    %get3A_35 = arith.constant 0 : index
    %get3A_36 = arith.constant 0 : index
    %get3A_37 = vector.load %arg8[%get3A_35, %get3A_36] : memref<1x128xf32, #tpu.memory_space<vmem>>, vector<1x128xf32>
    %reduce_sum3A = arith.constant dense<0.000000e+00> : vector<1600xf32>
    %reduce_sum3A_38 = vector.multi_reduction <add>, %add3A_31, %reduce_sum3A [1] : vector<1600x128xf32> to vector<1600xf32>
    %broadcast_in_dim3A = vector.shape_cast %reduce_sum3A_38 : vector<1600xf32> to vector<1600x1xf32>
    %div3A_39 = arith.constant 1.280000e+02 : f32
    %div3A_40 = vector.broadcast %div3A_39 : f32 to vector<1600x1xf32>
    %div3A_41 = arith.divf %broadcast_in_dim3A, %div3A_40 : vector<1600x1xf32>
    %sub3A = vector.broadcast %div3A_41 : vector<1600x1xf32> to vector<1600x128xf32>
    %sub3A_42 = arith.subf %add3A_31, %sub3A : vector<1600x128xf32>
    %integer_pow3A = arith.mulf %sub3A_42, %sub3A_42 : vector<1600x128xf32>
    %reduce_sum3A_43 = arith.constant dense<0.000000e+00> : vector<1600xf32>
    %reduce_sum3A_44 = vector.multi_reduction <add>, %integer_pow3A, %reduce_sum3A_43 [1] : vector<1600x128xf32> to vector<1600xf32>
    %broadcast_in_dim3A_45 = vector.shape_cast %reduce_sum3A_44 : vector<1600xf32> to vector<1600x1xf32>
    %div3A_46 = arith.constant 1.280000e+02 : f32
    %div3A_47 = vector.broadcast %div3A_46 : f32 to vector<1600x1xf32>
    %div3A_48 = arith.divf %broadcast_in_dim3A_45, %div3A_47 : vector<1600x1xf32>
    %sub3A_49 = vector.broadcast %div3A_41 : vector<1600x1xf32> to vector<1600x128xf32>
    %sub3A_50 = arith.subf %add3A_31, %sub3A_49 : vector<1600x128xf32>
    %add3A_51 = arith.constant 9.99999974E-6 : f32
    %add3A_52 = vector.broadcast %add3A_51 : f32 to vector<1600x1xf32>
    %add3A_53 = arith.addf %div3A_48, %add3A_52 : vector<1600x1xf32>
    %rsqrt3A = math.rsqrt %add3A_53 : vector<1600x1xf32>
    %mul3A_54 = vector.broadcast %rsqrt3A : vector<1600x1xf32> to vector<1600x128xf32>
    %mul3A_55 = arith.mulf %sub3A_50, %mul3A_54 : vector<1600x128xf32>
    %mul3A_56 = vector.broadcast %get3A_34 : vector<1x128xf32> to vector<1600x128xf32>
    %mul3A_57 = arith.mulf %mul3A_55, %mul3A_56 : vector<1600x128xf32>
    %add3A_58 = vector.broadcast %get3A_37 : vector<1x128xf32> to vector<1600x128xf32>
    %add3A_59 = arith.addf %mul3A_57, %add3A_58 : vector<1600x128xf32>
    %add3A_60 = arith.addf %add3A_59, %get3A_1 : vector<1600x128xf32>
    %swap3A = arith.constant 0 : index
    %swap3A_61 = arith.constant 0 : index
    %swap3A_62 = vector.load %arg9[%swap3A, %swap3A_61] : memref<1600x128xf32, #tpu.memory_space<vmem>>, vector<1600x128xf32>
    tpu.vector_store %arg9[%swap3A, %swap3A_61], %add3A_60 {strides = array<i32>} : memref<1600x128xf32, #tpu.memory_space<vmem>>, vector<1600x128xf32>,
    return
  }
  func.func @transform_0(%arg0: i32) -> (i32, i32) {
    %c0_i32 = arith.constant 0 : i32
    %c0_i32_0 = arith.constant 0 : i32
    return %arg0, %c0_i32 : i32, i32
  }
  func.func @transform_1(%arg0: i32) -> (i32, i32) {
    %add3A = arith.constant 0 : i32
    %add3A_0 = arith.addi %arg0, %add3A : i32
    %c0_i32 = arith.constant 0 : i32
    %c0_i32_1 = arith.constant 0 : i32
    return %add3A_0, %c0_i32 : i32, i32
  }
  func.func @transform_2(%arg0: i32) -> (i32, i32) {
    %c0_i32 = arith.constant 0 : i32
    %c0_i32_0 = arith.constant 0 : i32
    %c0_i32_1 = arith.constant 0 : i32
    return %c0_i32, %c0_i32_0 : i32, i32
  }
  func.func @transform_3(%arg0: i32) -> (i32, i32) {
    %c0_i32 = arith.constant 0 : i32
    %c0_i32_0 = arith.constant 0 : i32
    %c0_i32_1 = arith.constant 0 : i32
    return %c0_i32, %c0_i32_0 : i32, i32
  }
  func.func @transform_4(%arg0: i32) -> (i32, i32) {
    %c0_i32 = arith.constant 0 : i32
    %c0_i32_0 = arith.constant 0 : i32
    %c0_i32_1 = arith.constant 0 : i32
    return %c0_i32, %c0_i32_0 : i32, i32
  }
  func.func @transform_5(%arg0: i32) -> (i32, i32) {
    %c0_i32 = arith.constant 0 : i32
    %c0_i32_0 = arith.constant 0 : i32
    %c0_i32_1 = arith.constant 0 : i32
    return %c0_i32, %c0_i32_0 : i32, i32
  }
  func.func @transform_6(%arg0: i32) -> (i32, i32) {
    %c0_i32 = arith.constant 0 : i32
    %c0_i32_0 = arith.constant 0 : i32
    %c0_i32_1 = arith.constant 0 : i32
    return %c0_i32, %c0_i32_0 : i32, i32
  }
  func.func @transform_7(%arg0: i32) -> (i32, i32) {
    %c0_i32 = arith.constant 0 : i32
    %c0_i32_0 = arith.constant 0 : i32
    %c0_i32_1 = arith.constant 0 : i32
    return %c0_i32, %c0_i32_0 : i32, i32
  }
  func.func @transform_8(%arg0: i32) -> (i32, i32) {
    %c0_i32 = arith.constant 0 : i32
    %c0_i32_0 = arith.constant 0 : i32
    return %arg0, %c0_i32 : i32, i32
  }
}

module attributes {stable_mosaic.version = 14 : i64} {
  func.func @_edge_body(%arg0: i32, %arg1: memref<1600x128xf32, #tpu.memory_space<vmem>>, %arg2: memref<1600x128xf32, #tpu.memory_space<vmem>>, %arg3: memref<128x128xbf16, #tpu.memory_space<vmem>>, %arg4: memref<1x128xf32, #tpu.memory_space<vmem>>, %arg5: memref<128x128xbf16, #tpu.memory_space<vmem>>, %arg6: memref<1x128xf32, #tpu.memory_space<vmem>>, %arg7: memref<1x128xf32, #tpu.memory_space<vmem>>, %arg8: memref<1x128xf32, #tpu.memory_space<vmem>>, %arg9: memref<1600x128xf32, #tpu.memory_space<vmem>>) attributes {dimension_semantics = [#tpu.dimension_semantics<arbitrary>], iteration_bounds = array<i64: 50>, scalar_prefetch = 0 : i64, scratch_operands = 0 : i64, tpu.core_type = #tpu.core_type<tc>, window_params = [{transform_indices = @transform_0, window_bounds = array<i64: 1600, 128>}, {transform_indices = @transform_1, window_bounds = array<i64: 1600, 128>}, {pipeline_mode = #tpu.pipeline_mode<synchronous>, transform_indices = @transform_2, window_bounds = array<i64: 128, 128>}, {pipeline_mode = #tpu.pipeline_mode<synchronous>, transform_indices = @transform_3, window_bounds = array<i64: 1, 128>}, {pipeline_mode = #tpu.pipeline_mode<synchronous>, transform_indices = @transform_4, window_bounds = array<i64: 128, 128>}, {pipeline_mode = #tpu.pipeline_mode<synchronous>, transform_indices = @transform_5, window_bounds = array<i64: 1, 128>}, {pipeline_mode = #tpu.pipeline_mode<synchronous>, transform_indices = @transform_6, window_bounds = array<i64: 1, 128>}, {pipeline_mode = #tpu.pipeline_mode<synchronous>, transform_indices = @transform_7, window_bounds = array<i64: 1, 128>}, {transform_indices = @transform_8, window_bounds = array<i64: 1600, 128>}]} {
    %get3A = arith.constant 0 : index
    %get3A_0 = arith.constant 0 : index
    %get3A_1 = vector.load %arg2[%get3A, %get3A_0] : memref<1600x128xf32, #tpu.memory_space<vmem>>, vector<1600x128xf32>
    %get3A_2 = arith.constant 0 : index
    %get3A_3 = arith.constant 0 : index
    %get3A_4 = vector.load %arg1[%get3A_2, %get3A_3] : memref<1600x128xf32, #tpu.memory_space<vmem>>, vector<1600x128xf32>
    %convert_element_type3A = arith.truncf %get3A_1 : vector<1600x128xf32> to vector<1600x128xbf16>
    %get3A_5 = arith.constant 0 : index
    %get3A_6 = arith.constant 0 : index
    %get3A_7 = vector.load %arg3[%get3A_5, %get3A_6] : memref<128x128xbf16, #tpu.memory_space<vmem>>, vector<128x128xbf16>
    %dot_general3A = arith.constant dense<0.000000e+00> : vector<1600x128xf32>
    %dot_general3A_8 = tpu.matmul %convert_element_type3A, %get3A_7, %dot_general3A {dimension_numbers = #tpu.dot_dimension_numbers<[1], [0], [0], [1], [0, 0, 1, 1], [], []>, transpose_lhs_hint = false} : vector<1600x128xbf16>, vector<128x128xbf16>, vector<1600x128xf32> -> vector<1600x128xf32>
    %add3A = arith.addf %get3A_4, %dot_general3A_8 : vector<1600x128xf32>
    %get3A_9 = arith.constant 0 : index
    %get3A_10 = arith.constant 0 : index
    %get3A_11 = vector.load %arg4[%get3A_9, %get3A_10] : memref<1x128xf32, #tpu.memory_space<vmem>>, vector<1x128xf32>
    %add3A_12 = vector.broadcast %get3A_11 : vector<1x128xf32> to vector<1600x128xf32>
    %add3A_13 = arith.addf %add3A, %add3A_12 : vector<1600x128xf32>
    %neg3A = arith.constant 0.000000e+00 : f32
    %neg3A_14 = vector.broadcast %neg3A : f32 to vector<1600x128xf32>
    %neg3A_15 = arith.subf %neg3A_14, %add3A_13 : vector<1600x128xf32>
    %exp3A = math.exp %neg3A_15 : vector<1600x128xf32>
    %add3A_16 = arith.constant 1.000000e+00 : f32
    %add3A_17 = vector.broadcast %add3A_16 : f32 to vector<1600x128xf32>
    %add3A_18 = arith.addf %add3A_17, %exp3A : vector<1600x128xf32>
    %div3A = arith.constant 1.000000e+00 : f32
    %div3A_19 = vector.broadcast %div3A : f32 to vector<1600x128xf32>
    %div3A_20 = arith.divf %div3A_19, %add3A_18 : vector<1600x128xf32>
    %mul3A = arith.mulf %add3A_13, %div3A_20 : vector<1600x128xf32>
    %convert_element_type3A_21 = arith.truncf %mul3A : vector<1600x128xf32> to vector<1600x128xbf16>
    %get3A_22 = arith.constant 0 : index
    %get3A_23 = arith.constant 0 : index
    %get3A_24 = vector.load %arg5[%get3A_22, %get3A_23] : memref<128x128xbf16, #tpu.memory_space<vmem>>, vector<128x128xbf16>
    %dot_general3A_25 = arith.constant dense<0.000000e+00> : vector<1600x128xf32>
    %dot_general3A_26 = tpu.matmul %convert_element_type3A_21, %get3A_24, %dot_general3A_25 {dimension_numbers = #tpu.dot_dimension_numbers<[1], [0], [0], [1], [0, 0, 1, 1], [], []>, transpose_lhs_hint = false} : vector<1600x128xbf16>, vector<128x128xbf16>, vector<1600x128xf32> -> vector<1600x128xf32>
    %get3A_27 = arith.constant 0 : index
    %get3A_28 = arith.constant 0 : index
    %get3A_29 = vector.load %arg6[%get3A_27, %get3A_28] : memref<1x128xf32, #tpu.memory_space<vmem>>, vector<1x128xf32>
    %add3A_30 = vector.broadcast %get3A_29 : vector<1x128xf32> to vector<1600x128xf32>
    %add3A_31 = arith.addf %dot_general3A_26, %add3A_30 : vector<1600x128xf32>
    %get3A_32 = arith.constant 0 : index
    %get3A_33 = arith.constant 0 : index
    %get3A_34 = vector.load %arg7[%get3A_32, %get3A_33] : memref<1x128xf32, #tpu.memory_space<vmem>>, vector<1x128xf32>
    %get3A_35 = arith.constant 0 : index
    %get3A_36 = arith.constant 0 : index
    %get3A_37 = vector.load %arg8[%get3A_35, %get3A_36] : memref<1x128xf32, #tpu.memory_space<vmem>>, vector<1x128xf32>
    %reduce_sum3A = arith.constant dense<0.000000e+00> : vector<1600xf32>
    %reduce_sum3A_38 = vector.multi_reduction <add>, %add3A_31, %reduce_sum3A [1] : vector<1600x128xf32> to vector<1600xf32>
    %broadcast_in_dim3A = vector.shape_cast %reduce_sum3A_38 : vector<1600xf32> to vector<1600x1xf32>
    %div3A_39 = arith.constant 1.280000e+02 : f32
    %div3A_40 = vector.broadcast %div3A_39 : f32 to vector<1600x1xf32>
    %div3A_41 = arith.divf %broadcast_in_dim3A, %div3A_40 : vector<1600x1xf32>
    %sub3A = vector.broadcast %div3A_41 : vector<1600x1xf32> to vector<1600x128xf32>
    %sub3A_42 = arith.subf %add3A_31, %sub3A : vector<1600x128xf32>
    %integer_pow3A = arith.mulf %sub3A_42, %sub3A_42 : vector<1600x128xf32>
    %reduce_sum3A_43 = arith.constant dense<0.000000e+00> : vector<1600xf32>
    %reduce_sum3A_44 = vector.multi_reduction <add>, %integer_pow3A, %reduce_sum3A_43 [1] : vector<1600x128xf32> to vector<1600xf32>
    %broadcast_in_dim3A_45 = vector.shape_cast %reduce_sum3A_44 : vector<1600xf32> to vector<1600x1xf32>
    %div3A_46 = arith.constant 1.280000e+02 : f32
    %div3A_47 = vector.broadcast %div3A_46 : f32 to vector<1600x1xf32>
    %div3A_48 = arith.divf %broadcast_in_dim3A_45, %div3A_47 : vector<1600x1xf32>
    %sub3A_49 = vector.broadcast %div3A_41 : vector<1600x1xf32> to vector<1600x128xf32>
    %sub3A_50 = arith.subf %add3A_31, %sub3A_49 : vector<1600x128xf32>
    %add3A_51 = arith.constant 9.99999974E-6 : f32
    %add3A_52 = vector.broadcast %add3A_51 : f32 to vector<1600x1xf32>
    %add3A_53 = arith.addf %div3A_48, %add3A_52 : vector<1600x1xf32>
    %rsqrt3A = math.rsqrt %add3A_53 : vector<1600x1xf32>
    %mul3A_54 = vector.broadcast %rsqrt3A : vector<1600x1xf32> to vector<1600x128xf32>
    %mul3A_55 = arith.mulf %sub3A_50, %mul3A_54 : vector<1600x128xf32>
    %mul3A_56 = vector.broadcast %get3A_34 : vector<1x128xf32> to vector<1600x128xf32>
    %mul3A_57 = arith.mulf %mul3A_55, %mul3A_56 : vector<1600x128xf32>
    %add3A_58 = vector.broadcast %get3A_37 : vector<1x128xf32> to vector<1600x128xf32>
    %add3A_59 = arith.addf %mul3A_57, %add3A_58 : vector<1600x128xf32>
    %add3A_60 = arith.addf %add3A_59, %get3A_1 : vector<1600x128xf32>
    %swap3A = arith.constant 0 : index
    %swap3A_61 = arith.constant 0 : index
    %swap3A_62 = vector.load %arg9[%swap3A, %swap3A_61] : memref<1600x128xf32, #tpu.memory_space<vmem>>, vector<1600x128xf32>
    tpu.vector_store %arg9[%swap3A, %swap3A_61], %add3A_60 {strides = array<i32>} : memref<1600x128xf32, #tpu.memory_space<vmem>>, vector<1600x128xf32>,
    return
  }
  func.func @transform_0(%arg0: i32) -> (i32, i32) {
    %c0_i32 = arith.constant 0 : i32
    %c0_i32_0 = arith.constant 0 : i32
    return %arg0, %c0_i32 : i32, i32
  }
  func.func @transform_1(%arg0: i32) -> (i32, i32) {
    %add3A = arith.constant 50 : i32
    %add3A_0 = arith.addi %arg0, %add3A : i32
    %c0_i32 = arith.constant 0 : i32
    %c0_i32_1 = arith.constant 0 : i32
    return %add3A_0, %c0_i32 : i32, i32
  }
  func.func @transform_2(%arg0: i32) -> (i32, i32) {
    %c0_i32 = arith.constant 0 : i32
    %c0_i32_0 = arith.constant 0 : i32
    %c0_i32_1 = arith.constant 0 : i32
    return %c0_i32, %c0_i32_0 : i32, i32
  }
  func.func @transform_3(%arg0: i32) -> (i32, i32) {
    %c0_i32 = arith.constant 0 : i32
    %c0_i32_0 = arith.constant 0 : i32
    %c0_i32_1 = arith.constant 0 : i32
    return %c0_i32, %c0_i32_0 : i32, i32
  }
  func.func @transform_4(%arg0: i32) -> (i32, i32) {
    %c0_i32 = arith.constant 0 : i32
    %c0_i32_0 = arith.constant 0 : i32
    %c0_i32_1 = arith.constant 0 : i32
    return %c0_i32, %c0_i32_0 : i32, i32
  }
  func.func @transform_5(%arg0: i32) -> (i32, i32) {
    %c0_i32 = arith.constant 0 : i32
    %c0_i32_0 = arith.constant 0 : i32
    %c0_i32_1 = arith.constant 0 : i32
    return %c0_i32, %c0_i32_0 : i32, i32
  }
  func.func @transform_6(%arg0: i32) -> (i32, i32) {
    %c0_i32 = arith.constant 0 : i32
    %c0_i32_0 = arith.constant 0 : i32
    %c0_i32_1 = arith.constant 0 : i32
    return %c0_i32, %c0_i32_0 : i32, i32
  }
  func.func @transform_7(%arg0: i32) -> (i32, i32) {
    %c0_i32 = arith.constant 0 : i32
    %c0_i32_0 = arith.constant 0 : i32
    %c0_i32_1 = arith.constant 0 : i32
    return %c0_i32, %c0_i32_0 : i32, i32
  }
  func.func @transform_8(%arg0: i32) -> (i32, i32) {
    %c0_i32 = arith.constant 0 : i32
    %c0_i32_0 = arith.constant 0 : i32
    return %arg0, %c0_i32 : i32, i32
  }
}

module attributes {stable_mosaic.version = 14 : i64} {
  func.func @_ndst_body(%arg0: i32, %arg1: memref<1000x128xf32, #tpu.memory_space<vmem>>, %arg2: memref<1000x128xf32, #tpu.memory_space<vmem>>, %arg3: memref<1000x128xf32, #tpu.memory_space<vmem>>, %arg4: memref<128x128xf32, #tpu.memory_space<vmem>>, %arg5: memref<128x128xf32, #tpu.memory_space<vmem>>, %arg6: memref<1x128xf32, #tpu.memory_space<vmem>>, %arg7: memref<128x128xf32, #tpu.memory_space<vmem>>, %arg8: memref<1x128xf32, #tpu.memory_space<vmem>>, %arg9: memref<1x128xf32, #tpu.memory_space<vmem>>, %arg10: memref<1x128xf32, #tpu.memory_space<vmem>>, %arg11: memref<1000x128xf32, #tpu.memory_space<vmem>>) attributes {dimension_semantics = [#tpu.dimension_semantics<arbitrary>], iteration_bounds = array<i64: 10>, scalar_prefetch = 0 : i64, scratch_operands = 0 : i64, tpu.core_type = #tpu.core_type<tc>, window_params = [{transform_indices = @transform_0, window_bounds = array<i64: 1000, 128>}, {transform_indices = @transform_1, window_bounds = array<i64: 1000, 128>}, {transform_indices = @transform_2, window_bounds = array<i64: 1000, 128>}, {pipeline_mode = #tpu.pipeline_mode<synchronous>, transform_indices = @transform_3, window_bounds = array<i64: 128, 128>}, {pipeline_mode = #tpu.pipeline_mode<synchronous>, transform_indices = @transform_4, window_bounds = array<i64: 128, 128>}, {pipeline_mode = #tpu.pipeline_mode<synchronous>, transform_indices = @transform_5, window_bounds = array<i64: 1, 128>}, {pipeline_mode = #tpu.pipeline_mode<synchronous>, transform_indices = @transform_6, window_bounds = array<i64: 128, 128>}, {pipeline_mode = #tpu.pipeline_mode<synchronous>, transform_indices = @transform_7, window_bounds = array<i64: 1, 128>}, {pipeline_mode = #tpu.pipeline_mode<synchronous>, transform_indices = @transform_8, window_bounds = array<i64: 1, 128>}, {pipeline_mode = #tpu.pipeline_mode<synchronous>, transform_indices = @transform_9, window_bounds = array<i64: 1, 128>}, {transform_indices = @transform_10, window_bounds = array<i64: 1000, 128>}]} {
    %get3A = arith.constant 0 : index
    %get3A_0 = arith.constant 0 : index
    %get3A_1 = vector.load %arg1[%get3A, %get3A_0] : memref<1000x128xf32, #tpu.memory_space<vmem>>, vector<1000x128xf32>
    %get3A_2 = arith.constant 0 : index
    %get3A_3 = arith.constant 0 : index
    %get3A_4 = vector.load %arg2[%get3A_2, %get3A_3] : memref<1000x128xf32, #tpu.memory_space<vmem>>, vector<1000x128xf32>
    %get3A_5 = arith.constant 0 : index
    %get3A_6 = arith.constant 0 : index
    %get3A_7 = vector.load %arg3[%get3A_5, %get3A_6] : memref<1000x128xf32, #tpu.memory_space<vmem>>, vector<1000x128xf32>
    %add3A = arith.addf %get3A_4, %get3A_7 : vector<1000x128xf32>
    %get3A_8 = arith.constant 0 : index
    %get3A_9 = arith.constant 0 : index
    %get3A_10 = vector.load %arg4[%get3A_8, %get3A_9] : memref<128x128xf32, #tpu.memory_space<vmem>>, vector<128x128xf32>
    %dot_general3A = arith.constant dense<0.000000e+00> : vector<1000x128xf32>
    %dot_general3A_11 = tpu.matmul %get3A_1, %get3A_10, %dot_general3A {dimension_numbers = #tpu.dot_dimension_numbers<[1], [0], [0], [1], [0, 0, 1, 1], [], []>, transpose_lhs_hint = false} : vector<1000x128xf32>, vector<128x128xf32>, vector<1000x128xf32> -> vector<1000x128xf32>
    %get3A_12 = arith.constant 0 : index
    %get3A_13 = arith.constant 0 : index
    %get3A_14 = vector.load %arg5[%get3A_12, %get3A_13] : memref<128x128xf32, #tpu.memory_space<vmem>>, vector<128x128xf32>
    %dot_general3A_15 = arith.constant dense<0.000000e+00> : vector<1000x128xf32>
    %dot_general3A_16 = tpu.matmul %add3A, %get3A_14, %dot_general3A_15 {dimension_numbers = #tpu.dot_dimension_numbers<[1], [0], [0], [1], [0, 0, 1, 1], [], []>, transpose_lhs_hint = false} : vector<1000x128xf32>, vector<128x128xf32>, vector<1000x128xf32> -> vector<1000x128xf32>
    %add3A_17 = arith.addf %dot_general3A_11, %dot_general3A_16 : vector<1000x128xf32>
    %get3A_18 = arith.constant 0 : index
    %get3A_19 = arith.constant 0 : index
    %get3A_20 = vector.load %arg6[%get3A_18, %get3A_19] : memref<1x128xf32, #tpu.memory_space<vmem>>, vector<1x128xf32>
    %add3A_21 = vector.broadcast %get3A_20 : vector<1x128xf32> to vector<1000x128xf32>
    %add3A_22 = arith.addf %add3A_17, %add3A_21 : vector<1000x128xf32>
    %neg3A = arith.constant 0.000000e+00 : f32
    %neg3A_23 = vector.broadcast %neg3A : f32 to vector<1000x128xf32>
    %neg3A_24 = arith.subf %neg3A_23, %add3A_22 : vector<1000x128xf32>
    %exp3A = math.exp %neg3A_24 : vector<1000x128xf32>
    %add3A_25 = arith.constant 1.000000e+00 : f32
    %add3A_26 = vector.broadcast %add3A_25 : f32 to vector<1000x128xf32>
    %add3A_27 = arith.addf %add3A_26, %exp3A : vector<1000x128xf32>
    %div3A = arith.constant 1.000000e+00 : f32
    %div3A_28 = vector.broadcast %div3A : f32 to vector<1000x128xf32>
    %div3A_29 = arith.divf %div3A_28, %add3A_27 : vector<1000x128xf32>
    %mul3A = arith.mulf %add3A_22, %div3A_29 : vector<1000x128xf32>
    %get3A_30 = arith.constant 0 : index
    %get3A_31 = arith.constant 0 : index
    %get3A_32 = vector.load %arg7[%get3A_30, %get3A_31] : memref<128x128xf32, #tpu.memory_space<vmem>>, vector<128x128xf32>
    %dot_general3A_33 = arith.constant dense<0.000000e+00> : vector<1000x128xf32>
    %dot_general3A_34 = tpu.matmul %mul3A, %get3A_32, %dot_general3A_33 {dimension_numbers = #tpu.dot_dimension_numbers<[1], [0], [0], [1], [0, 0, 1, 1], [], []>, transpose_lhs_hint = false} : vector<1000x128xf32>, vector<128x128xf32>, vector<1000x128xf32> -> vector<1000x128xf32>
    %get3A_35 = arith.constant 0 : index
    %get3A_36 = arith.constant 0 : index
    %get3A_37 = vector.load %arg8[%get3A_35, %get3A_36] : memref<1x128xf32, #tpu.memory_space<vmem>>, vector<1x128xf32>
    %add3A_38 = vector.broadcast %get3A_37 : vector<1x128xf32> to vector<1000x128xf32>
    %add3A_39 = arith.addf %dot_general3A_34, %add3A_38 : vector<1000x128xf32>
    %get3A_40 = arith.constant 0 : index
    %get3A_41 = arith.constant 0 : index
    %get3A_42 = vector.load %arg9[%get3A_40, %get3A_41] : memref<1x128xf32, #tpu.memory_space<vmem>>, vector<1x128xf32>
    %get3A_43 = arith.constant 0 : index
    %get3A_44 = arith.constant 0 : index
    %get3A_45 = vector.load %arg10[%get3A_43, %get3A_44] : memref<1x128xf32, #tpu.memory_space<vmem>>, vector<1x128xf32>
    %reduce_sum3A = arith.constant dense<0.000000e+00> : vector<1000xf32>
    %reduce_sum3A_46 = vector.multi_reduction <add>, %add3A_39, %reduce_sum3A [1] : vector<1000x128xf32> to vector<1000xf32>
    %broadcast_in_dim3A = vector.shape_cast %reduce_sum3A_46 : vector<1000xf32> to vector<1000x1xf32>
    %div3A_47 = arith.constant 1.280000e+02 : f32
    %div3A_48 = vector.broadcast %div3A_47 : f32 to vector<1000x1xf32>
    %div3A_49 = arith.divf %broadcast_in_dim3A, %div3A_48 : vector<1000x1xf32>
    %sub3A = vector.broadcast %div3A_49 : vector<1000x1xf32> to vector<1000x128xf32>
    %sub3A_50 = arith.subf %add3A_39, %sub3A : vector<1000x128xf32>
    %integer_pow3A = arith.mulf %sub3A_50, %sub3A_50 : vector<1000x128xf32>
    %reduce_sum3A_51 = arith.constant dense<0.000000e+00> : vector<1000xf32>
    %reduce_sum3A_52 = vector.multi_reduction <add>, %integer_pow3A, %reduce_sum3A_51 [1] : vector<1000x128xf32> to vector<1000xf32>
    %broadcast_in_dim3A_53 = vector.shape_cast %reduce_sum3A_52 : vector<1000xf32> to vector<1000x1xf32>
    %div3A_54 = arith.constant 1.280000e+02 : f32
    %div3A_55 = vector.broadcast %div3A_54 : f32 to vector<1000x1xf32>
    %div3A_56 = arith.divf %broadcast_in_dim3A_53, %div3A_55 : vector<1000x1xf32>
    %sub3A_57 = vector.broadcast %div3A_49 : vector<1000x1xf32> to vector<1000x128xf32>
    %sub3A_58 = arith.subf %add3A_39, %sub3A_57 : vector<1000x128xf32>
    %add3A_59 = arith.constant 9.99999974E-6 : f32
    %add3A_60 = vector.broadcast %add3A_59 : f32 to vector<1000x1xf32>
    %add3A_61 = arith.addf %div3A_56, %add3A_60 : vector<1000x1xf32>
    %rsqrt3A = math.rsqrt %add3A_61 : vector<1000x1xf32>
    %mul3A_62 = vector.broadcast %rsqrt3A : vector<1000x1xf32> to vector<1000x128xf32>
    %mul3A_63 = arith.mulf %sub3A_58, %mul3A_62 : vector<1000x128xf32>
    %mul3A_64 = vector.broadcast %get3A_42 : vector<1x128xf32> to vector<1000x128xf32>
    %mul3A_65 = arith.mulf %mul3A_63, %mul3A_64 : vector<1000x128xf32>
    %add3A_66 = vector.broadcast %get3A_45 : vector<1x128xf32> to vector<1000x128xf32>
    %add3A_67 = arith.addf %mul3A_65, %add3A_66 : vector<1000x128xf32>
    %add3A_68 = arith.addf %add3A_67, %get3A_1 : vector<1000x128xf32>
    %swap3A = arith.constant 0 : index
    %swap3A_69 = arith.constant 0 : index
    %swap3A_70 = vector.load %arg11[%swap3A, %swap3A_69] : memref<1000x128xf32, #tpu.memory_space<vmem>>, vector<1000x128xf32>
    tpu.vector_store %arg11[%swap3A, %swap3A_69], %add3A_68 {strides = array<i32>} : memref<1000x128xf32, #tpu.memory_space<vmem>>, vector<1000x128xf32>,
    return
  }
  func.func @transform_0(%arg0: i32) -> (i32, i32) {
    %c0_i32 = arith.constant 0 : i32
    %c0_i32_0 = arith.constant 0 : i32
    return %arg0, %c0_i32 : i32, i32
  }
  func.func @transform_1(%arg0: i32) -> (i32, i32) {
    %c0_i32 = arith.constant 0 : i32
    %c0_i32_0 = arith.constant 0 : i32
    return %arg0, %c0_i32 : i32, i32
  }
  func.func @transform_2(%arg0: i32) -> (i32, i32) {
    %c0_i32 = arith.constant 0 : i32
    %c0_i32_0 = arith.constant 0 : i32
    return %arg0, %c0_i32 : i32, i32
  }
  func.func @transform_3(%arg0: i32) -> (i32, i32) {
    %c0_i32 = arith.constant 0 : i32
    %c0_i32_0 = arith.constant 0 : i32
    %c0_i32_1 = arith.constant 0 : i32
    return %c0_i32, %c0_i32_0 : i32, i32
  }
  func.func @transform_4(%arg0: i32) -> (i32, i32) {
    %c0_i32 = arith.constant 0 : i32
    %c0_i32_0 = arith.constant 0 : i32
    %c0_i32_1 = arith.constant 0 : i32
    return %c0_i32, %c0_i32_0 : i32, i32
  }
  func.func @transform_5(%arg0: i32) -> (i32, i32) {
    %c0_i32 = arith.constant 0 : i32
    %c0_i32_0 = arith.constant 0 : i32
    %c0_i32_1 = arith.constant 0 : i32
    return %c0_i32, %c0_i32_0 : i32, i32
  }
  func.func @transform_6(%arg0: i32) -> (i32, i32) {
    %c0_i32 = arith.constant 0 : i32
    %c0_i32_0 = arith.constant 0 : i32
    %c0_i32_1 = arith.constant 0 : i32
    return %c0_i32, %c0_i32_0 : i32, i32
  }
  func.func @transform_7(%arg0: i32) -> (i32, i32) {
    %c0_i32 = arith.constant 0 : i32
    %c0_i32_0 = arith.constant 0 : i32
    %c0_i32_1 = arith.constant 0 : i32
    return %c0_i32, %c0_i32_0 : i32, i32
  }
  func.func @transform_8(%arg0: i32) -> (i32, i32) {
    %c0_i32 = arith.constant 0 : i32
    %c0_i32_0 = arith.constant 0 : i32
    %c0_i32_1 = arith.constant 0 : i32
    return %c0_i32, %c0_i32_0 : i32, i32
  }
  func.func @transform_9(%arg0: i32) -> (i32, i32) {
    %c0_i32 = arith.constant 0 : i32
    %c0_i32_0 = arith.constant 0 : i32
    %c0_i32_1 = arith.constant 0 : i32
    return %c0_i32, %c0_i32_0 : i32, i32
  }
  func.func @transform_10(%arg0: i32) -> (i32, i32) {
    %c0_i32 = arith.constant 0 : i32
    %c0_i32_0 = arith.constant 0 : i32
    return %arg0, %c0_i32 : i32, i32
  }
}

</mosaic_0001>

<sc_bundles>
// kernel: kernel.10.cloned.1.call-start
scs
__scs_entry_jumppad:
0x0: {  	(pc) =	sbr.rel $0x88, $3  }
0x1: {  	(tag) =	ssettag $0x0;
	lr =	simm.s32 $0x1  }
0x2: {  	[smem:$0x3F91] =	sst lr;
	_ =	strace $0xD0000000  }
0x3: {  	_ = 	snop  }
0x4: {  	_ = 	snop  }
0x5: {  	_ = 	snop  }
0x6: {  	_ = 	snop  }
0x7: {  	_ = 	snop  }
__scs_overlays_trampoline_lowered:
0x8: {  	[smem:$0x3FA0] =	sst s0  }
0x9: {  	[smem:$0x3FA1] =	sst s1  }
0xa: {  	[smem:$0x3FA2] =	sst s2  }
0xb: {  	[smem:$0x3FA3] =	sst s3  }
0xc: {  	[smem:$0x3FA4] =	sst s4  }
0xd: {  	[smem:$0x3FA5] =	sst s5  }
0xe: {  	[smem:$0x3FA6] =	sst s6  }
0xf: {  	[smem:$0x3FA7] =	sst s7  }
0x10: {  	[smem:$0x3FA8] =	sst s8  }
0x11: {  	[smem:$0x3FA9] =	sst s9;
	s0 =	simm.s32 @!p0 $0x0  }
0x12: {  	s1 =	sld [smem:$0x3F8F];
	s0 =	simm.s32 @p0 $0x1  }
0x13: {  	[smem:$0x3FAA] =	sst s0;
	s0 =	simm.s32 @!p1 $0x0  }
0x14: {  	s2 =	sld [smem:$0x3F8E];
	s0 =	simm.s32 @p1 $0x1  }
0x15: {  	[smem:$0x3FAB] =	sst s0;
	s0 =	simm.s32 @!p2 $0x0  }
0x16: {  	s3 =	sld [smem:$0x3FDB];
	s0 =	simm.s32 @p2 $0x1  }
0x17: {  	s4 =	simm.s32 $0x1BF5;
	[smem:$0x3FAD] =	sst s0  }
0x18: {  	s0 =	sld [smem:$0x3F90];
	_ =	swait.ge [sflag:s4], $0x0  }
0x19: {  	s7 =	sld [smem:$0x3F91]  }
0x1a: {  	s8 =	sadd.s32 $0xFFFFE003, lr  }
0x1b: {  	s9 =	sadd.s32 $0xFFFFFEF7, lr;
	s5 =	simm.s32 $0xFFFFFFFF;
	p2 =	slt.u32 s8, $0xFFFFF086  }
0x1c: {  	p1 =	slt.u32 s9, $0xF7A;
	s5 =	simm.s32 @!p2 $0x0  }
0x1d: {  	s5 =	simm.s32 @p1 $0x1;
	p0 =	seq.s32 s7, s2  }
0x1e: {  	s7 =	smul.u32 @!p0 $0xF7A, s2;
	p2 =	seq.s32 @!p0 s5, $0x0  }
0x1f: {  	s9 =	smul.u32 $0xF7A, s1;
	s8 =	simm.s32 @!p0 $0x1BF5;
	p2 =	por !p2, p0  }
0x20: {  	[sflag:s8] =	ssyncset.s32 @!p0 $0xFFFFF086;
	s6 =	sadd.s32 @!p0 s3, s7;
	s7 =	simm.s32 @!p0 $0x108  }
0x21: {  	s3 =	sadd.s32 s3, s9;
	s6 =	sadd.s32 @!p0 $0x88, s6;
	s7 =	simm.s32 @p2 $0x1082  }
0x22: {  	[simem:s7], [sflag:s8] =	dma.local @!p0 [hbm:s6], $0xF7A  }
0x23: {  	s9 =	sor.u32 $0xD0000000, s2;
	s6 =	simm.s32 $0x108;
	_ =	swait.ge @!p0 [sflag:s8], $0x0  }
0x24: {  	s3 =	sadd.s32 $0x88, s3;
	s6 =	simm.s32 @!p1 $0x1082;
	[sflag:s4] =	ssyncset.s32 $0xFFFFF086  }
0x25: {  	[simem:s6], [sflag:s4] =	dma.local [hbm:s3], $0xF7A  }
0x26: {  	[smem:$0x3F91] =	sst s1;
	(tag) =	ssettag s2;
	_ =	strace s9  }
0x27: {  	s1 =	sld [smem:$0x3FA1]  }
0x28: {  	s2 =	sld [smem:$0x3FA2]  }
0x29: {  	s4 =	sld [smem:$0x3FA4]  }
0x2a: {  	p0 =	seq.s32 s5, $0x0;
	s5 =	sld [smem:$0x3FA5]  }
0x2b: {  	s6 =	sld [smem:$0x3FA6]  }
0x2c: {  	s7 =	sld [smem:$0x3FA7]  }
0x2d: {  	s3 =	simm.s32 $0x108;
	s8 =	sld [smem:$0x3FA8]  }
0x2e: {  	s3 =	simm.s32 @!p0 $0x1082;
	s9 =	sld [smem:$0x3FA9]  }
0x2f: {  	lr =	sadd.s32 s0, s3;
	s0 =	sld [smem:$0x3FA0]  }
0x30: {  	s3 =	sld [smem:$0x3FA3]  }
0x31: {  	[smem:$0x3FAC] =	sst s10  }
0x32: {  	s10 =	sld [smem:$0x3FAA];
	_ =	sdelay $0x3  }
0x33: {  	p0 =	seq.s32 s10, $0x1;
	s10 =	sld [smem:$0x3FAC];
	_ =	sdelay $0x3  }
0x34: {  	[smem:$0x3FAC] =	sst s10  }
0x35: {  	s10 =	sld [smem:$0x3FAB];
	_ =	sdelay $0x3  }
0x36: {  	p1 =	seq.s32 s10, $0x1;
	s10 =	sld [smem:$0x3FAC];
	_ =	sdelay $0x3  }
0x37: {  	[smem:$0x3FAC] =	sst s10  }
0x38: {  	s10 =	sld [smem:$0x3FAD]  }
0x39: {  	_ = 	snop;
	(pc) =	sbr.ind lr, $3  }
0x3a: {  	_ = 	snop  }
0x3b: {  	_ = 	snop  }
0x3c: {  	p2 =	seq.s32 s10, $0x1;
	s10 =	sld [smem:$0x3FAC]  }
0x3d: {  	_ =	shalt  }
0x3e: {  	_ =	shalt  }
0x3f: {  	_ =	shalt  }
0x40: {  	_ =	shalt  }
0x41: {  	_ =	shalt  }
0x42: {  	_ =	shalt  }
0x43: {  	_ =	shalt  }
0x44: {  	_ =	shalt  }
0x45: {  	_ =	shalt  }
0x46: {  	_ =	shalt  }
0x47: {  	_ =	shalt  }
0x48: {  	_ =	shalt  }
0x49: {  	_ =	shalt  }
0x4a: {  	_ =	shalt  }
0x4b: {  	_ =	shalt  }
0x4c: {  	_ =	shalt  }
0x4d: {  	_ =	shalt  }
0x4e: {  	_ =	shalt  }
0x4f: {  	_ =	shalt  }
0x50: {  	_ =	shalt  }
0x51: {  	_ =	shalt  }
0x52: {  	_ =	shalt  }
0x53: {  	_ =	shalt  }
0x54: {  	_ =	shalt  }
0x55: {  	_ =	shalt  }
0x56: {  	_ =	shalt  }
0x57: {  	_ =	shalt  }
0x58: {  	_ =	shalt  }
0x59: {  	_ =	shalt  }
0x5a: {  	_ =	shalt  }
0x5b: {  	_ =	shalt  }
0x5c: {  	_ =	shalt  }
0x5d: {  	_ =	shalt  }
0x5e: {  	_ =	shalt  }
0x5f: {  	_ =	shalt  }
0x60: {  	_ =	shalt  }
0x61: {  	_ =	shalt  }
0x62: {  	_ =	shalt  }
0x63: {  	_ =	shalt  }
0x64: {  	_ =	shalt  }
0x65: {  	_ =	shalt  }
0x66: {  	_ =	shalt  }
0x67: {  	_ =	shalt  }
0x68: {  	_ =	shalt  }
0x69: {  	_ =	shalt  }
0x6a: {  	_ =	shalt  }
0x6b: {  	_ =	shalt  }
0x6c: {  	_ =	shalt  }
0x6d: {  	_ =	shalt  }
0x6e: {  	_ =	shalt  }
0x6f: {  	_ =	shalt  }
0x70: {  	_ =	shalt  }
0x71: {  	_ =	shalt  }
0x72: {  	_ =	shalt  }
0x73: {  	_ =	shalt  }
0x74: {  	_ =	shalt  }
0x75: {  	_ =	shalt  }
0x76: {  	_ =	shalt  }
0x77: {  	_ =	shalt  }
0x78: {  	_ =	shalt  }
0x79: {  	_ =	shalt  }
0x7a: {  	_ =	shalt  }
0x7b: {  	_ =	shalt  }
0x7c: {  	_ =	shalt  }
0x7d: {  	_ =	shalt  }
0x7e: {  	_ =	shalt  }
0x7f: {  	_ =	shalt  }
0x80: {  	_ =	shalt  }
0x81: {  	_ =	shalt  }
0x82: {  	_ =	shalt  }
0x83: {  	_ =	shalt  }
0x84: {  	_ =	shalt  }
0x85: {  	_ =	shalt  }
0x86: {  	_ =	shalt  }
0x87: {  	_ =	shalt  }
.Lfunc_end0:
.L_simem_size_0:
called_computation_lowered:
.L_overlay_start_0:
0x88: {  	s2 =	sld [smem:$0x3FD9]  }
0x89: {  	s3 =	sld [smem:$0x3FFE];
	_ =	sdelay $0x1  }
0x8a: {  	s1 =	srdreg.scid  }
0x8b: {  	s0 =	sand.u32 $0x1, s1  }
0x8c: {  	s15 =	sshll.u32 s0, $0xA;
	s2 =	sadd.s32 s3, s2  }
0x8d: {  	s2 =	sadd.s32 s2, s15  }
0x8e: {  	[smem:$0x3FB8] =	sst s2  }
0x8f: {  	_ = 	snop  }
0x90: {  	s2 =	sld [smem:$0x3FD0];
	_ =	sdelay $0x2  }
0x91: {  	s16 =	simm.s32 $0xB;
	s4 =	simm.s32 $0x10  }
0x92: {  	[smem:s4], [sflag:s16] =	dma.local [hbm:s2], $0x1  }
0x93: {  	_ =	swait.eq [sflag:s16], $0x1  }
0x94: {  	[sflag:s16] =	ssyncset.done $0x0  }
0x95: {  	s17 =	sld [smem:$0x11];
	[sflag:s16] =	ssyncadd.s32 $0xFFFFFFFF  }
0x96: {  	s18 =	sld [smem:$0x12];
	(tm) =	ssettm $0x1  }
0x97: {  	s19 =	sld [smem:$0x3FFB];
	_ =	sdelay $0x3  }
0x98: {  	_ =	strace s19  }
0x99: {  	s2 =	sld [smem:$0x3FFC];
	_ =	sdelay $0x3  }
0x9a: {  	_ =	strace s2  }
0x9b: {  	s2 =	sld [smem:$0x3FFD];
	_ =	sdelay $0x3  }
0x9c: {  	_ =	strace s2  }
0x9d: {  	_ =	strace $0x8FFFFFFF  }
0x9e: {  	s20 =	sld [smem:$0x3FDB];
	_ =	sdelay $0x1  }
0x9f: {  	s5 =	simm.s32 $_scs_section_size  }
0xa0: {  	s6 =	simm.s32 $_size__tile_overlayer_lowered;
	s7 =	simm.s32 $_tile_overlayer_lowered  }
0xa1: {  	s8 =	simm.s32 $0x1BFF;
	s21 =	sshll.u32 s7, $0x1;
	s5 =	sadd.s32 s5, s20  }
0xa2: {  	s22 =	simm.s32 $0x0;
	s6 =	sshll.u32 s6, $0x1;
	s7 =	sadd.s32 s21, s5  }
0xa3: {  	[timem:s22], [sflag:s8] =	dma.local [hbm:s7], s6  }
0xa4: {  	_ =	swait.ge [sflag:s8], s6  }
0xa5: {  	s6 =	ssub.s32 $0x0, s6;
	[sflag:s8] =	ssyncset.done $0x0  }
0xa6: {  	[sflag:s8] =	ssyncadd.s32 s6;
	_ =	sdelay $0x1  }
0xa7: {  	s23 =	simm.s32 $0x1B8B  }
0xa8: {  	_ =	swait.ge [sflag:s23], $0x1  }
0xa9: {  	[sflag:s23] =	ssyncset.done $0x0  }
0xaa: {  	[sflag:s23] =	ssyncadd.s32 $0xFFFFFFFF  }
0xab: {  	s6 =	sld [smem:$0x0]  }
0xac: {  	s7 =	sand.u32 $0xFFFFFFFE, s1  }
0xad: {  	p0 =	sne.s32 s1, s7  }
0xae: {  	s7 =	sshll.u32 @p0 s7, $0xE  }
0xaf: {  	s7 =	sadd.s32 @p0 $0x11B8D, s7;
	s8 =	sshll.u32 @p0 s6, $0x11  }
0xb0: {  	s7 =	sor.u32 @p0 s8, s7  }
0xb1: {  	[sflag:s7] =	ssyncadd.remote.s32 @p0 $0x1;
	_ =	sdelay $0x1  }
0xb2: {  	s7 =	simm.s32 @p0 $0x1B8D  }
0xb3: {  	_ =	swait.eq @p0 [sflag:s7], $0x1  }
0xb4: {  	[sflag:s7] =	ssyncadd.s32 @p0 $0xFFFFFFFF  }
0xb5: {  	s8 =	sshll.u32 @!p0 s1, $0xE  }
0xb6: {  	s8 =	sor.u32 @!p0 $0x4000, s8;
	s7 =	simm.s32 @!p0 $0x1B8D  }
0xb7: {  	s6 =	sshll.u32 @!p0 s6, $0x11;
	s8 =	sadd.s32 @!p0 $0x11B8D, s8;
	_ =	swait.eq @!p0 [sflag:s7], $0x1  }
0xb8: {  	s6 =	sor.u32 @!p0 s6, s8;
	[sflag:s7] =	ssyncadd.s32 @!p0 $0xFFFFFFFF  }
0xb9: {  	s25 =	simm.s32 $0x1B8E;
	s24 =	sld [smem:$0x3FFE];
	[sflag:s6] =	ssyncadd.remote.s32 @!p0 $0x1  }
0xba: {  	s26 =	simm.s32 $execute0_lowered;
	[smem:$0x3FD2] =	sst s25  }
0xbb: {  	s7 =	sshll.u32 s26, $0x1;
	_ =	strace $0x80000049;
	[dreg:$0x1] =	wrdreg $0xFFFFFFFF  }
0xbc: {  	s28 =	simm.s32 $_size_execute0_lowered;
	s5 =	sadd.s32 s5, s7;
	[dreg:$0x0] =	wrdreg $0x0  }
0xbd: {  	s7 =	sshll.u32 s28, $0x1;
	[dreg:$0x2] =	wrdreg s5  }
0xbe: {  	[dreg:$0x3] =	wrdreg s7  }
0xbf: {  	[dreg:$0x4] =	wrdreg $0xC0  }
0xc0: {  	_ =	task [dreg:s22], $0x5FFFF  }
0xc1: {  	[dreg:$0x1] =	wrdreg $0xFFFFFFFF  }
0xc2: {  	[dreg:$0x0] =	wrdreg $0x60  }
0xc3: {  	[dreg:$0x2] =	wrdreg s17  }
0xc4: {  	[dreg:$0x3] =	wrdreg s24  }
0xc5: {  	[dreg:$0x4] =	wrdreg s18  }
0xc6: {  	[dreg:$0x5] =	wrdreg $0x9  }
0xc7: {  	_ =	task.clear_ibuf [dreg:s22], $0x6FFFF;
	_ =	strace $0x90000049  }
0xc8: {  	s29 =	simm.s32 $0x9;
	_ =	strace $0x8000004B  }
0xc9: {  	_ =	swait.ge [sflag:s29], $0x1  }
0xca: {  	[sflag:s29] =	ssyncadd.s32 $0xFFFFFFFF  }
0xcb: {  	_ =	strace $0x9000004B  }
0xcc: {  	_ =	sfence  }
0xcd: {  	s30 =	sld [smem:$0x0];
	_ =	sdelay $0x2  }
0xce: {  	s31 =	sshll.u32 s1, $0xD;
	s1 =	sshrl.u32 s1, $0x2  }
0xcf: {  	s4 =	sand.u32 $0x4000, s31;
	s1 =	sadd.s32 s1, s30  }
0xd0: {  	s0 =	sor.u32 s4, s0;
	s1 =	sshll.u32 s1, $0x11  }
0xd1: {  	s0 =	sor.u32 s1, s0  }
0xd2: {  	s0 =	sadd.s32 $0x8F2B, s0  }
0xd3: {  	[sflag:s0] =	ssyncadd.remote.s32 $0x1  }
0xd4: {  	_ =	sfence.sel $0xFFFF  }
0xd5: {  	[dreg:$0x0] =	wrdreg $0xFFFFFFFF;
	(pc) =	sbr.abs _section_cstart, $3  }
0xd6: {  	[dreg:$0x1] =	wrdreg $0xFFFFFFFF  }
0xd7: {  	_ =	task.clear_ibuf [dreg:s22], $0x2FFFF;
	_ =	strace $0x9FFFFFFF  }
0xd8: {  	(tm) =	ssettm $0x7FFFFFFF  }
0xd9: {  	_ =	shalt  }
tec
execute0_lowered:
.L_overlay_start_1:
0x0: {  	(tag) =	ssettag $0x1  }
0x1: {  	s1 =	rddreg [dreg:$0x0]  }
0x2: {  	s0 =	rddreg [dreg:$0x1]  }
0x3: {  	s2 =	rddreg [dreg:$0x2];
	s4 =	simm.s32 $0x0  }
0x4: {  	s3 =	srdreg.scid;
	s6 =	stileid.u32;
	s16 =	simm.s32 $0x100  }
0x5: {  	s17 =	simm.s32 $0x1;
	s18 =	simm.s32 $0x80;
	s19 =	simm.s32 $0x200  }
0x6: {  	s22 =	simm.s32 $0x3;
	s23 =	simm.s32 $0x5;
	s24 =	simm.s32 $0x8  }
0x7: {  	s25 =	simm.s32 $0x4200;
	s26 =	simm.s32 $0x7;
	s28 =	simm.s32 $0x0  }
0x8: {  	[smem:$0x7FF] =	sst s4;
	s5 =	sadd.s32 $0xF200, s0;
	s3 =	sand.u32 $0x1, s3  }
0x9: {  	s7 =	sshll.u32 s6, $0x1;
	s6 =	sadd.s32 $0x4200, s0;
	s8 =	sadd.s32 $0x9200, s0  }
.Ltmp0:
0xa: {  	s9 =	ssub.s32 $0x2, s3;
	s7 =	sor.u32 s3, s7;
	(pc) =	sbr.rel .LBB2_1-.Ltmp0, $4  }
0xb: {  	_ =	strace $0x8000004A;
	s31 =	sshrl.u32 s9, $0x1;
	s3 =	sshll.u32 s7, $0x4  }
0xc: {  	s13 =	sor.u32 $0x40, s7;
	s14 =	sor.u32 $0x60, s7;
	s0 =	ssub.s32 s9, s31  }
0xd: {  	s9 =	sadd.s32 s6, s3;
	s12 =	sor.u32 $0x200, s3;
	s10 =	sadd.s32 s8, s3  }
0xe: {  	s11 =	sadd.s32 s6, s12;
	s12 =	sadd.s32 s8, s12;
	s15 =	smax.u32 s0, $0x1  }
.LBB2_9:
0xf: {  	s28 =	sadd.s32 $0x1, s28  }
0x10: {  	p0 =	sne.s32 s28, s15  }
.Ltmp1:
0x11: {  	_ = 	snop;
	(pc) =	sbr.rel @!p0 .LBB2_10-.Ltmp1, $1  }
0x12: {  	_ =	sdelay $0x3  }
.LBB2_1:
0x13: {  	[tilespmem:s4], [sflag:$0x1] =	stream.linear.gather [hbm4b:s9+s4], $0x80, $0x38;
	[tilespmem:$0x10200] =	vst v63  }
0x14: {  	_ = 	snop  }
0x15: {  	[tilespmem:s16], [sflag:$0x1] =	stream.linear.gather [hbm4b:s10+s4], $0x80, $0x38;
	[tilespmem:$0x10200] =	vst v63  }
0x16: {  	_ =	swait.ge [sflag:s17], $0x80  }
0x17: {  	[sflag:s17] =	ssyncset.done $0x0  }
0x18: {  	[sflag:s17] =	ssyncadd.s32 $0xFFFFFF80  }
0x19: {  	_ =	swait.ge [sflag:s17], $0x80  }
0x1a: {  	[sflag:s17] =	ssyncset.done $0x0  }
0x1b: {  	[sflag:s17] =	ssyncadd.s32 $0xFFFFFF80  }
0x1c: {  	[tilespmem:s19], [sflag:$0x3] =	stream.indirect.gather [hbm4b:s5+s18], $0x80, s4, s18, $0xb8;
	[tilespmem:$0x10200] =	vst v63  }
0x1d: {  	s0 =	simm.s32 $0x8200  }
0x1e: {  	[tilespmem:s0], [sflag:$0x5] =	stream.indirect.gather [hbm4b:s1+s18], $0x80, s16, s18, $0xb8;
	[tilespmem:$0x10200] =	vst v63  }
.Ltmp2:
0x1f: {  	_ = 	snop;
	(pc) =	sbr.rel .LBB2_2-.Ltmp2, $4  }
0x20: {  	_ = 	snop  }
0x21: {  	[tilespmem:s18], [sflag:$0x2] =	stream.linear.gather [hbm4b:s11+s4], $0x80, $0x38;
	[tilespmem:$0x10200] =	vst v63  }
0x22: {  	s31 =	simm.s32 $0x180;
	s29 =	simm.s32 $0x0  }
0x23: {  	[tilespmem:s31], [sflag:$0x2] =	stream.linear.gather [hbm4b:s12+s4], $0x80, $0x38;
	[tilespmem:$0x10200] =	vst v63  }
.LBB2_8:
0x24: {  	s29 =	sadd.s32 $0x1, s29  }
0x25: {  	p0 =	sne.s32 s29, $0xA  }
.Ltmp3:
0x26: {  	_ = 	snop;
	(pc) =	sbr.rel @!p0 .LBB2_9-.Ltmp3, $1  }
0x27: {  	_ =	sdelay $0x3  }
.LBB2_2:
0x28: {  	_ =	swait.ge [sflag:s22], $0x4000  }
0x29: {  	s31 =	sshll.u32 s29, $0x6;
	[sflag:s22] =	ssyncset.done $0x0  }
0x2a: {  	s0 =	sor.u32 s7, s31;
	[sflag:s22] =	ssyncadd.s32 $0xFFFFC000  }
0x2b: {  	s30 =	sor.u32 $0x20, s0;
	_ =	swait.ge [sflag:s23], $0x4000  }
0x2c: {  	p0 =	sgt.u32 s30, $0x270;
	[sflag:s23] =	ssyncset.done $0x0  }
0x2d: {  	s3 =	simm.s32 @!p0 $0x2;
	[sflag:s23] =	ssyncadd.s32 $0xFFFFC000  }
0x2e: {  	_ =	swait.ge @!p0 [sflag:s3], $0x80  }
0x2f: {  	[sflag:s3] =	ssyncset.done @!p0 $0x0  }
0x30: {  	[sflag:s3] =	ssyncadd.s32 @!p0 $0xFFFFFF80  }
0x31: {  	_ =	swait.ge @!p0 [sflag:s3], $0x80  }
0x32: {  	[sflag:s3] =	ssyncset.done @!p0 $0x0  }
0x33: {  	s20 =	simm.s32 @!p0 $0x4200;
	[sflag:s3] =	ssyncadd.s32 @!p0 $0xFFFFFF80;
	s3 =	simm.s32 @!p0 $0x80  }
0x34: {  	[tilespmem:s20], [sflag:$0x4] =	stream.indirect.gather @!p0 [hbm4b:s5+s3], $0x80, s3, s3, $0xb8;
	[tilespmem:$0x10200] =	vst v63  }
0x35: {  	s21 =	simm.s32 @!p0 $0xC200;
	s20 =	simm.s32 @!p0 $0x180  }
0x36: {  	[tilespmem:s21], [sflag:$0x6] =	stream.indirect.gather @!p0 [hbm4b:s1+s3], $0x80, s20, s3, $0xb8;
	[tilespmem:$0x10200] =	vst v63  }
0x37: {  	s3 =	sadd.s32 s13, s31  }
0x38: {  	p1 =	sgt.u32 s3, $0x270  }
0x39: {  	s3 =	sshll.u32 @!p1 s3, $0x4  }
0x3a: {  	s21 =	simm.s32 @!p1 $0x0;
	s20 =	sadd.s32 @!p1 s6, s3  }
0x3b: {  	[tilespmem:s21], [sflag:$0x1] =	stream.linear.gather @!p1 [hbm4b:s20+s21], $0x80, $0x38;
	[tilespmem:$0x10200] =	vst v63  }
0x3c: {  	s3 =	sadd.s32 @!p1 s8, s3;
	s20 =	simm.s32 @!p1 $0x100  }
0x3d: {  	[tilespmem:s20], [sflag:$0x1] =	stream.linear.gather @!p1 [hbm4b:s3+s21], $0x80, $0x38;
	[tilespmem:$0x10200] =	vst v63  }
0x3e: {  	s3 =	simm.s32 $0x0  }
0x3f: {  	v7 =	vld [tilespmem:s3+$0x8200]  }
0x40: {  	v11 =	vld [tilespmem:s3+$0x8210]  }
0x41: {  	v5 =	vld [tilespmem:s3+$0x8220]  }
0x42: {  	v4 =	vld [tilespmem:s3+$0x8230]  }
0x43: {  	v3 =	vld [tilespmem:s3+$0x8240]  }
0x44: {  	v2 =	vld [tilespmem:s3+$0x8250]  }
0x45: {  	v1 =	vld [tilespmem:s3+$0x8260]  }
0x46: {  	v0 =	vld [tilespmem:s3+$0x8270]  }
0x47: {  	v12 =	vld [tilespmem:s3+$0x200]  }
0x48: {  	v13 =	vld [tilespmem:s3+$0x210]  }
0x49: {  	v10 =	vld [tilespmem:s3+$0x220]  }
0x4a: {  	v9 =	vld [tilespmem:s3+$0x230]  }
0x4b: {  	v8 =	vld [tilespmem:s3+$0x240]  }
0x4c: {  	v6 =	vld [tilespmem:s3+$0x250];
	v12 =	vadd.f32 v7, v12  }
0x4d: {  	s20 =	simm.s32 $0x200;
	v11 =	vadd.f32 v11, v13;
	v7 =	vld [tilespmem:s3+$0x260]  }
.LBB2_3:
0x4e: {  	s21 =	sshra.s32 s20, $0x2;
	p2 =	sne.s32 s20, $0xFE00;
	[tilespmem:s3+$0x200] =	vst v12;
	v5 =	vadd.f32 v5, v10;
	v10 =	vld [tilespmem:s3+$0x270]  }
0x4f: {  	v12 =	vld [tilespmem:s21+$0x8200];
	[tilespmem:s3+$0x210] =	vst v11;
	v4 =	vadd.f32 v4, v9  }
0x50: {  	v11 =	vld [tilespmem:s21+$0x8210];
	[tilespmem:s3+$0x220] =	vst v5;
	v3 =	vadd.f32 v3, v8  }
0x51: {  	v5 =	vld [tilespmem:s21+$0x8220];
	[tilespmem:s3+$0x230] =	vst v4;
	v2 =	vadd.f32 v2, v6  }
0x52: {  	v4 =	vld [tilespmem:s21+$0x8230];
	[tilespmem:s3+$0x240] =	vst v3;
	v1 =	vadd.f32 v1, v7  }
0x53: {  	v3 =	vld [tilespmem:s21+$0x8240];
	[tilespmem:s3+$0x250] =	vst v2;
	v0 =	vadd.f32 v0, v10  }
0x54: {  	v2 =	vld [tilespmem:s21+$0x8250];
	[tilespmem:s3+$0x260] =	vst v1  }
0x55: {  	v1 =	vld [tilespmem:s21+$0x8260];
	[tilespmem:s3+$0x270] =	vst v0;
	s3 =	smov.u32 s21  }
0x56: {  	v0 =	vld [tilespmem:s3+$0x8270]  }
0x57: {  	v6 =	vld [tilespmem:s3+$0x200]  }
0x58: {  	v7 =	vld [tilespmem:s3+$0x210]  }
.Ltmp4:
0x59: {  	v10 =	vld [tilespmem:s3+$0x220];
	(pc) =	sbr.rel @p2 .LBB2_3-.Ltmp4, $4  }
0x5a: {  	v9 =	vld [tilespmem:s3+$0x230]  }
0x5b: {  	v8 =	vld [tilespmem:s3+$0x240]  }
0x5c: {  	v12 =	vadd.f32 v12, v6;
	v6 =	vld [tilespmem:s3+$0x250]  }
0x5d: {  	s20 =	sadd.s32 $0x200, s20;
	v11 =	vadd.f32 v11, v7;
	v7 =	vld [tilespmem:s3+$0x260]  }
0x5e: {  	[tilespmem:s3+$0x200] =	vst v12;
	v5 =	vadd.f32 v5, v10;
	v63 =	vld [tilespmem:s3+$0x270]  }
0x5f: {  	[tilespmem:s3+$0x210] =	vst v11;
	v4 =	vadd.f32 v4, v9  }
0x60: {  	[tilespmem:s3+$0x220] =	vst v5;
	v3 =	vadd.f32 v3, v8  }
0x61: {  	[tilespmem:s3+$0x230] =	vst v4;
	v2 =	vadd.f32 v2, v6  }
0x62: {  	[tilespmem:s3+$0x240] =	vst v3;
	v1 =	vadd.f32 v1, v7  }
0x63: {  	[tilespmem:s3+$0x250] =	vst v2;
	v0 =	vadd.f32 v0, v63  }
0x64: {  	s0 =	sshll.u32 s0, $0xB;
	[tilespmem:s3+$0x260] =	vst v1  }
0x65: {  	s0 =	sadd.s32 s2, s0;
	[tilespmem:s3+$0x270] =	vst v0  }
0x66: {  	[hbm4b:s0+s4] =	stream.linear.scatter [tilespmem:s19], [sflag:$0x8], $0x4000, $0x38;
	[tilespmem:$0x10200] =	vst v63  }
0x67: {  	_ =	swait.ge [sflag:s24], $0x4000  }
0x68: {  	[sflag:s24] =	ssyncset.done $0x0  }
0x69: {  	s0 =	simm.s32 @!p0 $0x4;
	[sflag:s24] =	ssyncadd.s32 $0xFFFFC000  }
0x6a: {  	_ =	swait.ge @!p0 [sflag:s0], $0x4000  }
0x6b: {  	[sflag:s0] =	ssyncset.done @!p0 $0x0  }
0x6c: {  	[sflag:s0] =	ssyncadd.s32 @!p0 $0xFFFFC000;
	s0 =	simm.s32 @!p0 $0x6  }
0x6d: {  	_ =	swait.ge @!p0 [sflag:s0], $0x4000  }
0x6e: {  	[sflag:s0] =	ssyncset.done @!p0 $0x0  }
0x6f: {  	[sflag:s0] =	ssyncadd.s32 @!p0 $0xFFFFC000;
	s0 =	simm.s32 @!p1 $0x1  }
0x70: {  	_ =	swait.ge @!p1 [sflag:s0], $0x80  }
0x71: {  	[sflag:s0] =	ssyncset.done @!p1 $0x0  }
0x72: {  	[sflag:s0] =	ssyncadd.s32 @!p1 $0xFFFFFF80  }
0x73: {  	_ =	swait.ge @!p1 [sflag:s0], $0x80  }
0x74: {  	s20 =	simm.s32 @!p1 $0x200;
	[sflag:s0] =	ssyncset.done @!p1 $0x0  }
0x75: {  	s3 =	simm.s32 @!p1 $0x0;
	[sflag:s0] =	ssyncadd.s32 @!p1 $0xFFFFFF80;
	s0 =	simm.s32 @!p1 $0x80  }
0x76: {  	[tilespmem:s20], [sflag:$0x3] =	stream.indirect.gather @!p1 [hbm4b:s5+s0], $0x80, s3, s0, $0xb8;
	[tilespmem:$0x10200] =	vst v63  }
0x77: {  	s3 =	simm.s32 @!p1 $0x100;
	s20 =	simm.s32 @!p1 $0x8200  }
0x78: {  	[tilespmem:s20], [sflag:$0x5] =	stream.indirect.gather @!p1 [hbm4b:s1+s0], $0x80, s3, s0, $0xb8;
	[tilespmem:$0x10200] =	vst v63  }
0x79: {  	s0 =	sadd.s32 s14, s31  }
0x7a: {  	p1 =	sgt.u32 s0, $0x270  }
.Ltmp5:
0x7b: {  	s0 =	sshll.u32 @!p1 s0, $0x4;
	(pc) =	sbr.rel @p0 .LBB2_8-.Ltmp5, $4  }
0x7c: {  	s20 =	simm.s32 @!p1 $0x0;
	s21 =	simm.s32 @!p1 $0x80;
	s3 =	sadd.s32 @!p1 s6, s0  }
0x7d: {  	[tilespmem:s21], [sflag:$0x2] =	stream.linear.gather @!p1 [hbm4b:s3+s20], $0x80, $0x38;
	[tilespmem:$0x10200] =	vst v63  }
0x7e: {  	s0 =	sadd.s32 @!p1 s8, s0;
	s3 =	simm.s32 @!p1 $0x180  }
0x7f: {  	[tilespmem:s3], [sflag:$0x2] =	stream.linear.gather @!p1 [hbm4b:s0+s20], $0x80, $0x38;
	[tilespmem:$0x10200] =	vst v63  }
0x80: {  	s0 =	simm.s32 $0x0  }
0x81: {  	v7 =	vld [tilespmem:s0+$0xC200]  }
0x82: {  	v11 =	vld [tilespmem:s0+$0xC210]  }
0x83: {  	v5 =	vld [tilespmem:s0+$0xC220]  }
0x84: {  	v4 =	vld [tilespmem:s0+$0xC230]  }
0x85: {  	v3 =	vld [tilespmem:s0+$0xC240]  }
0x86: {  	v2 =	vld [tilespmem:s0+$0xC250]  }
0x87: {  	v1 =	vld [tilespmem:s0+$0xC260]  }
0x88: {  	v0 =	vld [tilespmem:s0+$0xC270]  }
0x89: {  	v12 =	vld [tilespmem:s0+$0x4200]  }
0x8a: {  	v13 =	vld [tilespmem:s0+$0x4210]  }
0x8b: {  	v10 =	vld [tilespmem:s0+$0x4220]  }
0x8c: {  	v9 =	vld [tilespmem:s0+$0x4230]  }
0x8d: {  	v8 =	vld [tilespmem:s0+$0x4240]  }
0x8e: {  	v6 =	vld [tilespmem:s0+$0x4250];
	v12 =	vadd.f32 v7, v12  }
0x8f: {  	s3 =	simm.s32 $0x200;
	v11 =	vadd.f32 v11, v13;
	v7 =	vld [tilespmem:s0+$0x4260]  }
.LBB2_6:
0x90: {  	s20 =	sshra.s32 s3, $0x2;
	p0 =	sne.s32 s3, $0xFE00;
	[tilespmem:s0+$0x4200] =	vst v12;
	v5 =	vadd.f32 v5, v10;
	v10 =	vld [tilespmem:s0+$0x4270]  }
0x91: {  	v12 =	vld [tilespmem:s20+$0xC200];
	[tilespmem:s0+$0x4210] =	vst v11;
	v4 =	vadd.f32 v4, v9  }
0x92: {  	v11 =	vld [tilespmem:s20+$0xC210];
	[tilespmem:s0+$0x4220] =	vst v5;
	v3 =	vadd.f32 v3, v8  }
0x93: {  	v5 =	vld [tilespmem:s20+$0xC220];
	[tilespmem:s0+$0x4230] =	vst v4;
	v2 =	vadd.f32 v2, v6  }
0x94: {  	v4 =	vld [tilespmem:s20+$0xC230];
	[tilespmem:s0+$0x4240] =	vst v3;
	v1 =	vadd.f32 v1, v7  }
0x95: {  	v3 =	vld [tilespmem:s20+$0xC240];
	[tilespmem:s0+$0x4250] =	vst v2;
	v0 =	vadd.f32 v0, v10  }
0x96: {  	v2 =	vld [tilespmem:s20+$0xC250];
	[tilespmem:s0+$0x4260] =	vst v1  }
0x97: {  	v1 =	vld [tilespmem:s20+$0xC260];
	[tilespmem:s0+$0x4270] =	vst v0;
	s0 =	smov.u32 s20  }
0x98: {  	v0 =	vld [tilespmem:s0+$0xC270]  }
0x99: {  	v6 =	vld [tilespmem:s0+$0x4200]  }
0x9a: {  	v7 =	vld [tilespmem:s0+$0x4210]  }
.Ltmp6:
0x9b: {  	v10 =	vld [tilespmem:s0+$0x4220];
	(pc) =	sbr.rel @p0 .LBB2_6-.Ltmp6, $4  }
0x9c: {  	v9 =	vld [tilespmem:s0+$0x4230]  }
0x9d: {  	v8 =	vld [tilespmem:s0+$0x4240]  }
0x9e: {  	v12 =	vadd.f32 v12, v6;
	v6 =	vld [tilespmem:s0+$0x4250]  }
0x9f: {  	s3 =	sadd.s32 $0x200, s3;
	v11 =	vadd.f32 v11, v7;
	v7 =	vld [tilespmem:s0+$0x4260]  }
0xa0: {  	[tilespmem:s0+$0x4200] =	vst v12;
	v5 =	vadd.f32 v5, v10;
	v63 =	vld [tilespmem:s0+$0x4270]  }
0xa1: {  	[tilespmem:s0+$0x4210] =	vst v11;
	v4 =	vadd.f32 v4, v9  }
0xa2: {  	[tilespmem:s0+$0x4220] =	vst v5;
	v3 =	vadd.f32 v3, v8  }
0xa3: {  	[tilespmem:s0+$0x4230] =	vst v4;
	v2 =	vadd.f32 v2, v6  }
0xa4: {  	[tilespmem:s0+$0x4240] =	vst v3;
	v1 =	vadd.f32 v1, v7  }
0xa5: {  	[tilespmem:s0+$0x4250] =	vst v2;
	v0 =	vadd.f32 v0, v63  }
0xa6: {  	s3 =	sshll.u32 s30, $0xB;
	[tilespmem:s0+$0x4260] =	vst v1  }
.Ltmp7:
0xa7: {  	s31 =	sadd.s32 s2, s3;
	[tilespmem:s0+$0x4270] =	vst v0;
	(pc) =	sbr.rel .LBB2_8-.Ltmp7, $4  }
0xa8: {  	[hbm4b:s31+s4] =	stream.linear.scatter [tilespmem:s25], [sflag:$0x7], $0x4000, $0x38;
	[tilespmem:$0x10200] =	vst v63  }
0xa9: {  	_ =	swait.ge [sflag:s26], $0x4000  }
0xaa: {  	[sflag:s26] =	ssyncset.done $0x0  }
0xab: {  	[sflag:s26] =	ssyncadd.s32 $0xFFFFC000  }
.LBB2_10:
0xac: {  	_ =	sfence.sel $0x180000  }
0xad: {  	[bflag:$0x0] =	sbarrier.arrive $0xFFFF  }
0xae: {  	_ =	strace $0x9000004A  }
0xaf: {  	s0 =	stileid.u32;
	[bflag:$0x2] =	sbarrier.arrive $0xFFFF  }
0xb0: {  	p0 =	sne.s32 s0, $0x0;
	s0 =	rddreg [dreg:$0x3]  }
0xb1: {  	s0 =	sadd.s32 @!p0 $0x100000, s0  }
0xb2: {  	[sflag:s0] =	ssyncadd.tile.s32 @!p0 $0x1;
	_ =	shalt  }
.Lfunc_end2:
_tile_overlayer_lowered:
.L_overlay_start_2:
0xb3: {  	(tag) =	ssettag $0x2  }
0xb4: {  	s0 =	rddreg [dreg:$0x0];
	s2 =	stileid.u32  }
0xb5: {  	s1 =	rddreg [dreg:$0x1];
	p0 =	sne.s32 s2, $0x0  }
0xb6: {  	s3 =	rddreg [dreg:$0x2];
	[bflag:$0x3] =	sbarrier.arrive $0xFFFF;
	s2 =	simm.s32 @!p0 $0x1C07  }
0xb7: {  	[timem:s3], [sflag:s2] =	dma.local @!p0 [hbm:s0], s1  }
0xb8: {  	s0 =	simm.s32 @!p0 $0x7  }
0xb9: {  	_ =	swait.ge @!p0 [sflag:s0], s1  }
0xba: {  	s1 =	ssub.s32 @!p0 $0x0, s1;
	[sflag:s0] =	ssyncset.done @!p0 $0x0  }
0xbb: {  	[sflag:s0] =	ssyncadd.s32 @!p0 s1  }
0xbc: {  	[bflag:$0x3] =	sbarrier.arrive $0xFFFF  }
0xbd: {  	_ =	shalt  }

// kernel: kernel.13.cloned.1.call-start
scs
__scs_entry_jumppad:
0x0: {  	(pc) =	sbr.rel $0x88, $3  }
0x1: {  	(tag) =	ssettag $0x0;
	lr =	simm.s32 $0x1  }
0x2: {  	[smem:$0x3F91] =	sst lr;
	_ =	strace $0xD0000000  }
0x3: {  	_ = 	snop  }
0x4: {  	_ = 	snop  }
0x5: {  	_ = 	snop  }
0x6: {  	_ = 	snop  }
0x7: {  	_ = 	snop  }
__scs_overlays_trampoline_lowered:
0x8: {  	[smem:$0x3FA0] =	sst s0  }
0x9: {  	[smem:$0x3FA1] =	sst s1  }
0xa: {  	[smem:$0x3FA2] =	sst s2  }
0xb: {  	[smem:$0x3FA3] =	sst s3  }
0xc: {  	[smem:$0x3FA4] =	sst s4  }
0xd: {  	[smem:$0x3FA5] =	sst s5  }
0xe: {  	[smem:$0x3FA6] =	sst s6  }
0xf: {  	[smem:$0x3FA7] =	sst s7  }
0x10: {  	[smem:$0x3FA8] =	sst s8  }
0x11: {  	[smem:$0x3FA9] =	sst s9;
	s0 =	simm.s32 @!p0 $0x0  }
0x12: {  	s1 =	sld [smem:$0x3F8F];
	s0 =	simm.s32 @p0 $0x1  }
0x13: {  	[smem:$0x3FAA] =	sst s0;
	s0 =	simm.s32 @!p1 $0x0  }
0x14: {  	s2 =	sld [smem:$0x3F8E];
	s0 =	simm.s32 @p1 $0x1  }
0x15: {  	[smem:$0x3FAB] =	sst s0;
	s0 =	simm.s32 @!p2 $0x0  }
0x16: {  	s3 =	sld [smem:$0x3FDB];
	s0 =	simm.s32 @p2 $0x1  }
0x17: {  	s4 =	simm.s32 $0x1BF5;
	[smem:$0x3FAD] =	sst s0  }
0x18: {  	s0 =	sld [smem:$0x3F90];
	_ =	swait.ge [sflag:s4], $0x0  }
0x19: {  	s7 =	sld [smem:$0x3F91]  }
0x1a: {  	s8 =	sadd.s32 $0xFFFFE003, lr  }
0x1b: {  	s9 =	sadd.s32 $0xFFFFFEF7, lr;
	s5 =	simm.s32 $0xFFFFFFFF;
	p2 =	slt.u32 s8, $0xFFFFF086  }
0x1c: {  	p1 =	slt.u32 s9, $0xF7A;
	s5 =	simm.s32 @!p2 $0x0  }
0x1d: {  	s5 =	simm.s32 @p1 $0x1;
	p0 =	seq.s32 s7, s2  }
0x1e: {  	s7 =	smul.u32 @!p0 $0xF7A, s2;
	p2 =	seq.s32 @!p0 s5, $0x0  }
0x1f: {  	s9 =	smul.u32 $0xF7A, s1;
	s8 =	simm.s32 @!p0 $0x1BF5;
	p2 =	por !p2, p0  }
0x20: {  	[sflag:s8] =	ssyncset.s32 @!p0 $0xFFFFF086;
	s6 =	sadd.s32 @!p0 s3, s7;
	s7 =	simm.s32 @!p0 $0x108  }
0x21: {  	s3 =	sadd.s32 s3, s9;
	s6 =	sadd.s32 @!p0 $0x88, s6;
	s7 =	simm.s32 @p2 $0x1082  }
0x22: {  	[simem:s7], [sflag:s8] =	dma.local @!p0 [hbm:s6], $0xF7A  }
0x23: {  	s9 =	sor.u32 $0xD0000000, s2;
	s6 =	simm.s32 $0x108;
	_ =	swait.ge @!p0 [sflag:s8], $0x0  }
0x24: {  	s3 =	sadd.s32 $0x88, s3;
	s6 =	simm.s32 @!p1 $0x1082;
	[sflag:s4] =	ssyncset.s32 $0xFFFFF086  }
0x25: {  	[simem:s6], [sflag:s4] =	dma.local [hbm:s3], $0xF7A  }
0x26: {  	[smem:$0x3F91] =	sst s1;
	(tag) =	ssettag s2;
	_ =	strace s9  }
0x27: {  	s1 =	sld [smem:$0x3FA1]  }
0x28: {  	s2 =	sld [smem:$0x3FA2]  }
0x29: {  	s4 =	sld [smem:$0x3FA4]  }
0x2a: {  	p0 =	seq.s32 s5, $0x0;
	s5 =	sld [smem:$0x3FA5]  }
0x2b: {  	s6 =	sld [smem:$0x3FA6]  }
0x2c: {  	s7 =	sld [smem:$0x3FA7]  }
0x2d: {  	s3 =	simm.s32 $0x108;
	s8 =	sld [smem:$0x3FA8]  }
0x2e: {  	s3 =	simm.s32 @!p0 $0x1082;
	s9 =	sld [smem:$0x3FA9]  }
0x2f: {  	lr =	sadd.s32 s0, s3;
	s0 =	sld [smem:$0x3FA0]  }
0x30: {  	s3 =	sld [smem:$0x3FA3]  }
0x31: {  	[smem:$0x3FAC] =	sst s10  }
0x32: {  	s10 =	sld [smem:$0x3FAA];
	_ =	sdelay $0x3  }
0x33: {  	p0 =	seq.s32 s10, $0x1;
	s10 =	sld [smem:$0x3FAC];
	_ =	sdelay $0x3  }
0x34: {  	[smem:$0x3FAC] =	sst s10  }
0x35: {  	s10 =	sld [smem:$0x3FAB];
	_ =	sdelay $0x3  }
0x36: {  	p1 =	seq.s32 s10, $0x1;
	s10 =	sld [smem:$0x3FAC];
	_ =	sdelay $0x3  }
0x37: {  	[smem:$0x3FAC] =	sst s10  }
0x38: {  	s10 =	sld [smem:$0x3FAD]  }
0x39: {  	_ = 	snop;
	(pc) =	sbr.ind lr, $3  }
0x3a: {  	_ = 	snop  }
0x3b: {  	_ = 	snop  }
0x3c: {  	p2 =	seq.s32 s10, $0x1;
	s10 =	sld [smem:$0x3FAC]  }
0x3d: {  	_ =	shalt  }
0x3e: {  	_ =	shalt  }
0x3f: {  	_ =	shalt  }
0x40: {  	_ =	shalt  }
0x41: {  	_ =	shalt  }
0x42: {  	_ =	shalt  }
0x43: {  	_ =	shalt  }
0x44: {  	_ =	shalt  }
0x45: {  	_ =	shalt  }
0x46: {  	_ =	shalt  }
0x47: {  	_ =	shalt  }
0x48: {  	_ =	shalt  }
0x49: {  	_ =	shalt  }
0x4a: {  	_ =	shalt  }
0x4b: {  	_ =	shalt  }
0x4c: {  	_ =	shalt  }
0x4d: {  	_ =	shalt  }
0x4e: {  	_ =	shalt  }
0x4f: {  	_ =	shalt  }
0x50: {  	_ =	shalt  }
0x51: {  	_ =	shalt  }
0x52: {  	_ =	shalt  }
0x53: {  	_ =	shalt  }
0x54: {  	_ =	shalt  }
0x55: {  	_ =	shalt  }
0x56: {  	_ =	shalt  }
0x57: {  	_ =	shalt  }
0x58: {  	_ =	shalt  }
0x59: {  	_ =	shalt  }
0x5a: {  	_ =	shalt  }
0x5b: {  	_ =	shalt  }
0x5c: {  	_ =	shalt  }
0x5d: {  	_ =	shalt  }
0x5e: {  	_ =	shalt  }
0x5f: {  	_ =	shalt  }
0x60: {  	_ =	shalt  }
0x61: {  	_ =	shalt  }
0x62: {  	_ =	shalt  }
0x63: {  	_ =	shalt  }
0x64: {  	_ =	shalt  }
0x65: {  	_ =	shalt  }
0x66: {  	_ =	shalt  }
0x67: {  	_ =	shalt  }
0x68: {  	_ =	shalt  }
0x69: {  	_ =	shalt  }
0x6a: {  	_ =	shalt  }
0x6b: {  	_ =	shalt  }
0x6c: {  	_ =	shalt  }
0x6d: {  	_ =	shalt  }
0x6e: {  	_ =	shalt  }
0x6f: {  	_ =	shalt  }
0x70: {  	_ =	shalt  }
0x71: {  	_ =	shalt  }
0x72: {  	_ =	shalt  }
0x73: {  	_ =	shalt  }
0x74: {  	_ =	shalt  }
0x75: {  	_ =	shalt  }
0x76: {  	_ =	shalt  }
0x77: {  	_ =	shalt  }
0x78: {  	_ =	shalt  }
0x79: {  	_ =	shalt  }
0x7a: {  	_ =	shalt  }
0x7b: {  	_ =	shalt  }
0x7c: {  	_ =	shalt  }
0x7d: {  	_ =	shalt  }
0x7e: {  	_ =	shalt  }
0x7f: {  	_ =	shalt  }
0x80: {  	_ =	shalt  }
0x81: {  	_ =	shalt  }
0x82: {  	_ =	shalt  }
0x83: {  	_ =	shalt  }
0x84: {  	_ =	shalt  }
0x85: {  	_ =	shalt  }
0x86: {  	_ =	shalt  }
0x87: {  	_ =	shalt  }
.Lfunc_end0:
.L_simem_size_0:
called_computation.1_lowered:
.L_overlay_start_0:
0x88: {  	s2 =	sld [smem:$0x3FD9]  }
0x89: {  	s3 =	sld [smem:$0x3FFE];
	_ =	sdelay $0x1  }
0x8a: {  	s1 =	srdreg.scid  }
0x8b: {  	s0 =	sand.u32 $0x1, s1  }
0x8c: {  	s14 =	sshll.u32 s0, $0xA;
	s2 =	sadd.s32 s3, s2  }
0x8d: {  	s2 =	sadd.s32 s2, s14  }
0x8e: {  	[smem:$0x3FB8] =	sst s2  }
0x8f: {  	_ = 	snop  }
0x90: {  	s2 =	sld [smem:$0x3FD0];
	_ =	sdelay $0x2  }
0x91: {  	s15 =	simm.s32 $0xB;
	s4 =	simm.s32 $0x10  }
0x92: {  	[smem:s4], [sflag:s15] =	dma.local [hbm:s2], $0x1  }
0x93: {  	_ =	swait.eq [sflag:s15], $0x1  }
0x94: {  	[sflag:s15] =	ssyncset.done $0x0  }
0x95: {  	[sflag:s15] =	ssyncadd.s32 $0xFFFFFFFF  }
0x96: {  	s16 =	sld [smem:$0x11];
	(tm) =	ssettm $0x1  }
0x97: {  	s17 =	sld [smem:$0x3FFB];
	_ =	sdelay $0x3  }
0x98: {  	_ =	strace s17  }
0x99: {  	s3 =	sld [smem:$0x3FFC];
	_ =	sdelay $0x3  }
0x9a: {  	_ =	strace s3  }
0x9b: {  	s3 =	sld [smem:$0x3FFD];
	_ =	sdelay $0x3  }
0x9c: {  	_ =	strace s3  }
0x9d: {  	_ =	strace $0x8FFFFFFF  }
0x9e: {  	s18 =	sld [smem:$0x3FDB];
	_ =	sdelay $0x1  }
0x9f: {  	s19 =	simm.s32 $_scs_section_size  }
0xa0: {  	s5 =	simm.s32 $_size__tile_overlayer_lowered;
	s6 =	simm.s32 $_tile_overlayer_lowered  }
0xa1: {  	s22 =	simm.s32 $0x1BFF;
	s21 =	sshll.u32 s6, $0x1;
	s3 =	sadd.s32 s19, s18  }
0xa2: {  	s7 =	simm.s32 $0x0;
	s20 =	sshll.u32 s5, $0x1;
	s5 =	sadd.s32 s21, s3  }
0xa3: {  	[timem:s7], [sflag:s22] =	dma.local [hbm:s5], s20  }
0xa4: {  	_ =	swait.ge [sflag:s22], s20  }
0xa5: {  	s4 =	ssub.s32 $0x0, s20;
	[sflag:s22] =	ssyncset.done $0x0  }
0xa6: {  	[sflag:s22] =	ssyncadd.s32 s4;
	_ =	sdelay $0x1  }
0xa7: {  	s23 =	simm.s32 $0x1B8B  }
0xa8: {  	_ =	swait.ge [sflag:s23], $0x1  }
0xa9: {  	[sflag:s23] =	ssyncset.done $0x0  }
0xaa: {  	s25 =	simm.s32 $0x1B8E;
	s24 =	sld [smem:$0x3FFE];
	[sflag:s23] =	ssyncadd.s32 $0xFFFFFFFF  }
0xab: {  	s26 =	simm.s32 $execute0_lowered;
	[smem:$0x3FD2] =	sst s25  }
0xac: {  	s5 =	sshll.u32 s26, $0x1;
	_ =	strace $0x80000046;
	[dreg:$0x1] =	wrdreg $0xFFFFFFFF  }
0xad: {  	s28 =	simm.s32 $_size_execute0_lowered;
	s3 =	sadd.s32 s3, s5;
	[dreg:$0x0] =	wrdreg $0x0  }
0xae: {  	s5 =	sshll.u32 s28, $0x1;
	[dreg:$0x2] =	wrdreg s3  }
0xaf: {  	[dreg:$0x3] =	wrdreg s5  }
0xb0: {  	[dreg:$0x4] =	wrdreg $0xC0  }
0xb1: {  	_ =	task [dreg:s7], $0x5FFFF  }
0xb2: {  	[dreg:$0x1] =	wrdreg $0xFFFFFFFF  }
0xb3: {  	[dreg:$0x0] =	wrdreg $0x60  }
0xb4: {  	[dreg:$0x2] =	wrdreg s16  }
0xb5: {  	[dreg:$0x3] =	wrdreg s24  }
0xb6: {  	[dreg:$0x4] =	wrdreg $0xA  }
0xb7: {  	_ =	task.clear_ibuf [dreg:s7], $0x5FFFF;
	_ =	strace $0x90000046  }
0xb8: {  	s29 =	simm.s32 $0xA;
	_ =	strace $0x80000048  }
0xb9: {  	_ =	swait.ge [sflag:s29], $0x1  }
0xba: {  	[sflag:s29] =	ssyncadd.s32 $0xFFFFFFFF  }
0xbb: {  	_ =	strace $0x90000048  }
0xbc: {  	_ =	sfence  }
0xbd: {  	s30 =	sld [smem:$0x0];
	_ =	sdelay $0x2  }
0xbe: {  	s31 =	sshll.u32 s1, $0xD;
	s1 =	sshrl.u32 s1, $0x2  }
0xbf: {  	s3 =	sand.u32 $0x4000, s31;
	s1 =	sadd.s32 s1, s30  }
0xc0: {  	s0 =	sor.u32 s3, s0;
	s1 =	sshll.u32 s1, $0x11  }
0xc1: {  	s0 =	sor.u32 s1, s0  }
0xc2: {  	s0 =	sadd.s32 $0x8F2B, s0  }
0xc3: {  	[sflag:s0] =	ssyncadd.remote.s32 $0x1  }
0xc4: {  	_ =	sfence.sel $0xFFFF  }
0xc5: {  	[dreg:$0x0] =	wrdreg $0xFFFFFFFF;
	(pc) =	sbr.abs _section_cstart, $3  }
0xc6: {  	[dreg:$0x1] =	wrdreg $0xFFFFFFFF  }
0xc7: {  	_ =	task.clear_ibuf [dreg:s7], $0x2FFFF;
	_ =	strace $0x9FFFFFFF  }
0xc8: {  	(tm) =	ssettm $0x7FFFFFFF  }
0xc9: {  	_ =	shalt  }
tec
execute0_lowered:
.L_overlay_start_1:
0x0: {  	(tag) =	ssettag $0x1  }
0x1: {  	s1 =	rddreg [dreg:$0x0]  }
0x2: {  	s0 =	rddreg [dreg:$0x1]  }
0x3: {  	s3 =	simm.s32 $0x0;
	s2 =	srdreg.scid;
	s4 =	stileid.u32  }
0x4: {  	s16 =	simm.s32 $0x100;
	s17 =	simm.s32 $0x1;
	s18 =	simm.s32 $0x80  }
0x5: {  	s19 =	simm.s32 $0x200;
	s22 =	simm.s32 $0x3;
	s23 =	simm.s32 $0x5  }
0x6: {  	s24 =	simm.s32 $0x8;
	s25 =	simm.s32 $0x4200;
	s26 =	simm.s32 $0x7  }
0x7: {  	s28 =	simm.s32 $0x0;
	[smem:$0x7FF] =	sst s3;
	s2 =	sand.u32 $0x1, s2  }
0x8: {  	s6 =	sshll.u32 s4, $0x1;
	s4 =	sadd.s32 $0xF200, s0;
	s5 =	sadd.s32 $0x4200, s0  }
0x9: {  	s7 =	sadd.s32 $0x9200, s0;
	s8 =	sadd.s32 $0x36400, s0;
	_ =	strace $0x80000047  }
.Ltmp0:
0xa: {  	s6 =	sor.u32 s2, s6;
	s2 =	ssub.s32 $0x2, s2;
	(pc) =	sbr.rel .LBB2_1-.Ltmp0, $4  }
0xb: {  	s10 =	sshll.u32 s6, $0x4;
	s30 =	sshrl.u32 s2, $0x1;
	s13 =	sor.u32 $0x40, s6  }
0xc: {  	s14 =	sor.u32 $0x60, s6;
	s11 =	sadd.s32 $0x2710, s10;
	s0 =	ssub.s32 s2, s30  }
0xd: {  	s31 =	sadd.s32 $0x2910, s10;
	s9 =	sadd.s32 s5, s11;
	s10 =	sadd.s32 s7, s11  }
0xe: {  	s11 =	sadd.s32 s5, s31;
	s12 =	sadd.s32 s7, s31;
	s15 =	smax.u32 s0, $0x1  }
.LBB2_9:
0xf: {  	s28 =	sadd.s32 $0x1, s28  }
0x10: {  	p0 =	sne.s32 s28, s15  }
.Ltmp1:
0x11: {  	_ = 	snop;
	(pc) =	sbr.rel @!p0 .LBB2_10-.Ltmp1, $1  }
0x12: {  	_ =	sdelay $0x3  }
.LBB2_1:
0x13: {  	[tilespmem:s3], [sflag:$0x1] =	stream.linear.gather [hbm4b:s9+s3], $0x80, $0x38;
	[tilespmem:$0x10200] =	vst v63  }
0x14: {  	_ = 	snop  }
0x15: {  	[tilespmem:s16], [sflag:$0x1] =	stream.linear.gather [hbm4b:s10+s3], $0x80, $0x38;
	[tilespmem:$0x10200] =	vst v63  }
0x16: {  	_ =	swait.ge [sflag:s17], $0x80  }
0x17: {  	[sflag:s17] =	ssyncset.done $0x0  }
0x18: {  	[sflag:s17] =	ssyncadd.s32 $0xFFFFFF80  }
0x19: {  	_ =	swait.ge [sflag:s17], $0x80  }
0x1a: {  	[sflag:s17] =	ssyncset.done $0x0  }
0x1b: {  	[sflag:s17] =	ssyncadd.s32 $0xFFFFFF80  }
0x1c: {  	[tilespmem:s19], [sflag:$0x3] =	stream.indirect.gather [hbm4b:s4+s18], $0x80, s3, s18, $0xb8;
	[tilespmem:$0x10200] =	vst v63  }
0x1d: {  	s0 =	simm.s32 $0x8200  }
0x1e: {  	[tilespmem:s0], [sflag:$0x5] =	stream.indirect.gather [hbm4b:s1+s18], $0x80, s16, s18, $0xb8;
	[tilespmem:$0x10200] =	vst v63  }
.Ltmp2:
0x1f: {  	_ = 	snop;
	(pc) =	sbr.rel .LBB2_2-.Ltmp2, $4  }
0x20: {  	_ = 	snop  }
0x21: {  	[tilespmem:s18], [sflag:$0x2] =	stream.linear.gather [hbm4b:s11+s3], $0x80, $0x38;
	[tilespmem:$0x10200] =	vst v63  }
0x22: {  	s31 =	simm.s32 $0x180;
	s29 =	simm.s32 $0x0  }
0x23: {  	[tilespmem:s31], [sflag:$0x2] =	stream.linear.gather [hbm4b:s12+s3], $0x80, $0x38;
	[tilespmem:$0x10200] =	vst v63  }
.LBB2_8:
0x24: {  	s29 =	sadd.s32 $0x1, s29  }
0x25: {  	p0 =	sne.s32 s29, $0xA  }
.Ltmp3:
0x26: {  	_ = 	snop;
	(pc) =	sbr.rel @!p0 .LBB2_9-.Ltmp3, $1  }
0x27: {  	_ =	sdelay $0x3  }
.LBB2_2:
0x28: {  	_ =	swait.ge [sflag:s22], $0x4000  }
0x29: {  	s31 =	sshll.u32 s29, $0x6;
	[sflag:s22] =	ssyncset.done $0x0  }
0x2a: {  	s0 =	sor.u32 s6, s31;
	[sflag:s22] =	ssyncadd.s32 $0xFFFFC000  }
0x2b: {  	s30 =	sor.u32 $0x20, s0;
	_ =	swait.ge [sflag:s23], $0x4000  }
0x2c: {  	p0 =	sgt.u32 s30, $0x270;
	[sflag:s23] =	ssyncset.done $0x0  }
0x2d: {  	s2 =	simm.s32 @!p0 $0x2;
	[sflag:s23] =	ssyncadd.s32 $0xFFFFC000  }
0x2e: {  	_ =	swait.ge @!p0 [sflag:s2], $0x80  }
0x2f: {  	[sflag:s2] =	ssyncset.done @!p0 $0x0  }
0x30: {  	[sflag:s2] =	ssyncadd.s32 @!p0 $0xFFFFFF80  }
0x31: {  	_ =	swait.ge @!p0 [sflag:s2], $0x80  }
0x32: {  	[sflag:s2] =	ssyncset.done @!p0 $0x0  }
0x33: {  	s20 =	simm.s32 @!p0 $0x4200;
	[sflag:s2] =	ssyncadd.s32 @!p0 $0xFFFFFF80;
	s2 =	simm.s32 @!p0 $0x80  }
0x34: {  	[tilespmem:s20], [sflag:$0x4] =	stream.indirect.gather @!p0 [hbm4b:s4+s2], $0x80, s2, s2, $0xb8;
	[tilespmem:$0x10200] =	vst v63  }
0x35: {  	s21 =	simm.s32 @!p0 $0xC200;
	s20 =	simm.s32 @!p0 $0x180  }
0x36: {  	[tilespmem:s21], [sflag:$0x6] =	stream.indirect.gather @!p0 [hbm4b:s1+s2], $0x80, s20, s2, $0xb8;
	[tilespmem:$0x10200] =	vst v63  }
0x37: {  	s2 =	sadd.s32 s13, s31  }
0x38: {  	p1 =	sgt.u32 s2, $0x270  }
0x39: {  	s2 =	sshll.u32 @!p1 s2, $0x4  }
0x3a: {  	s2 =	sadd.s32 @!p1 $0x2710, s2  }
0x3b: {  	s21 =	simm.s32 @!p1 $0x0;
	s20 =	sadd.s32 @!p1 s5, s2  }
0x3c: {  	[tilespmem:s21], [sflag:$0x1] =	stream.linear.gather @!p1 [hbm4b:s20+s21], $0x80, $0x38;
	[tilespmem:$0x10200] =	vst v63  }
0x3d: {  	s2 =	sadd.s32 @!p1 s7, s2;
	s20 =	simm.s32 @!p1 $0x100  }
0x3e: {  	[tilespmem:s20], [sflag:$0x1] =	stream.linear.gather @!p1 [hbm4b:s2+s21], $0x80, $0x38;
	[tilespmem:$0x10200] =	vst v63  }
0x3f: {  	s2 =	simm.s32 $0x0  }
0x40: {  	v7 =	vld [tilespmem:s2+$0x8200]  }
0x41: {  	v11 =	vld [tilespmem:s2+$0x8210]  }
0x42: {  	v5 =	vld [tilespmem:s2+$0x8220]  }
0x43: {  	v4 =	vld [tilespmem:s2+$0x8230]  }
0x44: {  	v3 =	vld [tilespmem:s2+$0x8240]  }
0x45: {  	v2 =	vld [tilespmem:s2+$0x8250]  }
0x46: {  	v1 =	vld [tilespmem:s2+$0x8260]  }
0x47: {  	v0 =	vld [tilespmem:s2+$0x8270]  }
0x48: {  	v12 =	vld [tilespmem:s2+$0x200]  }
0x49: {  	v13 =	vld [tilespmem:s2+$0x210]  }
0x4a: {  	v10 =	vld [tilespmem:s2+$0x220]  }
0x4b: {  	v9 =	vld [tilespmem:s2+$0x230]  }
0x4c: {  	v8 =	vld [tilespmem:s2+$0x240]  }
0x4d: {  	v6 =	vld [tilespmem:s2+$0x250];
	v12 =	vadd.f32 v7, v12  }
0x4e: {  	s20 =	simm.s32 $0x200;
	v11 =	vadd.f32 v11, v13;
	v7 =	vld [tilespmem:s2+$0x260]  }
.LBB2_3:
0x4f: {  	s21 =	sshra.s32 s20, $0x2;
	p2 =	sne.s32 s20, $0xFE00;
	[tilespmem:s2+$0x200] =	vst v12;
	v5 =	vadd.f32 v5, v10;
	v10 =	vld [tilespmem:s2+$0x270]  }
0x50: {  	v12 =	vld [tilespmem:s21+$0x8200];
	[tilespmem:s2+$0x210] =	vst v11;
	v4 =	vadd.f32 v4, v9  }
0x51: {  	v11 =	vld [tilespmem:s21+$0x8210];
	[tilespmem:s2+$0x220] =	vst v5;
	v3 =	vadd.f32 v3, v8  }
0x52: {  	v5 =	vld [tilespmem:s21+$0x8220];
	[tilespmem:s2+$0x230] =	vst v4;
	v2 =	vadd.f32 v2, v6  }
0x53: {  	v4 =	vld [tilespmem:s21+$0x8230];
	[tilespmem:s2+$0x240] =	vst v3;
	v1 =	vadd.f32 v1, v7  }
0x54: {  	v3 =	vld [tilespmem:s21+$0x8240];
	[tilespmem:s2+$0x250] =	vst v2;
	v0 =	vadd.f32 v0, v10  }
0x55: {  	v2 =	vld [tilespmem:s21+$0x8250];
	[tilespmem:s2+$0x260] =	vst v1  }
0x56: {  	v1 =	vld [tilespmem:s21+$0x8260];
	[tilespmem:s2+$0x270] =	vst v0;
	s2 =	smov.u32 s21  }
0x57: {  	v0 =	vld [tilespmem:s2+$0x8270]  }
0x58: {  	v6 =	vld [tilespmem:s2+$0x200]  }
0x59: {  	v7 =	vld [tilespmem:s2+$0x210]  }
.Ltmp4:
0x5a: {  	v10 =	vld [tilespmem:s2+$0x220];
	(pc) =	sbr.rel @p2 .LBB2_3-.Ltmp4, $4  }
0x5b: {  	v9 =	vld [tilespmem:s2+$0x230]  }
0x5c: {  	v8 =	vld [tilespmem:s2+$0x240]  }
0x5d: {  	v12 =	vadd.f32 v12, v6;
	v6 =	vld [tilespmem:s2+$0x250]  }
0x5e: {  	s20 =	sadd.s32 $0x200, s20;
	v11 =	vadd.f32 v11, v7;
	v7 =	vld [tilespmem:s2+$0x260]  }
0x5f: {  	[tilespmem:s2+$0x200] =	vst v12;
	v5 =	vadd.f32 v5, v10;
	v63 =	vld [tilespmem:s2+$0x270]  }
0x60: {  	[tilespmem:s2+$0x210] =	vst v11;
	v4 =	vadd.f32 v4, v9  }
0x61: {  	[tilespmem:s2+$0x220] =	vst v5;
	v3 =	vadd.f32 v3, v8  }
0x62: {  	[tilespmem:s2+$0x230] =	vst v4;
	v2 =	vadd.f32 v2, v6  }
0x63: {  	[tilespmem:s2+$0x240] =	vst v3;
	v1 =	vadd.f32 v1, v7  }
0x64: {  	[tilespmem:s2+$0x250] =	vst v2;
	v0 =	vadd.f32 v0, v63  }
0x65: {  	s0 =	sshll.u32 s0, $0xB;
	[tilespmem:s2+$0x260] =	vst v1  }
0x66: {  	s0 =	sadd.s32 s8, s0;
	[tilespmem:s2+$0x270] =	vst v0  }
0x67: {  	[hbm4b:s0+s3] =	stream.linear.scatter [tilespmem:s19], [sflag:$0x8], $0x4000, $0x38;
	[tilespmem:$0x10200] =	vst v63  }
0x68: {  	_ =	swait.ge [sflag:s24], $0x4000  }
0x69: {  	[sflag:s24] =	ssyncset.done $0x0  }
0x6a: {  	s0 =	simm.s32 @!p0 $0x4;
	[sflag:s24] =	ssyncadd.s32 $0xFFFFC000  }
0x6b: {  	_ =	swait.ge @!p0 [sflag:s0], $0x4000  }
0x6c: {  	[sflag:s0] =	ssyncset.done @!p0 $0x0  }
0x6d: {  	[sflag:s0] =	ssyncadd.s32 @!p0 $0xFFFFC000;
	s0 =	simm.s32 @!p0 $0x6  }
0x6e: {  	_ =	swait.ge @!p0 [sflag:s0], $0x4000  }
0x6f: {  	[sflag:s0] =	ssyncset.done @!p0 $0x0  }
0x70: {  	[sflag:s0] =	ssyncadd.s32 @!p0 $0xFFFFC000;
	s0 =	simm.s32 @!p1 $0x1  }
0x71: {  	_ =	swait.ge @!p1 [sflag:s0], $0x80  }
0x72: {  	[sflag:s0] =	ssyncset.done @!p1 $0x0  }
0x73: {  	[sflag:s0] =	ssyncadd.s32 @!p1 $0xFFFFFF80  }
0x74: {  	_ =	swait.ge @!p1 [sflag:s0], $0x80  }
0x75: {  	s20 =	simm.s32 @!p1 $0x200;
	[sflag:s0] =	ssyncset.done @!p1 $0x0  }
0x76: {  	s2 =	simm.s32 @!p1 $0x0;
	[sflag:s0] =	ssyncadd.s32 @!p1 $0xFFFFFF80;
	s0 =	simm.s32 @!p1 $0x80  }
0x77: {  	[tilespmem:s20], [sflag:$0x3] =	stream.indirect.gather @!p1 [hbm4b:s4+s0], $0x80, s2, s0, $0xb8;
	[tilespmem:$0x10200] =	vst v63  }
0x78: {  	s2 =	simm.s32 @!p1 $0x100;
	s20 =	simm.s32 @!p1 $0x8200  }
0x79: {  	[tilespmem:s20], [sflag:$0x5] =	stream.indirect.gather @!p1 [hbm4b:s1+s0], $0x80, s2, s0, $0xb8;
	[tilespmem:$0x10200] =	vst v63  }
0x7a: {  	s0 =	sadd.s32 s14, s31  }
0x7b: {  	p1 =	sgt.u32 s0, $0x270  }
0x7c: {  	s0 =	sshll.u32 @!p1 s0, $0x4  }
.Ltmp5:
0x7d: {  	s0 =	sadd.s32 @!p1 $0x2710, s0;
	(pc) =	sbr.rel @p0 .LBB2_8-.Ltmp5, $4  }
0x7e: {  	s20 =	simm.s32 @!p1 $0x0;
	s21 =	simm.s32 @!p1 $0x80;
	s2 =	sadd.s32 @!p1 s5, s0  }
0x7f: {  	[tilespmem:s21], [sflag:$0x2] =	stream.linear.gather @!p1 [hbm4b:s2+s20], $0x80, $0x38;
	[tilespmem:$0x10200] =	vst v63  }
0x80: {  	s0 =	sadd.s32 @!p1 s7, s0;
	s2 =	simm.s32 @!p1 $0x180  }
0x81: {  	[tilespmem:s2], [sflag:$0x2] =	stream.linear.gather @!p1 [hbm4b:s0+s20], $0x80, $0x38;
	[tilespmem:$0x10200] =	vst v63  }
0x82: {  	s0 =	simm.s32 $0x0  }
0x83: {  	v7 =	vld [tilespmem:s0+$0xC200]  }
0x84: {  	v11 =	vld [tilespmem:s0+$0xC210]  }
0x85: {  	v5 =	vld [tilespmem:s0+$0xC220]  }
0x86: {  	v4 =	vld [tilespmem:s0+$0xC230]  }
0x87: {  	v3 =	vld [tilespmem:s0+$0xC240]  }
0x88: {  	v2 =	vld [tilespmem:s0+$0xC250]  }
0x89: {  	v1 =	vld [tilespmem:s0+$0xC260]  }
0x8a: {  	v0 =	vld [tilespmem:s0+$0xC270]  }
0x8b: {  	v12 =	vld [tilespmem:s0+$0x4200]  }
0x8c: {  	v13 =	vld [tilespmem:s0+$0x4210]  }
0x8d: {  	v10 =	vld [tilespmem:s0+$0x4220]  }
0x8e: {  	v9 =	vld [tilespmem:s0+$0x4230]  }
0x8f: {  	v8 =	vld [tilespmem:s0+$0x4240]  }
0x90: {  	v6 =	vld [tilespmem:s0+$0x4250];
	v12 =	vadd.f32 v7, v12  }
0x91: {  	s2 =	simm.s32 $0x200;
	v11 =	vadd.f32 v11, v13;
	v7 =	vld [tilespmem:s0+$0x4260]  }
.LBB2_6:
0x92: {  	s20 =	sshra.s32 s2, $0x2;
	p0 =	sne.s32 s2, $0xFE00;
	[tilespmem:s0+$0x4200] =	vst v12;
	v5 =	vadd.f32 v5, v10;
	v10 =	vld [tilespmem:s0+$0x4270]  }
0x93: {  	v12 =	vld [tilespmem:s20+$0xC200];
	[tilespmem:s0+$0x4210] =	vst v11;
	v4 =	vadd.f32 v4, v9  }
0x94: {  	v11 =	vld [tilespmem:s20+$0xC210];
	[tilespmem:s0+$0x4220] =	vst v5;
	v3 =	vadd.f32 v3, v8  }
0x95: {  	v5 =	vld [tilespmem:s20+$0xC220];
	[tilespmem:s0+$0x4230] =	vst v4;
	v2 =	vadd.f32 v2, v6  }
0x96: {  	v4 =	vld [tilespmem:s20+$0xC230];
	[tilespmem:s0+$0x4240] =	vst v3;
	v1 =	vadd.f32 v1, v7  }
0x97: {  	v3 =	vld [tilespmem:s20+$0xC240];
	[tilespmem:s0+$0x4250] =	vst v2;
	v0 =	vadd.f32 v0, v10  }
0x98: {  	v2 =	vld [tilespmem:s20+$0xC250];
	[tilespmem:s0+$0x4260] =	vst v1  }
0x99: {  	v1 =	vld [tilespmem:s20+$0xC260];
	[tilespmem:s0+$0x4270] =	vst v0;
	s0 =	smov.u32 s20  }
0x9a: {  	v0 =	vld [tilespmem:s0+$0xC270]  }
0x9b: {  	v6 =	vld [tilespmem:s0+$0x4200]  }
0x9c: {  	v7 =	vld [tilespmem:s0+$0x4210]  }
.Ltmp6:
0x9d: {  	v10 =	vld [tilespmem:s0+$0x4220];
	(pc) =	sbr.rel @p0 .LBB2_6-.Ltmp6, $4  }
0x9e: {  	v9 =	vld [tilespmem:s0+$0x4230]  }
0x9f: {  	v8 =	vld [tilespmem:s0+$0x4240]  }
0xa0: {  	v12 =	vadd.f32 v12, v6;
	v6 =	vld [tilespmem:s0+$0x4250]  }
0xa1: {  	s2 =	sadd.s32 $0x200, s2;
	v11 =	vadd.f32 v11, v7;
	v7 =	vld [tilespmem:s0+$0x4260]  }
0xa2: {  	[tilespmem:s0+$0x4200] =	vst v12;
	v5 =	vadd.f32 v5, v10;
	v63 =	vld [tilespmem:s0+$0x4270]  }
0xa3: {  	[tilespmem:s0+$0x4210] =	vst v11;
	v4 =	vadd.f32 v4, v9  }
0xa4: {  	[tilespmem:s0+$0x4220] =	vst v5;
	v3 =	vadd.f32 v3, v8  }
0xa5: {  	[tilespmem:s0+$0x4230] =	vst v4;
	v2 =	vadd.f32 v2, v6  }
0xa6: {  	[tilespmem:s0+$0x4240] =	vst v3;
	v1 =	vadd.f32 v1, v7  }
0xa7: {  	[tilespmem:s0+$0x4250] =	vst v2;
	v0 =	vadd.f32 v0, v63  }
0xa8: {  	s2 =	sshll.u32 s30, $0xB;
	[tilespmem:s0+$0x4260] =	vst v1  }
.Ltmp7:
0xa9: {  	s31 =	sadd.s32 s8, s2;
	[tilespmem:s0+$0x4270] =	vst v0;
	(pc) =	sbr.rel .LBB2_8-.Ltmp7, $4  }
0xaa: {  	[hbm4b:s31+s3] =	stream.linear.scatter [tilespmem:s25], [sflag:$0x7], $0x4000, $0x38;
	[tilespmem:$0x10200] =	vst v63  }
0xab: {  	_ =	swait.ge [sflag:s26], $0x4000  }
0xac: {  	[sflag:s26] =	ssyncset.done $0x0  }
0xad: {  	[sflag:s26] =	ssyncadd.s32 $0xFFFFC000  }
.LBB2_10:
0xae: {  	_ =	sfence.sel $0x180000  }
0xaf: {  	[bflag:$0x0] =	sbarrier.arrive $0xFFFF  }
0xb0: {  	_ =	strace $0x90000047  }
0xb1: {  	s0 =	stileid.u32;
	[bflag:$0x2] =	sbarrier.arrive $0xFFFF  }
0xb2: {  	p0 =	sne.s32 s0, $0x0;
	s0 =	rddreg [dreg:$0x2]  }
0xb3: {  	s0 =	sadd.s32 @!p0 $0x100000, s0  }
0xb4: {  	[sflag:s0] =	ssyncadd.tile.s32 @!p0 $0x1;
	_ =	shalt  }
.Lfunc_end2:
_tile_overlayer_lowered:
.L_overlay_start_2:
0xb5: {  	(tag) =	ssettag $0x2  }
0xb6: {  	s0 =	rddreg [dreg:$0x0];
	s2 =	stileid.u32  }
0xb7: {  	s1 =	rddreg [dreg:$0x1];
	p0 =	sne.s32 s2, $0x0  }
0xb8: {  	s3 =	rddreg [dreg:$0x2];
	[bflag:$0x3] =	sbarrier.arrive $0xFFFF;
	s2 =	simm.s32 @!p0 $0x1C07  }
0xb9: {  	[timem:s3], [sflag:s2] =	dma.local @!p0 [hbm:s0], s1  }
0xba: {  	s0 =	simm.s32 @!p0 $0x7  }
0xbb: {  	_ =	swait.ge @!p0 [sflag:s0], s1  }
0xbc: {  	s1 =	ssub.s32 @!p0 $0x0, s1;
	[sflag:s0] =	ssyncset.done @!p0 $0x0  }
0xbd: {  	[sflag:s0] =	ssyncadd.s32 @!p0 s1  }
0xbe: {  	[bflag:$0x3] =	sbarrier.arrive $0xFFFF  }
0xbf: {  	_ =	shalt  }

// kernel: kernel.16.cloned.1.call-start
scs
__scs_entry_jumppad:
0x0: {  	(pc) =	sbr.rel $0x88, $3  }
0x1: {  	(tag) =	ssettag $0x0;
	lr =	simm.s32 $0x1  }
0x2: {  	[smem:$0x3F91] =	sst lr;
	_ =	strace $0xD0000000  }
0x3: {  	_ = 	snop  }
0x4: {  	_ = 	snop  }
0x5: {  	_ = 	snop  }
0x6: {  	_ = 	snop  }
0x7: {  	_ = 	snop  }
__scs_overlays_trampoline_lowered:
0x8: {  	[smem:$0x3FA0] =	sst s0  }
0x9: {  	[smem:$0x3FA1] =	sst s1  }
0xa: {  	[smem:$0x3FA2] =	sst s2  }
0xb: {  	[smem:$0x3FA3] =	sst s3  }
0xc: {  	[smem:$0x3FA4] =	sst s4  }
0xd: {  	[smem:$0x3FA5] =	sst s5  }
0xe: {  	[smem:$0x3FA6] =	sst s6  }
0xf: {  	[smem:$0x3FA7] =	sst s7  }
0x10: {  	[smem:$0x3FA8] =	sst s8  }
0x11: {  	[smem:$0x3FA9] =	sst s9;
	s0 =	simm.s32 @!p0 $0x0  }
0x12: {  	s1 =	sld [smem:$0x3F8F];
	s0 =	simm.s32 @p0 $0x1  }
0x13: {  	[smem:$0x3FAA] =	sst s0;
	s0 =	simm.s32 @!p1 $0x0  }
0x14: {  	s2 =	sld [smem:$0x3F8E];
	s0 =	simm.s32 @p1 $0x1  }
0x15: {  	[smem:$0x3FAB] =	sst s0;
	s0 =	simm.s32 @!p2 $0x0  }
0x16: {  	s3 =	sld [smem:$0x3FDB];
	s0 =	simm.s32 @p2 $0x1  }
0x17: {  	s4 =	simm.s32 $0x1BF5;
	[smem:$0x3FAD] =	sst s0  }
0x18: {  	s0 =	sld [smem:$0x3F90];
	_ =	swait.ge [sflag:s4], $0x0  }
0x19: {  	s7 =	sld [smem:$0x3F91]  }
0x1a: {  	s8 =	sadd.s32 $0xFFFFE003, lr  }
0x1b: {  	s9 =	sadd.s32 $0xFFFFFEF7, lr;
	s5 =	simm.s32 $0xFFFFFFFF;
	p2 =	slt.u32 s8, $0xFFFFF086  }
0x1c: {  	p1 =	slt.u32 s9, $0xF7A;
	s5 =	simm.s32 @!p2 $0x0  }
0x1d: {  	s5 =	simm.s32 @p1 $0x1;
	p0 =	seq.s32 s7, s2  }
0x1e: {  	s7 =	smul.u32 @!p0 $0xF7A, s2;
	p2 =	seq.s32 @!p0 s5, $0x0  }
0x1f: {  	s9 =	smul.u32 $0xF7A, s1;
	s8 =	simm.s32 @!p0 $0x1BF5;
	p2 =	por !p2, p0  }
0x20: {  	[sflag:s8] =	ssyncset.s32 @!p0 $0xFFFFF086;
	s6 =	sadd.s32 @!p0 s3, s7;
	s7 =	simm.s32 @!p0 $0x108  }
0x21: {  	s3 =	sadd.s32 s3, s9;
	s6 =	sadd.s32 @!p0 $0x88, s6;
	s7 =	simm.s32 @p2 $0x1082  }
0x22: {  	[simem:s7], [sflag:s8] =	dma.local @!p0 [hbm:s6], $0xF7A  }
0x23: {  	s9 =	sor.u32 $0xD0000000, s2;
	s6 =	simm.s32 $0x108;
	_ =	swait.ge @!p0 [sflag:s8], $0x0  }
0x24: {  	s3 =	sadd.s32 $0x88, s3;
	s6 =	simm.s32 @!p1 $0x1082;
	[sflag:s4] =	ssyncset.s32 $0xFFFFF086  }
0x25: {  	[simem:s6], [sflag:s4] =	dma.local [hbm:s3], $0xF7A  }
0x26: {  	[smem:$0x3F91] =	sst s1;
	(tag) =	ssettag s2;
	_ =	strace s9  }
0x27: {  	s1 =	sld [smem:$0x3FA1]  }
0x28: {  	s2 =	sld [smem:$0x3FA2]  }
0x29: {  	s4 =	sld [smem:$0x3FA4]  }
0x2a: {  	p0 =	seq.s32 s5, $0x0;
	s5 =	sld [smem:$0x3FA5]  }
0x2b: {  	s6 =	sld [smem:$0x3FA6]  }
0x2c: {  	s7 =	sld [smem:$0x3FA7]  }
0x2d: {  	s3 =	simm.s32 $0x108;
	s8 =	sld [smem:$0x3FA8]  }
0x2e: {  	s3 =	simm.s32 @!p0 $0x1082;
	s9 =	sld [smem:$0x3FA9]  }
0x2f: {  	lr =	sadd.s32 s0, s3;
	s0 =	sld [smem:$0x3FA0]  }
0x30: {  	s3 =	sld [smem:$0x3FA3]  }
0x31: {  	[smem:$0x3FAC] =	sst s10  }
0x32: {  	s10 =	sld [smem:$0x3FAA];
	_ =	sdelay $0x3  }
0x33: {  	p0 =	seq.s32 s10, $0x1;
	s10 =	sld [smem:$0x3FAC];
	_ =	sdelay $0x3  }
0x34: {  	[smem:$0x3FAC] =	sst s10  }
0x35: {  	s10 =	sld [smem:$0x3FAB];
	_ =	sdelay $0x3  }
0x36: {  	p1 =	seq.s32 s10, $0x1;
	s10 =	sld [smem:$0x3FAC];
	_ =	sdelay $0x3  }
0x37: {  	[smem:$0x3FAC] =	sst s10  }
0x38: {  	s10 =	sld [smem:$0x3FAD]  }
0x39: {  	_ = 	snop;
	(pc) =	sbr.ind lr, $3  }
0x3a: {  	_ = 	snop  }
0x3b: {  	_ = 	snop  }
0x3c: {  	p2 =	seq.s32 s10, $0x1;
	s10 =	sld [smem:$0x3FAC]  }
0x3d: {  	_ =	shalt  }
0x3e: {  	_ =	shalt  }
0x3f: {  	_ =	shalt  }
0x40: {  	_ =	shalt  }
0x41: {  	_ =	shalt  }
0x42: {  	_ =	shalt  }
0x43: {  	_ =	shalt  }
0x44: {  	_ =	shalt  }
0x45: {  	_ =	shalt  }
0x46: {  	_ =	shalt  }
0x47: {  	_ =	shalt  }
0x48: {  	_ =	shalt  }
0x49: {  	_ =	shalt  }
0x4a: {  	_ =	shalt  }
0x4b: {  	_ =	shalt  }
0x4c: {  	_ =	shalt  }
0x4d: {  	_ =	shalt  }
0x4e: {  	_ =	shalt  }
0x4f: {  	_ =	shalt  }
0x50: {  	_ =	shalt  }
0x51: {  	_ =	shalt  }
0x52: {  	_ =	shalt  }
0x53: {  	_ =	shalt  }
0x54: {  	_ =	shalt  }
0x55: {  	_ =	shalt  }
0x56: {  	_ =	shalt  }
0x57: {  	_ =	shalt  }
0x58: {  	_ =	shalt  }
0x59: {  	_ =	shalt  }
0x5a: {  	_ =	shalt  }
0x5b: {  	_ =	shalt  }
0x5c: {  	_ =	shalt  }
0x5d: {  	_ =	shalt  }
0x5e: {  	_ =	shalt  }
0x5f: {  	_ =	shalt  }
0x60: {  	_ =	shalt  }
0x61: {  	_ =	shalt  }
0x62: {  	_ =	shalt  }
0x63: {  	_ =	shalt  }
0x64: {  	_ =	shalt  }
0x65: {  	_ =	shalt  }
0x66: {  	_ =	shalt  }
0x67: {  	_ =	shalt  }
0x68: {  	_ =	shalt  }
0x69: {  	_ =	shalt  }
0x6a: {  	_ =	shalt  }
0x6b: {  	_ =	shalt  }
0x6c: {  	_ =	shalt  }
0x6d: {  	_ =	shalt  }
0x6e: {  	_ =	shalt  }
0x6f: {  	_ =	shalt  }
0x70: {  	_ =	shalt  }
0x71: {  	_ =	shalt  }
0x72: {  	_ =	shalt  }
0x73: {  	_ =	shalt  }
0x74: {  	_ =	shalt  }
0x75: {  	_ =	shalt  }
0x76: {  	_ =	shalt  }
0x77: {  	_ =	shalt  }
0x78: {  	_ =	shalt  }
0x79: {  	_ =	shalt  }
0x7a: {  	_ =	shalt  }
0x7b: {  	_ =	shalt  }
0x7c: {  	_ =	shalt  }
0x7d: {  	_ =	shalt  }
0x7e: {  	_ =	shalt  }
0x7f: {  	_ =	shalt  }
0x80: {  	_ =	shalt  }
0x81: {  	_ =	shalt  }
0x82: {  	_ =	shalt  }
0x83: {  	_ =	shalt  }
0x84: {  	_ =	shalt  }
0x85: {  	_ =	shalt  }
0x86: {  	_ =	shalt  }
0x87: {  	_ =	shalt  }
.Lfunc_end0:
.L_simem_size_0:
called_computation.2_lowered:
.L_overlay_start_0:
0x88: {  	s0 =	sld [smem:$0x3FD9]  }
0x89: {  	s1 =	sld [smem:$0x3FFE];
	_ =	sdelay $0x3  }
0x8a: {  	s0 =	sadd.s32 s1, s0  }
0x8b: {  	[smem:$0x3FB8] =	sst s0  }
0x8c: {  	_ = 	snop  }
0x8d: {  	(tm) =	ssettm $0x1  }
0x8e: {  	s15 =	sld [smem:$0x3FFB];
	_ =	sdelay $0x3  }
0x8f: {  	_ =	strace s15  }
0x90: {  	s0 =	sld [smem:$0x3FFC];
	_ =	sdelay $0x3  }
0x91: {  	_ =	strace s0  }
0x92: {  	s0 =	sld [smem:$0x3FFD];
	_ =	sdelay $0x3  }
0x93: {  	_ =	strace s0  }
0x94: {  	_ =	strace $0x8FFFFFFF  }
0x95: {  	s16 =	sld [smem:$0x3FDB];
	_ =	sdelay $0x1  }
0x96: {  	s17 =	simm.s32 $_scs_section_size  }
0x97: {  	s2 =	simm.s32 $_size__tile_overlayer_lowered;
	s3 =	simm.s32 $_tile_overlayer_lowered  }
0x98: {  	s20 =	simm.s32 $0x1BFF;
	s19 =	sshll.u32 s3, $0x1;
	s0 =	sadd.s32 s17, s16  }
0x99: {  	s4 =	simm.s32 $0x0;
	s18 =	sshll.u32 s2, $0x1;
	s2 =	sadd.s32 s19, s0  }
0x9a: {  	[timem:s4], [sflag:s20] =	dma.local [hbm:s2], s18  }
0x9b: {  	_ =	swait.ge [sflag:s20], s18  }
0x9c: {  	s1 =	ssub.s32 $0x0, s18;
	[sflag:s20] =	ssyncset.done $0x0  }
0x9d: {  	[sflag:s20] =	ssyncadd.s32 s1;
	_ =	sdelay $0x1  }
0x9e: {  	s21 =	simm.s32 $0x1B8B  }
0x9f: {  	_ =	swait.ge [sflag:s21], $0x1  }
0xa0: {  	[sflag:s21] =	ssyncset.done $0x0  }
0xa1: {  	s23 =	simm.s32 $0x1B8E;
	s22 =	sld [smem:$0x3FFE];
	[sflag:s21] =	ssyncadd.s32 $0xFFFFFFFF  }
0xa2: {  	s24 =	simm.s32 $execute0_lowered;
	[smem:$0x3FD2] =	sst s23  }
0xa3: {  	s2 =	sshll.u32 s24, $0x1;
	_ =	strace $0x8000004F;
	[dreg:$0x1] =	wrdreg $0xFFFFFFFF  }
0xa4: {  	s25 =	simm.s32 $_size_execute0_lowered;
	s0 =	sadd.s32 s0, s2;
	[dreg:$0x0] =	wrdreg $0x0  }
0xa5: {  	s2 =	sshll.u32 s25, $0x1;
	[dreg:$0x2] =	wrdreg s0  }
0xa6: {  	[dreg:$0x3] =	wrdreg s2  }
0xa7: {  	[dreg:$0x4] =	wrdreg $0xC0  }
0xa8: {  	_ =	task [dreg:s4], $0x5FFFF  }
0xa9: {  	[dreg:$0x1] =	wrdreg $0xFFFFFFFF  }
0xaa: {  	[dreg:$0x0] =	wrdreg $0x60  }
0xab: {  	[dreg:$0x2] =	wrdreg s22  }
0xac: {  	[dreg:$0x3] =	wrdreg $0x81000  }
0xad: {  	[dreg:$0x4] =	wrdreg $0x9  }
0xae: {  	_ =	task.clear_ibuf [dreg:s4], $0x5FFFF;
	_ =	strace $0x9000004F  }
0xaf: {  	s26 =	simm.s32 $0x9;
	_ =	strace $0x80000051  }
0xb0: {  	_ =	swait.ge [sflag:s26], $0x1  }
0xb1: {  	[sflag:s26] =	ssyncadd.s32 $0xFFFFFFFF  }
0xb2: {  	_ =	strace $0x90000051  }
0xb3: {  	_ =	sfence  }
0xb4: {  	s28 =	sld [smem:$0x0];
	_ =	sdelay $0x1  }
0xb5: {  	s29 =	srdreg.scid  }
0xb6: {  	s30 =	sshll.u32 s29, $0xD;
	s31 =	sshrl.u32 s29, $0x2  }
0xb7: {  	s1 =	sand.u32 $0x1, s29;
	s2 =	sand.u32 $0x4000, s30;
	s0 =	sadd.s32 s31, s28  }
0xb8: {  	s1 =	sor.u32 s2, s1;
	s0 =	sshll.u32 s0, $0x11  }
0xb9: {  	s0 =	sor.u32 s0, s1  }
0xba: {  	s0 =	sadd.s32 $0x8F2B, s0  }
0xbb: {  	[sflag:s0] =	ssyncadd.remote.s32 $0x1  }
0xbc: {  	_ =	sfence.sel $0xFFFF  }
0xbd: {  	[dreg:$0x0] =	wrdreg $0xFFFFFFFF;
	(pc) =	sbr.abs _section_cstart, $3  }
0xbe: {  	[dreg:$0x1] =	wrdreg $0xFFFFFFFF  }
0xbf: {  	_ =	task.clear_ibuf [dreg:s4], $0x2FFFF;
	_ =	strace $0x9FFFFFFF  }
0xc0: {  	(tm) =	ssettm $0x7FFFFFFF  }
0xc1: {  	_ =	shalt  }
tec
execute0_lowered:
.L_overlay_start_1:
0x0: {  	(tag) =	ssettag $0x1  }
0x1: {  	s1 =	rddreg [dreg:$0x0]  }
0x2: {  	s3 =	rddreg [dreg:$0x1]  }
0x3: {  	s0 =	rddreg [dreg:$0x2]  }
0x4: {  	s2 =	simm.s32 $0x0;
	s4 =	simm.s32 $0x0;
	s5 =	simm.s32 $0x200  }
0x5: {  	[smem:$0x7FF] =	sst s2;
	s6 =	sadd.s32 $0x2A7400, s1;
	s7 =	sadd.s32 $0x9200, s1  }
0x6: {  	v0 =	vimm.f32 $0.0e+00;
	s1 =	sadd.s32 $0x5E400, s1;
	s2 =	stileid.u32;
	_ =	strace $0x80000050  }
.LBB2_1:
0x7: {  	p0 =	sne.s32 s5, $0xFE00;
	[tilespmem:s4+$0x170] =	vst v0  }
0x8: {  	[tilespmem:s4+$0x100] =	vst v0  }
0x9: {  	[tilespmem:s4+$0x110] =	vst v0  }
.Ltmp0:
0xa: {  	[tilespmem:s4+$0x120] =	vst v0;
	(pc) =	sbr.rel @p0 .LBB2_1-.Ltmp0, $4  }
0xb: {  	[tilespmem:s4+$0x130] =	vst v0  }
0xc: {  	[tilespmem:s4+$0x140] =	vst v0  }
0xd: {  	[tilespmem:s4+$0x150] =	vst v0  }
0xe: {  	[tilespmem:s4+$0x160] =	vst v0;
	s4 =	sshra.s32 s5, $0x2;
	s5 =	sadd.s32 $0x200, s5  }
0xf: {  	[tilespmem:s4+$0x170] =	vst v0  }
0x10: {  	[tilespmem:s4+$0x100] =	vst v0  }
0x11: {  	[tilespmem:s4+$0x110] =	vst v0  }
0x12: {  	[tilespmem:s4+$0x120] =	vst v0  }
0x13: {  	[tilespmem:s4+$0x130] =	vst v0;
	s5 =	smul.u32 $0x50000, s2  }
0x14: {  	[tilespmem:s4+$0x140] =	vst v0  }
0x15: {  	[tilespmem:s4+$0x150] =	vst v0;
	s5 =	sshrl.u32 s5, $0x2  }
0x16: {  	[tilespmem:s4+$0x160] =	vst v0;
	s8 =	simm.s32 $0x7;
	s4 =	sadd.s32 s5, s3;
	s5 =	simm.s32 $0x100  }
0x17: {  	[spmem:s4] =	stream.linear.scatter [tilespmem:s5], [sflag:$0x7], $0x4000, $0x38;
	[tilespmem:$0x1C100] =	vst v63  }
0x18: {  	_ =	swait.ge [sflag:s8], $0x4000  }
0x19: {  	[sflag:s8] =	ssyncset.done $0x0  }
0x1a: {  	s9 =	sadd.s32 $0x4000, s4;
	[sflag:s8] =	ssyncadd.s32 $0xFFFFC000  }
0x1b: {  	[spmem:s9] =	stream.linear.scatter [tilespmem:s5], [sflag:$0x7], $0x4000, $0x38;
	[tilespmem:$0x1C100] =	vst v63  }
0x1c: {  	_ =	swait.ge [sflag:s8], $0x4000  }
0x1d: {  	[sflag:s8] =	ssyncset.done $0x0  }
0x1e: {  	s21 =	sadd.s32 $0x8000, s4;
	[sflag:s8] =	ssyncadd.s32 $0xFFFFC000  }
0x1f: {  	[spmem:s21] =	stream.linear.scatter [tilespmem:s5], [sflag:$0x7], $0x4000, $0x38;
	[tilespmem:$0x1C100] =	vst v63  }
0x20: {  	_ =	swait.ge [sflag:s8], $0x4000  }
0x21: {  	[sflag:s8] =	ssyncset.done $0x0  }
0x22: {  	s22 =	sadd.s32 $0xC000, s4;
	[sflag:s8] =	ssyncadd.s32 $0xFFFFC000  }
0x23: {  	[spmem:s22] =	stream.linear.scatter [tilespmem:s5], [sflag:$0x7], $0x4000, $0x38;
	[tilespmem:$0x1C100] =	vst v63  }
0x24: {  	_ =	swait.ge [sflag:s8], $0x4000  }
0x25: {  	[sflag:s8] =	ssyncset.done $0x0  }
0x26: {  	s23 =	sadd.s32 $0x10000, s4;
	[sflag:s8] =	ssyncadd.s32 $0xFFFFC000  }
0x27: {  	[spmem:s23] =	stream.linear.scatter [tilespmem:s5], [sflag:$0x7], $0x4000, $0x38;
	[tilespmem:$0x1C100] =	vst v63  }
0x28: {  	_ =	swait.ge [sflag:s8], $0x4000  }
0x29: {  	s24 =	sshll.u32 s2, $0x4;
	[sflag:s8] =	ssyncset.done $0x0  }
0x2a: {  	s25 =	sshll.u32 s2, $0xB;
	s10 =	sor.u32 $0x10, s2;
	[sflag:s8] =	ssyncadd.s32 $0xFFFFC000  }
0x2b: {  	s15 =	sadd.s32 s7, s24;
	s8 =	simm.s32 $0x0;
	[bflag:$0x0] =	sbarrier.arrive $0xFFFF  }
0x2c: {  	[tilespmem:s8], [sflag:$0x1] =	stream.linear.gather [hbm4b:s15+s8], $0x80, $0x38;
	[tilespmem:$0x1C100] =	vst v63  }
0x2d: {  	s14 =	sadd.s32 s6, s25;
	s26 =	sshll.u32 s10, $0x4  }
0x2e: {  	[tilespmem:s5], [sflag:$0x3] =	stream.linear.gather [hbm4b:s14+s8], $0x4000, $0x38;
	[tilespmem:$0x1C100] =	vst v63  }
0x2f: {  	s10 =	sshll.u32 s10, $0xB;
	s11 =	sadd.s32 s7, s26;
	s9 =	simm.s32 $0x80  }
0x30: {  	[tilespmem:s9], [sflag:$0x2] =	stream.linear.gather [hbm4b:s11+s8], $0x80, $0x38;
	[tilespmem:$0x1C100] =	vst v63  }
0x31: {  	s28 =	sadd.s32 s6, s10;
	s10 =	simm.s32 $0x4100;
	s11 =	simm.s32 $0x1  }
0x32: {  	[tilespmem:s10], [sflag:$0x4] =	stream.linear.gather [hbm4b:s28+s8], $0x4000, $0x38;
	[tilespmem:$0x1C100] =	vst v63  }
0x33: {  	_ =	swait.ge [sflag:s11], $0x80  }
0x34: {  	[sflag:s11] =	ssyncset.done $0x0  }
0x35: {  	s12 =	simm.s32 $0x3;
	[sflag:s11] =	ssyncadd.s32 $0xFFFFFF80  }
0x36: {  	_ =	swait.ge [sflag:s12], $0x4000  }
0x37: {  	[sflag:s12] =	ssyncset.done $0x0  }
0x38: {  	s13 =	simm.s32 $0x5;
	[sflag:s12] =	ssyncadd.s32 $0xFFFFC000  }
0x39: {  	[spmem:s3] =	stream.indirect.scatter.add.f32 [tilespmem:s5], [sflag:$0x5], $0x80, s8, s9, $0xb8;
	[tilespmem:$0x1C100] =	vst v63  }
0x3a: {  	s16 =	sor.u32 $0x20, s2;
	_ =	swait.ge [sflag:s13], $0x4000  }
0x3b: {  	s17 =	sshll.u32 s16, $0x4;
	[sflag:s13] =	ssyncset.done $0x0  }
0x3c: {  	s30 =	sshll.u32 s16, $0xB;
	s29 =	sadd.s32 s7, s17;
	[sflag:s13] =	ssyncadd.s32 $0xFFFFC000  }
0x3d: {  	[tilespmem:s8], [sflag:$0x1] =	stream.linear.gather [hbm4b:s29+s8], $0x80, $0x38;
	[tilespmem:$0x1C100] =	vst v63  }
0x3e: {  	s31 =	sadd.s32 s6, s30;
	s6 =	simm.s32 $0x2  }
0x3f: {  	[tilespmem:s5], [sflag:$0x3] =	stream.linear.gather [hbm4b:s31+s8], $0x4000, $0x38;
	[tilespmem:$0x1C100] =	vst v63  }
0x40: {  	_ =	swait.ge [sflag:s6], $0x80  }
0x41: {  	[sflag:s6] =	ssyncset.done $0x0  }
.Ltmp1:
0x42: {  	s7 =	simm.s32 $0x4;
	[sflag:s6] =	ssyncadd.s32 $0xFFFFFF80;
	(pc) =	sbr.rel .LBB2_3-.Ltmp1, $4  }
0x43: {  	_ =	swait.ge [sflag:s7], $0x4000  }
0x44: {  	s16 =	simm.s32 $0x6;
	s17 =	simm.s32 $0x0;
	[sflag:s7] =	ssyncset.done $0x0  }
0x45: {  	s15 =	sadd.s32 $0x300, s15;
	s14 =	sadd.s32 $0x18000, s14;
	[sflag:s7] =	ssyncadd.s32 $0xFFFFC000  }
0x46: {  	[spmem:s3] =	stream.indirect.scatter.add.f32 [tilespmem:s10], [sflag:$0x6], $0x80, s9, s9, $0xb8;
	[tilespmem:$0x1C100] =	vst v63  }
.LBB2_4:
0x47: {  	s18 =	sadd.s32 $0x100, s15  }
0x48: {  	[tilespmem:s8], [sflag:$0x1] =	stream.linear.gather [hbm4b:s18+s8], $0x80, $0x38;
	[tilespmem:$0x1C100] =	vst v63  }
0x49: {  	s31 =	sadd.s32 $0x8000, s14  }
0x4a: {  	[tilespmem:s5], [sflag:$0x3] =	stream.linear.gather [hbm4b:s31+s8], $0x4000, $0x38;
	[tilespmem:$0x1C100] =	vst v63  }
.LBB2_6:
0x4b: {  	_ =	swait.ge [sflag:s6], $0x80  }
0x4c: {  	[sflag:s6] =	ssyncset.done $0x0  }
0x4d: {  	[sflag:s6] =	ssyncadd.s32 $0xFFFFFF80  }
0x4e: {  	_ =	swait.ge [sflag:s7], $0x4000  }
0x4f: {  	[sflag:s7] =	ssyncset.done $0x0  }
0x50: {  	[sflag:s7] =	ssyncadd.s32 $0xFFFFC000  }
0x51: {  	[spmem:s3] =	stream.indirect.scatter.add.f32 [tilespmem:s10], [sflag:$0x6], $0x80, s9, s9, $0xb8;
	[tilespmem:$0x1C100] =	vst v63  }
.LBB2_7:
0x52: {  	s17 =	sadd.s32 $0x20, s17  }
0x53: {  	p0 =	sne.s32 s17, $0x260  }
.Ltmp2:
0x54: {  	_ = 	snop;
	(pc) =	sbr.rel @!p0 .LBB2_8-.Ltmp2, $2  }
0x55: {  	_ =	sdelay $0x2  }
0x56: {  	s14 =	sadd.s32 $0x10000, s14;
	s15 =	sadd.s32 $0x200, s15  }
.LBB2_3:
0x57: {  	s18 =	sadd.s32 s17, s2  }
0x58: {  	_ =	swait.ge [sflag:s16], $0x4000;
	s19 =	sadd.s32 $0x30, s18  }
0x59: {  	[sflag:s16] =	ssyncset.done $0x0;
	p0 =	sgt.u32 s19, $0x270  }
0x5a: {  	[sflag:s16] =	ssyncadd.s32 $0xFFFFC000;
	s19 =	simm.s32 @!p0 $0x0;
	s20 =	simm.s32 @!p0 $0x80  }
0x5b: {  	[tilespmem:s20], [sflag:$0x2] =	stream.linear.gather @!p0 [hbm4b:s15+s19], $0x80, $0x38;
	[tilespmem:$0x1C100] =	vst v63  }
0x5c: {  	s20 =	simm.s32 @!p0 $0x4100  }
0x5d: {  	[tilespmem:s20], [sflag:$0x4] =	stream.linear.gather @!p0 [hbm4b:s14+s19], $0x4000, $0x38;
	[tilespmem:$0x1C100] =	vst v63  }
0x5e: {  	_ =	swait.ge [sflag:s11], $0x80  }
0x5f: {  	[sflag:s11] =	ssyncset.done $0x0  }
0x60: {  	s18 =	sadd.s32 $0x40, s18;
	[sflag:s11] =	ssyncadd.s32 $0xFFFFFF80  }
0x61: {  	p1 =	sgt.u32 @!p0 s18, $0x270;
	_ =	swait.ge [sflag:s12], $0x4000  }
0x62: {  	p1 =	por p0, p1;
	[sflag:s12] =	ssyncset.done $0x0  }
.Ltmp3:
0x63: {  	[sflag:s12] =	ssyncadd.s32 $0xFFFFC000;
	(pc) =	sbr.rel @!p1 .LBB2_4-.Ltmp3, $4  }
0x64: {  	[spmem:s3] =	stream.indirect.scatter.add.f32 [tilespmem:s5], [sflag:$0x5], $0x80, s8, s9, $0xb8;
	[tilespmem:$0x1C100] =	vst v63  }
0x65: {  	_ =	swait.ge [sflag:s13], $0x4000  }
0x66: {  	[sflag:s13] =	ssyncset.done $0x0  }
0x67: {  	[sflag:s13] =	ssyncadd.s32 $0xFFFFC000  }
.Ltmp4:
0x68: {  	(pc) =	sbr.rel @p0 .LBB2_7-.Ltmp4, $4  }
.Ltmp5:
0x69: {  	(pc) =	sbr.rel @!p0 .LBB2_6-.Ltmp5, $4  }
0x6a: {  	_ = 	snop  }
0x6b: {  	_ = 	snop  }
0x6c: {  	_ = 	snop  }
0x6d: {  	_ = 	snop  }
.LBB2_8:
0x6e: {  	p0 =	sne.s32 s2, $0x0  }
0x6f: {  	s3 =	simm.s32 @!p0 $0x6  }
0x70: {  	_ =	swait.ge @!p0 [sflag:s3], $0x4000  }
0x71: {  	s5 =	smul.u32 $0x2800, s2;
	s29 =	sshll.u32 s2, $0x6;
	[sflag:s3] =	ssyncset.done @!p0 $0x0  }
0x72: {  	s30 =	sshrl.u32 s4, $0x3;
	s31 =	simm.s32 $0x7;
	[sflag:s3] =	ssyncadd.s32 @!p0 $0xFFFFC000  }
0x73: {  	s2 =	sor.u32 $0x1C07, s29;
	s1 =	sadd.s32 s1, s5;
	[bflag:$0x0] =	sbarrier.arrive $0xFFFF  }
0x74: {  	[hbm:s1], [sflag:s2] =	dma.local [spmem:s30], $0x2800  }
0x75: {  	_ =	swait.ge [sflag:s31], $0x2800  }
0x76: {  	[sflag:s31] =	ssyncset.done $0x0  }
0x77: {  	[sflag:s31] =	ssyncadd.s32 $0xFFFFD800  }
0x78: {  	_ =	sfence.sel $0x180000  }
0x79: {  	[bflag:$0x0] =	sbarrier.arrive $0xFFFF  }
0x7a: {  	_ =	strace $0x90000050  }
0x7b: {  	s0 =	sadd.s32 @!p0 $0x100000, s0;
	[bflag:$0x2] =	sbarrier.arrive $0xFFFF  }
0x7c: {  	[sflag:s0] =	ssyncadd.tile.s32 @!p0 $0x1;
	_ =	shalt  }
.Lfunc_end2:
_tile_overlayer_lowered:
.L_overlay_start_2:
0x7d: {  	(tag) =	ssettag $0x2  }
0x7e: {  	s0 =	rddreg [dreg:$0x0];
	s2 =	stileid.u32  }
0x7f: {  	s1 =	rddreg [dreg:$0x1];
	p0 =	sne.s32 s2, $0x0  }
0x80: {  	s3 =	rddreg [dreg:$0x2];
	[bflag:$0x3] =	sbarrier.arrive $0xFFFF;
	s2 =	simm.s32 @!p0 $0x1C07  }
0x81: {  	[timem:s3], [sflag:s2] =	dma.local @!p0 [hbm:s0], s1  }
0x82: {  	s0 =	simm.s32 @!p0 $0x7  }
0x83: {  	_ =	swait.ge @!p0 [sflag:s0], s1  }
0x84: {  	s1 =	ssub.s32 @!p0 $0x0, s1;
	[sflag:s0] =	ssyncset.done @!p0 $0x0  }
0x85: {  	[sflag:s0] =	ssyncadd.s32 @!p0 s1  }
0x86: {  	[bflag:$0x3] =	sbarrier.arrive $0xFFFF  }
0x87: {  	_ =	shalt  }

// kernel: kernel.19.cloned.1.call-start
scs
__scs_entry_jumppad:
0x0: {  	(pc) =	sbr.rel $0x88, $3  }
0x1: {  	(tag) =	ssettag $0x0;
	lr =	simm.s32 $0x1  }
0x2: {  	[smem:$0x3F91] =	sst lr;
	_ =	strace $0xD0000000  }
0x3: {  	_ = 	snop  }
0x4: {  	_ = 	snop  }
0x5: {  	_ = 	snop  }
0x6: {  	_ = 	snop  }
0x7: {  	_ = 	snop  }
__scs_overlays_trampoline_lowered:
0x8: {  	[smem:$0x3FA0] =	sst s0  }
0x9: {  	[smem:$0x3FA1] =	sst s1  }
0xa: {  	[smem:$0x3FA2] =	sst s2  }
0xb: {  	[smem:$0x3FA3] =	sst s3  }
0xc: {  	[smem:$0x3FA4] =	sst s4  }
0xd: {  	[smem:$0x3FA5] =	sst s5  }
0xe: {  	[smem:$0x3FA6] =	sst s6  }
0xf: {  	[smem:$0x3FA7] =	sst s7  }
0x10: {  	[smem:$0x3FA8] =	sst s8  }
0x11: {  	[smem:$0x3FA9] =	sst s9;
	s0 =	simm.s32 @!p0 $0x0  }
0x12: {  	s1 =	sld [smem:$0x3F8F];
	s0 =	simm.s32 @p0 $0x1  }
0x13: {  	[smem:$0x3FAA] =	sst s0;
	s0 =	simm.s32 @!p1 $0x0  }
0x14: {  	s2 =	sld [smem:$0x3F8E];
	s0 =	simm.s32 @p1 $0x1  }
0x15: {  	[smem:$0x3FAB] =	sst s0;
	s0 =	simm.s32 @!p2 $0x0  }
0x16: {  	s3 =	sld [smem:$0x3FDB];
	s0 =	simm.s32 @p2 $0x1  }
0x17: {  	s4 =	simm.s32 $0x1BF5;
	[smem:$0x3FAD] =	sst s0  }
0x18: {  	s0 =	sld [smem:$0x3F90];
	_ =	swait.ge [sflag:s4], $0x0  }
0x19: {  	s7 =	sld [smem:$0x3F91]  }
0x1a: {  	s8 =	sadd.s32 $0xFFFFE003, lr  }
0x1b: {  	s9 =	sadd.s32 $0xFFFFFEF7, lr;
	s5 =	simm.s32 $0xFFFFFFFF;
	p2 =	slt.u32 s8, $0xFFFFF086  }
0x1c: {  	p1 =	slt.u32 s9, $0xF7A;
	s5 =	simm.s32 @!p2 $0x0  }
0x1d: {  	s5 =	simm.s32 @p1 $0x1;
	p0 =	seq.s32 s7, s2  }
0x1e: {  	s7 =	smul.u32 @!p0 $0xF7A, s2;
	p2 =	seq.s32 @!p0 s5, $0x0  }
0x1f: {  	s9 =	smul.u32 $0xF7A, s1;
	s8 =	simm.s32 @!p0 $0x1BF5;
	p2 =	por !p2, p0  }
0x20: {  	[sflag:s8] =	ssyncset.s32 @!p0 $0xFFFFF086;
	s6 =	sadd.s32 @!p0 s3, s7;
	s7 =	simm.s32 @!p0 $0x108  }
0x21: {  	s3 =	sadd.s32 s3, s9;
	s6 =	sadd.s32 @!p0 $0x88, s6;
	s7 =	simm.s32 @p2 $0x1082  }
0x22: {  	[simem:s7], [sflag:s8] =	dma.local @!p0 [hbm:s6], $0xF7A  }
0x23: {  	s9 =	sor.u32 $0xD0000000, s2;
	s6 =	simm.s32 $0x108;
	_ =	swait.ge @!p0 [sflag:s8], $0x0  }
0x24: {  	s3 =	sadd.s32 $0x88, s3;
	s6 =	simm.s32 @!p1 $0x1082;
	[sflag:s4] =	ssyncset.s32 $0xFFFFF086  }
0x25: {  	[simem:s6], [sflag:s4] =	dma.local [hbm:s3], $0xF7A  }
0x26: {  	[smem:$0x3F91] =	sst s1;
	(tag) =	ssettag s2;
	_ =	strace s9  }
0x27: {  	s1 =	sld [smem:$0x3FA1]  }
0x28: {  	s2 =	sld [smem:$0x3FA2]  }
0x29: {  	s4 =	sld [smem:$0x3FA4]  }
0x2a: {  	p0 =	seq.s32 s5, $0x0;
	s5 =	sld [smem:$0x3FA5]  }
0x2b: {  	s6 =	sld [smem:$0x3FA6]  }
0x2c: {  	s7 =	sld [smem:$0x3FA7]  }
0x2d: {  	s3 =	simm.s32 $0x108;
	s8 =	sld [smem:$0x3FA8]  }
0x2e: {  	s3 =	simm.s32 @!p0 $0x1082;
	s9 =	sld [smem:$0x3FA9]  }
0x2f: {  	lr =	sadd.s32 s0, s3;
	s0 =	sld [smem:$0x3FA0]  }
0x30: {  	s3 =	sld [smem:$0x3FA3]  }
0x31: {  	[smem:$0x3FAC] =	sst s10  }
0x32: {  	s10 =	sld [smem:$0x3FAA];
	_ =	sdelay $0x3  }
0x33: {  	p0 =	seq.s32 s10, $0x1;
	s10 =	sld [smem:$0x3FAC];
	_ =	sdelay $0x3  }
0x34: {  	[smem:$0x3FAC] =	sst s10  }
0x35: {  	s10 =	sld [smem:$0x3FAB];
	_ =	sdelay $0x3  }
0x36: {  	p1 =	seq.s32 s10, $0x1;
	s10 =	sld [smem:$0x3FAC];
	_ =	sdelay $0x3  }
0x37: {  	[smem:$0x3FAC] =	sst s10  }
0x38: {  	s10 =	sld [smem:$0x3FAD]  }
0x39: {  	_ = 	snop;
	(pc) =	sbr.ind lr, $3  }
0x3a: {  	_ = 	snop  }
0x3b: {  	_ = 	snop  }
0x3c: {  	p2 =	seq.s32 s10, $0x1;
	s10 =	sld [smem:$0x3FAC]  }
0x3d: {  	_ =	shalt  }
0x3e: {  	_ =	shalt  }
0x3f: {  	_ =	shalt  }
0x40: {  	_ =	shalt  }
0x41: {  	_ =	shalt  }
0x42: {  	_ =	shalt  }
0x43: {  	_ =	shalt  }
0x44: {  	_ =	shalt  }
0x45: {  	_ =	shalt  }
0x46: {  	_ =	shalt  }
0x47: {  	_ =	shalt  }
0x48: {  	_ =	shalt  }
0x49: {  	_ =	shalt  }
0x4a: {  	_ =	shalt  }
0x4b: {  	_ =	shalt  }
0x4c: {  	_ =	shalt  }
0x4d: {  	_ =	shalt  }
0x4e: {  	_ =	shalt  }
0x4f: {  	_ =	shalt  }
0x50: {  	_ =	shalt  }
0x51: {  	_ =	shalt  }
0x52: {  	_ =	shalt  }
0x53: {  	_ =	shalt  }
0x54: {  	_ =	shalt  }
0x55: {  	_ =	shalt  }
0x56: {  	_ =	shalt  }
0x57: {  	_ =	shalt  }
0x58: {  	_ =	shalt  }
0x59: {  	_ =	shalt  }
0x5a: {  	_ =	shalt  }
0x5b: {  	_ =	shalt  }
0x5c: {  	_ =	shalt  }
0x5d: {  	_ =	shalt  }
0x5e: {  	_ =	shalt  }
0x5f: {  	_ =	shalt  }
0x60: {  	_ =	shalt  }
0x61: {  	_ =	shalt  }
0x62: {  	_ =	shalt  }
0x63: {  	_ =	shalt  }
0x64: {  	_ =	shalt  }
0x65: {  	_ =	shalt  }
0x66: {  	_ =	shalt  }
0x67: {  	_ =	shalt  }
0x68: {  	_ =	shalt  }
0x69: {  	_ =	shalt  }
0x6a: {  	_ =	shalt  }
0x6b: {  	_ =	shalt  }
0x6c: {  	_ =	shalt  }
0x6d: {  	_ =	shalt  }
0x6e: {  	_ =	shalt  }
0x6f: {  	_ =	shalt  }
0x70: {  	_ =	shalt  }
0x71: {  	_ =	shalt  }
0x72: {  	_ =	shalt  }
0x73: {  	_ =	shalt  }
0x74: {  	_ =	shalt  }
0x75: {  	_ =	shalt  }
0x76: {  	_ =	shalt  }
0x77: {  	_ =	shalt  }
0x78: {  	_ =	shalt  }
0x79: {  	_ =	shalt  }
0x7a: {  	_ =	shalt  }
0x7b: {  	_ =	shalt  }
0x7c: {  	_ =	shalt  }
0x7d: {  	_ =	shalt  }
0x7e: {  	_ =	shalt  }
0x7f: {  	_ =	shalt  }
0x80: {  	_ =	shalt  }
0x81: {  	_ =	shalt  }
0x82: {  	_ =	shalt  }
0x83: {  	_ =	shalt  }
0x84: {  	_ =	shalt  }
0x85: {  	_ =	shalt  }
0x86: {  	_ =	shalt  }
0x87: {  	_ =	shalt  }
.Lfunc_end0:
.L_simem_size_0:
called_computation.3_lowered:
.L_overlay_start_0:
0x88: {  	s0 =	sld [smem:$0x3FD9]  }
0x89: {  	s1 =	sld [smem:$0x3FFE];
	_ =	sdelay $0x3  }
0x8a: {  	s0 =	sadd.s32 s1, s0  }
0x8b: {  	[smem:$0x3FB8] =	sst s0  }
0x8c: {  	_ = 	snop  }
0x8d: {  	(tm) =	ssettm $0x1  }
0x8e: {  	s15 =	sld [smem:$0x3FFB];
	_ =	sdelay $0x3  }
0x8f: {  	_ =	strace s15  }
0x90: {  	s0 =	sld [smem:$0x3FFC];
	_ =	sdelay $0x3  }
0x91: {  	_ =	strace s0  }
0x92: {  	s0 =	sld [smem:$0x3FFD];
	_ =	sdelay $0x3  }
0x93: {  	_ =	strace s0  }
0x94: {  	_ =	strace $0x8FFFFFFF  }
0x95: {  	s16 =	sld [smem:$0x3FDB];
	_ =	sdelay $0x1  }
0x96: {  	s17 =	simm.s32 $_scs_section_size  }
0x97: {  	s2 =	simm.s32 $_size__tile_overlayer_lowered;
	s3 =	simm.s32 $_tile_overlayer_lowered  }
0x98: {  	s20 =	simm.s32 $0x1BFF;
	s19 =	sshll.u32 s3, $0x1;
	s0 =	sadd.s32 s17, s16  }
0x99: {  	s4 =	simm.s32 $0x0;
	s18 =	sshll.u32 s2, $0x1;
	s2 =	sadd.s32 s19, s0  }
0x9a: {  	[timem:s4], [sflag:s20] =	dma.local [hbm:s2], s18  }
0x9b: {  	_ =	swait.ge [sflag:s20], s18  }
0x9c: {  	s1 =	ssub.s32 $0x0, s18;
	[sflag:s20] =	ssyncset.done $0x0  }
0x9d: {  	[sflag:s20] =	ssyncadd.s32 s1;
	_ =	sdelay $0x1  }
0x9e: {  	s21 =	simm.s32 $0x1B8B  }
0x9f: {  	_ =	swait.ge [sflag:s21], $0x1  }
0xa0: {  	[sflag:s21] =	ssyncset.done $0x0  }
0xa1: {  	s23 =	simm.s32 $0x1B8E;
	s22 =	sld [smem:$0x3FFE];
	[sflag:s21] =	ssyncadd.s32 $0xFFFFFFFF  }
0xa2: {  	s24 =	simm.s32 $execute0_lowered;
	[smem:$0x3FD2] =	sst s23  }
0xa3: {  	s2 =	sshll.u32 s24, $0x1;
	_ =	strace $0x8000004C;
	[dreg:$0x1] =	wrdreg $0xFFFFFFFF  }
0xa4: {  	s25 =	simm.s32 $_size_execute0_lowered;
	s0 =	sadd.s32 s0, s2;
	[dreg:$0x0] =	wrdreg $0x0  }
0xa5: {  	s2 =	sshll.u32 s25, $0x1;
	[dreg:$0x2] =	wrdreg s0  }
0xa6: {  	[dreg:$0x3] =	wrdreg s2  }
0xa7: {  	[dreg:$0x4] =	wrdreg $0xC0  }
0xa8: {  	_ =	task [dreg:s4], $0x5FFFF  }
0xa9: {  	[dreg:$0x1] =	wrdreg $0xFFFFFFFF  }
0xaa: {  	[dreg:$0x0] =	wrdreg $0x60  }
0xab: {  	[dreg:$0x2] =	wrdreg s22  }
0xac: {  	[dreg:$0x3] =	wrdreg $0x81000  }
0xad: {  	[dreg:$0x4] =	wrdreg $0xA  }
0xae: {  	_ =	task.clear_ibuf [dreg:s4], $0x5FFFF;
	_ =	strace $0x9000004C  }
0xaf: {  	s26 =	simm.s32 $0xA;
	_ =	strace $0x8000004E  }
0xb0: {  	_ =	swait.ge [sflag:s26], $0x1  }
0xb1: {  	[sflag:s26] =	ssyncadd.s32 $0xFFFFFFFF  }
0xb2: {  	_ =	strace $0x9000004E  }
0xb3: {  	_ =	sfence  }
0xb4: {  	s28 =	sld [smem:$0x0];
	_ =	sdelay $0x1  }
0xb5: {  	s29 =	srdreg.scid  }
0xb6: {  	s30 =	sshll.u32 s29, $0xD;
	s31 =	sshrl.u32 s29, $0x2  }
0xb7: {  	s1 =	sand.u32 $0x1, s29;
	s2 =	sand.u32 $0x4000, s30;
	s0 =	sadd.s32 s31, s28  }
0xb8: {  	s1 =	sor.u32 s2, s1;
	s0 =	sshll.u32 s0, $0x11  }
0xb9: {  	s0 =	sor.u32 s0, s1  }
0xba: {  	s0 =	sadd.s32 $0x8F2B, s0  }
0xbb: {  	[sflag:s0] =	ssyncadd.remote.s32 $0x1  }
0xbc: {  	_ =	sfence.sel $0xFFFF  }
0xbd: {  	[dreg:$0x0] =	wrdreg $0xFFFFFFFF;
	(pc) =	sbr.abs _section_cstart, $3  }
0xbe: {  	[dreg:$0x1] =	wrdreg $0xFFFFFFFF  }
0xbf: {  	_ =	task.clear_ibuf [dreg:s4], $0x2FFFF;
	_ =	strace $0x9FFFFFFF  }
0xc0: {  	(tm) =	ssettm $0x7FFFFFFF  }
0xc1: {  	_ =	shalt  }
tec
execute0_lowered:
.L_overlay_start_1:
0x0: {  	(tag) =	ssettag $0x1  }
0x1: {  	s1 =	rddreg [dreg:$0x0]  }
0x2: {  	s3 =	rddreg [dreg:$0x1]  }
0x3: {  	s0 =	rddreg [dreg:$0x2]  }
0x4: {  	s2 =	simm.s32 $0x0;
	s4 =	simm.s32 $0x0;
	s5 =	simm.s32 $0x200  }
0x5: {  	[smem:$0x7FF] =	sst s2;
	s7 =	sadd.s32 $0x16EC00, s1;
	s6 =	sadd.s32 $0x9200, s1  }
0x6: {  	v0 =	vimm.f32 $0.0e+00;
	s1 =	sadd.s32 $0x36400, s1;
	s2 =	stileid.u32;
	_ =	strace $0x8000004D  }
.LBB2_1:
0x7: {  	p0 =	sne.s32 s5, $0xFE00;
	[tilespmem:s4+$0x170] =	vst v0  }
0x8: {  	[tilespmem:s4+$0x100] =	vst v0  }
0x9: {  	[tilespmem:s4+$0x110] =	vst v0  }
.Ltmp0:
0xa: {  	[tilespmem:s4+$0x120] =	vst v0;
	(pc) =	sbr.rel @p0 .LBB2_1-.Ltmp0, $4  }
0xb: {  	[tilespmem:s4+$0x130] =	vst v0  }
0xc: {  	[tilespmem:s4+$0x140] =	vst v0  }
0xd: {  	[tilespmem:s4+$0x150] =	vst v0  }
0xe: {  	[tilespmem:s4+$0x160] =	vst v0;
	s4 =	sshra.s32 s5, $0x2;
	s5 =	sadd.s32 $0x200, s5  }
0xf: {  	[tilespmem:s4+$0x170] =	vst v0  }
0x10: {  	[tilespmem:s4+$0x100] =	vst v0  }
0x11: {  	[tilespmem:s4+$0x110] =	vst v0  }
0x12: {  	[tilespmem:s4+$0x120] =	vst v0  }
0x13: {  	[tilespmem:s4+$0x130] =	vst v0;
	s5 =	smul.u32 $0x50000, s2  }
0x14: {  	[tilespmem:s4+$0x140] =	vst v0  }
0x15: {  	[tilespmem:s4+$0x150] =	vst v0;
	s5 =	sshrl.u32 s5, $0x2  }
0x16: {  	[tilespmem:s4+$0x160] =	vst v0;
	s8 =	simm.s32 $0x7;
	s4 =	sadd.s32 s5, s3;
	s5 =	simm.s32 $0x100  }
0x17: {  	[spmem:s4] =	stream.linear.scatter [tilespmem:s5], [sflag:$0x7], $0x4000, $0x38;
	[tilespmem:$0x1C100] =	vst v63  }
0x18: {  	_ =	swait.ge [sflag:s8], $0x4000  }
0x19: {  	[sflag:s8] =	ssyncset.done $0x0  }
0x1a: {  	s9 =	sadd.s32 $0x4000, s4;
	[sflag:s8] =	ssyncadd.s32 $0xFFFFC000  }
0x1b: {  	[spmem:s9] =	stream.linear.scatter [tilespmem:s5], [sflag:$0x7], $0x4000, $0x38;
	[tilespmem:$0x1C100] =	vst v63  }
0x1c: {  	_ =	swait.ge [sflag:s8], $0x4000  }
0x1d: {  	[sflag:s8] =	ssyncset.done $0x0  }
0x1e: {  	s21 =	sadd.s32 $0x8000, s4;
	[sflag:s8] =	ssyncadd.s32 $0xFFFFC000  }
0x1f: {  	[spmem:s21] =	stream.linear.scatter [tilespmem:s5], [sflag:$0x7], $0x4000, $0x38;
	[tilespmem:$0x1C100] =	vst v63  }
0x20: {  	_ =	swait.ge [sflag:s8], $0x4000  }
0x21: {  	[sflag:s8] =	ssyncset.done $0x0  }
0x22: {  	s22 =	sadd.s32 $0xC000, s4;
	[sflag:s8] =	ssyncadd.s32 $0xFFFFC000  }
0x23: {  	[spmem:s22] =	stream.linear.scatter [tilespmem:s5], [sflag:$0x7], $0x4000, $0x38;
	[tilespmem:$0x1C100] =	vst v63  }
0x24: {  	_ =	swait.ge [sflag:s8], $0x4000  }
0x25: {  	[sflag:s8] =	ssyncset.done $0x0  }
0x26: {  	s23 =	sadd.s32 $0x10000, s4;
	[sflag:s8] =	ssyncadd.s32 $0xFFFFC000  }
0x27: {  	[spmem:s23] =	stream.linear.scatter [tilespmem:s5], [sflag:$0x7], $0x4000, $0x38;
	[tilespmem:$0x1C100] =	vst v63  }
0x28: {  	_ =	swait.ge [sflag:s8], $0x4000  }
0x29: {  	s16 =	sshll.u32 s2, $0x4;
	s14 =	sadd.s32 $0x2710, s6;
	[sflag:s8] =	ssyncset.done $0x0  }
0x2a: {  	s10 =	sshll.u32 s2, $0xB;
	s25 =	sor.u32 $0x10, s2;
	[sflag:s8] =	ssyncadd.s32 $0xFFFFC000  }
0x2b: {  	s24 =	sadd.s32 s16, s14;
	s8 =	simm.s32 $0x0;
	[bflag:$0x0] =	sbarrier.arrive $0xFFFF  }
0x2c: {  	[tilespmem:s8], [sflag:$0x1] =	stream.linear.gather [hbm4b:s24+s8], $0x80, $0x38;
	[tilespmem:$0x1C100] =	vst v63  }
0x2d: {  	s15 =	sadd.s32 s7, s10;
	s26 =	sshll.u32 s25, $0x4  }
0x2e: {  	[tilespmem:s5], [sflag:$0x3] =	stream.linear.gather [hbm4b:s15+s8], $0x4000, $0x38;
	[tilespmem:$0x1C100] =	vst v63  }
0x2f: {  	s10 =	sshll.u32 s25, $0xB;
	s11 =	sadd.s32 s26, s14;
	s9 =	simm.s32 $0x80  }
0x30: {  	[tilespmem:s9], [sflag:$0x2] =	stream.linear.gather [hbm4b:s11+s8], $0x80, $0x38;
	[tilespmem:$0x1C100] =	vst v63  }
0x31: {  	s28 =	sadd.s32 s7, s10;
	s10 =	simm.s32 $0x4100;
	s11 =	simm.s32 $0x1  }
0x32: {  	[tilespmem:s10], [sflag:$0x4] =	stream.linear.gather [hbm4b:s28+s8], $0x4000, $0x38;
	[tilespmem:$0x1C100] =	vst v63  }
0x33: {  	_ =	swait.ge [sflag:s11], $0x80  }
0x34: {  	[sflag:s11] =	ssyncset.done $0x0  }
0x35: {  	s12 =	simm.s32 $0x3;
	[sflag:s11] =	ssyncadd.s32 $0xFFFFFF80  }
0x36: {  	_ =	swait.ge [sflag:s12], $0x4000  }
0x37: {  	[sflag:s12] =	ssyncset.done $0x0  }
0x38: {  	s13 =	simm.s32 $0x5;
	[sflag:s12] =	ssyncadd.s32 $0xFFFFC000  }
0x39: {  	[spmem:s3] =	stream.indirect.scatter.add.f32 [tilespmem:s5], [sflag:$0x5], $0x80, s8, s9, $0xb8;
	[tilespmem:$0x1C100] =	vst v63  }
0x3a: {  	s17 =	sor.u32 $0x20, s2;
	_ =	swait.ge [sflag:s13], $0x4000  }
0x3b: {  	s18 =	sshll.u32 s17, $0x4;
	[sflag:s13] =	ssyncset.done $0x0  }
0x3c: {  	s29 =	sshll.u32 s17, $0xB;
	s14 =	sadd.s32 s18, s14;
	[sflag:s13] =	ssyncadd.s32 $0xFFFFC000  }
0x3d: {  	[tilespmem:s8], [sflag:$0x1] =	stream.linear.gather [hbm4b:s14+s8], $0x80, $0x38;
	[tilespmem:$0x1C100] =	vst v63  }
0x3e: {  	s30 =	sadd.s32 s7, s29;
	s7 =	simm.s32 $0x2  }
0x3f: {  	[tilespmem:s5], [sflag:$0x3] =	stream.linear.gather [hbm4b:s30+s8], $0x4000, $0x38;
	[tilespmem:$0x1C100] =	vst v63  }
0x40: {  	_ =	swait.ge [sflag:s7], $0x80  }
0x41: {  	[sflag:s7] =	ssyncset.done $0x0  }
.Ltmp1:
0x42: {  	s14 =	simm.s32 $0x4;
	[sflag:s7] =	ssyncadd.s32 $0xFFFFFF80;
	(pc) =	sbr.rel .LBB2_3-.Ltmp1, $4  }
0x43: {  	s31 =	sadd.s32 s16, s6;
	_ =	swait.ge [sflag:s14], $0x4000  }
0x44: {  	s16 =	simm.s32 $0x6;
	s17 =	simm.s32 $0x0;
	[sflag:s14] =	ssyncset.done $0x0  }
0x45: {  	s6 =	sadd.s32 $0x2A10, s31;
	s15 =	sadd.s32 $0x18000, s15;
	[sflag:s14] =	ssyncadd.s32 $0xFFFFC000  }
0x46: {  	[spmem:s3] =	stream.indirect.scatter.add.f32 [tilespmem:s10], [sflag:$0x6], $0x80, s9, s9, $0xb8;
	[tilespmem:$0x1C100] =	vst v63  }
.LBB2_4:
0x47: {  	s18 =	sadd.s32 $0x100, s6  }
0x48: {  	[tilespmem:s8], [sflag:$0x1] =	stream.linear.gather [hbm4b:s18+s8], $0x80, $0x38;
	[tilespmem:$0x1C100] =	vst v63  }
0x49: {  	s31 =	sadd.s32 $0x8000, s15  }
0x4a: {  	[tilespmem:s5], [sflag:$0x3] =	stream.linear.gather [hbm4b:s31+s8], $0x4000, $0x38;
	[tilespmem:$0x1C100] =	vst v63  }
.LBB2_6:
0x4b: {  	_ =	swait.ge [sflag:s7], $0x80  }
0x4c: {  	[sflag:s7] =	ssyncset.done $0x0  }
0x4d: {  	[sflag:s7] =	ssyncadd.s32 $0xFFFFFF80  }
0x4e: {  	_ =	swait.ge [sflag:s14], $0x4000  }
0x4f: {  	[sflag:s14] =	ssyncset.done $0x0  }
0x50: {  	[sflag:s14] =	ssyncadd.s32 $0xFFFFC000  }
0x51: {  	[spmem:s3] =	stream.indirect.scatter.add.f32 [tilespmem:s10], [sflag:$0x6], $0x80, s9, s9, $0xb8;
	[tilespmem:$0x1C100] =	vst v63  }
.LBB2_7:
0x52: {  	s17 =	sadd.s32 $0x20, s17  }
0x53: {  	p0 =	sne.s32 s17, $0x260  }
.Ltmp2:
0x54: {  	_ = 	snop;
	(pc) =	sbr.rel @!p0 .LBB2_8-.Ltmp2, $2  }
0x55: {  	_ =	sdelay $0x2  }
0x56: {  	s15 =	sadd.s32 $0x10000, s15;
	s6 =	sadd.s32 $0x200, s6  }
.LBB2_3:
0x57: {  	s18 =	sadd.s32 s17, s2  }
0x58: {  	_ =	swait.ge [sflag:s16], $0x4000;
	s19 =	sadd.s32 $0x30, s18  }
0x59: {  	[sflag:s16] =	ssyncset.done $0x0;
	p0 =	sgt.u32 s19, $0x270  }
0x5a: {  	[sflag:s16] =	ssyncadd.s32 $0xFFFFC000;
	s19 =	simm.s32 @!p0 $0x0;
	s20 =	simm.s32 @!p0 $0x80  }
0x5b: {  	[tilespmem:s20], [sflag:$0x2] =	stream.linear.gather @!p0 [hbm4b:s6+s19], $0x80, $0x38;
	[tilespmem:$0x1C100] =	vst v63  }
0x5c: {  	s20 =	simm.s32 @!p0 $0x4100  }
0x5d: {  	[tilespmem:s20], [sflag:$0x4] =	stream.linear.gather @!p0 [hbm4b:s15+s19], $0x4000, $0x38;
	[tilespmem:$0x1C100] =	vst v63  }
0x5e: {  	_ =	swait.ge [sflag:s11], $0x80  }
0x5f: {  	[sflag:s11] =	ssyncset.done $0x0  }
0x60: {  	s18 =	sadd.s32 $0x40, s18;
	[sflag:s11] =	ssyncadd.s32 $0xFFFFFF80  }
0x61: {  	p1 =	sgt.u32 @!p0 s18, $0x270;
	_ =	swait.ge [sflag:s12], $0x4000  }
0x62: {  	p1 =	por p0, p1;
	[sflag:s12] =	ssyncset.done $0x0  }
.Ltmp3:
0x63: {  	[sflag:s12] =	ssyncadd.s32 $0xFFFFC000;
	(pc) =	sbr.rel @!p1 .LBB2_4-.Ltmp3, $4  }
0x64: {  	[spmem:s3] =	stream.indirect.scatter.add.f32 [tilespmem:s5], [sflag:$0x5], $0x80, s8, s9, $0xb8;
	[tilespmem:$0x1C100] =	vst v63  }
0x65: {  	_ =	swait.ge [sflag:s13], $0x4000  }
0x66: {  	[sflag:s13] =	ssyncset.done $0x0  }
0x67: {  	[sflag:s13] =	ssyncadd.s32 $0xFFFFC000  }
.Ltmp4:
0x68: {  	(pc) =	sbr.rel @p0 .LBB2_7-.Ltmp4, $4  }
.Ltmp5:
0x69: {  	(pc) =	sbr.rel @!p0 .LBB2_6-.Ltmp5, $4  }
0x6a: {  	_ = 	snop  }
0x6b: {  	_ = 	snop  }
0x6c: {  	_ = 	snop  }
0x6d: {  	_ = 	snop  }
.LBB2_8:
0x6e: {  	p0 =	sne.s32 s2, $0x0  }
0x6f: {  	s3 =	simm.s32 @!p0 $0x6  }
0x70: {  	_ =	swait.ge @!p0 [sflag:s3], $0x4000  }
0x71: {  	s5 =	smul.u32 $0x2800, s2;
	s29 =	sshll.u32 s2, $0x6;
	[sflag:s3] =	ssyncset.done @!p0 $0x0  }
0x72: {  	s30 =	sshrl.u32 s4, $0x3;
	s31 =	simm.s32 $0x7;
	[sflag:s3] =	ssyncadd.s32 @!p0 $0xFFFFC000  }
0x73: {  	s2 =	sor.u32 $0x1C07, s29;
	s1 =	sadd.s32 s1, s5;
	[bflag:$0x0] =	sbarrier.arrive $0xFFFF  }
0x74: {  	[hbm:s1], [sflag:s2] =	dma.local [spmem:s30], $0x2800  }
0x75: {  	_ =	swait.ge [sflag:s31], $0x2800  }
0x76: {  	[sflag:s31] =	ssyncset.done $0x0  }
0x77: {  	[sflag:s31] =	ssyncadd.s32 $0xFFFFD800  }
0x78: {  	_ =	sfence.sel $0x180000  }
0x79: {  	[bflag:$0x0] =	sbarrier.arrive $0xFFFF  }
0x7a: {  	_ =	strace $0x9000004D  }
0x7b: {  	s0 =	sadd.s32 @!p0 $0x100000, s0;
	[bflag:$0x2] =	sbarrier.arrive $0xFFFF  }
0x7c: {  	[sflag:s0] =	ssyncadd.tile.s32 @!p0 $0x1;
	_ =	shalt  }
.Lfunc_end2:
_tile_overlayer_lowered:
.L_overlay_start_2:
0x7d: {  	(tag) =	ssettag $0x2  }
0x7e: {  	s0 =	rddreg [dreg:$0x0];
	s2 =	stileid.u32  }
0x7f: {  	s1 =	rddreg [dreg:$0x1];
	p0 =	sne.s32 s2, $0x0  }
0x80: {  	s3 =	rddreg [dreg:$0x2];
	[bflag:$0x3] =	sbarrier.arrive $0xFFFF;
	s2 =	simm.s32 @!p0 $0x1C07  }
0x81: {  	[timem:s3], [sflag:s2] =	dma.local @!p0 [hbm:s0], s1  }
0x82: {  	s0 =	simm.s32 @!p0 $0x7  }
0x83: {  	_ =	swait.ge @!p0 [sflag:s0], s1  }
0x84: {  	s1 =	ssub.s32 @!p0 $0x0, s1;
	[sflag:s0] =	ssyncset.done @!p0 $0x0  }
0x85: {  	[sflag:s0] =	ssyncadd.s32 @!p0 s1  }
0x86: {  	[bflag:$0x3] =	sbarrier.arrive $0xFFFF  }
0x87: {  	_ =	shalt  }

</sc_bundles>
